<compile_context>
chip_gen: v7x
topology: tpu7x:2x2x1
jax: 0.10.2.dev20260603
libtpu: 0.0.44.dev20260713+nightly
codegen_flags: <defaults>
</compile_context>

<pallas_src>
import jax
import jax.numpy as jnp
from jax import lax
from jax.experimental import pallas as pl
from jax.experimental.pallas import tpu as pltpu
from jax.experimental.pallas import tpu_sc as plsc

N_NODES = 10000
N_EDGES = 160000
D_IN = 256
D_HID = 256
N_CLASSES = 16
N_GRAPHS = 64

NC = 2
NT = 16
CH = 128
N_PAD = 10240
E_PAD = 163840
MSG_CHUNKS = E_PAD // NT // CH
HCH = MSG_CHUNKS // 2
DEG_CHUNKS = E_PAD // (NC * NT) // CH
ROWS_PER_TILE = N_PAD // NT
RB = 512
N_BLOCKS = N_PAD // RB

_mesh = plsc.VectorSubcoreMesh(core_axis_name="c", subcore_axis_name="s")



def _deg_body(dst_hbm, out_hbm, dst_v, buf, sem, acc):
    c = lax.axis_index("c")
    s = lax.axis_index("s")
    w = c * NT + s

    def zfill(i, carry):
        for k in range(CH // 16):
            buf[i, pl.ds(k * 16, 16)] = jnp.zeros((16,), jnp.float32)
        return carry

    lax.fori_loop(0, CH, zfill, 0)
    for k in range(ROWS_PER_TILE // CH):
        pltpu.sync_copy(buf, acc.at[pl.ds(s * ROWS_PER_TILE + k * CH, CH)])

    def ofill(i, carry):
        for k in range(CH // 16):
            buf[i, pl.ds(k * 16, 16)] = jnp.ones((16,), jnp.float32)
        return carry

    lax.fori_loop(0, CH, ofill, 0)
    pltpu.sync_copy(dst_hbm.at[w], dst_v)
    plsc.subcore_barrier()

    def scat(j, carry):
        pltpu.async_copy(buf, acc.at[dst_v.at[j]], sem, add=True)
        return carry

    lax.fori_loop(0, DEG_CHUNKS, scat, 0)

    def drain(j, carry):
        pltpu.make_async_copy(buf, acc.at[dst_v.at[0]], sem).wait()
        return carry

    lax.fori_loop(0, DEG_CHUNKS, drain, 0)
    plsc.subcore_barrier()
    for k in range(ROWS_PER_TILE // CH):
        r = s * ROWS_PER_TILE + k * CH
        pltpu.sync_copy(acc.at[pl.ds(r, CH)], out_hbm.at[c, pl.ds(r, CH)])


_deg_call = pl.kernel(
    _deg_body,
    out_type=jax.ShapeDtypeStruct((NC, N_PAD, CH), jnp.float32),
    mesh=_mesh,
    scratch_types=[
        pltpu.VMEM((DEG_CHUNKS, CH), jnp.int32),
        pltpu.VMEM((CH, CH), jnp.float32),
        pltpu.SemaphoreType.DMA,
        pltpu.VMEM_SHARED((N_PAD, CH), jnp.float32),
    ],
)


def _msg_body(z_hbm, src_hbm, dst_hbm, out_hbm,
              src_v, dst_v, buf0, buf1, sem0, sem1, acc):
    c = lax.axis_index("c")
    s = lax.axis_index("s")
    base_off = c * N_PAD

    def zfill(i, carry):
        for k in range(CH // 16):
            buf0[i, pl.ds(k * 16, 16)] = jnp.zeros((16,), jnp.float32)
        return carry

    lax.fori_loop(0, CH, zfill, 0)
    for k in range(ROWS_PER_TILE // CH):
        pltpu.sync_copy(buf0, acc.at[pl.ds(s * ROWS_PER_TILE + k * CH, CH)])
    plsc.subcore_barrier()

    for h in range(MSG_CHUNKS // HCH):
        pltpu.sync_copy(src_hbm.at[s, pl.ds(h * HCH, HCH)], src_v)
        pltpu.sync_copy(dst_hbm.at[s, pl.ds(h * HCH, HCH)], dst_v)

        def off(i, carry):
            for k in range(CH // 16):
                sl = pl.ds(k * 16, 16)
                src_v[i, sl] = src_v[i, sl] + base_off
            return carry

        lax.fori_loop(0, HCH, off, 0)

        pltpu.async_copy(z_hbm.at[src_v.at[0]], buf0, sem0)
        pltpu.async_copy(z_hbm.at[src_v.at[1]], buf1, sem1)

        def body(g, carry):
            j0 = 2 * g
            pltpu.make_async_copy(z_hbm.at[src_v.at[j0]], buf0, sem0).wait()
            pltpu.sync_copy(buf0, acc.at[dst_v.at[j0]], add=True)

            @pl.when(j0 + 2 < HCH)
            def _():
                pltpu.async_copy(z_hbm.at[src_v.at[j0 + 2]], buf0, sem0)

            j1 = j0 + 1
            pltpu.make_async_copy(z_hbm.at[src_v.at[j1]], buf1, sem1).wait()
            pltpu.sync_copy(buf1, acc.at[dst_v.at[j1]], add=True)

            @pl.when(j1 + 2 < HCH)
            def _():
                pltpu.async_copy(z_hbm.at[src_v.at[j1 + 2]], buf1, sem1)

            return carry

        lax.fori_loop(0, HCH // 2, body, 0)
    plsc.subcore_barrier()
    for k in range(ROWS_PER_TILE // CH):
        r = s * ROWS_PER_TILE + k * CH
        pltpu.sync_copy(acc.at[pl.ds(r, CH)],
                        out_hbm.at[pl.ds(base_off + r, CH)])


_msg_call = pl.kernel(
    _msg_body,
    out_type=jax.ShapeDtypeStruct((NC * N_PAD, 128), jnp.float32),
    mesh=_mesh,
    scratch_types=[
        pltpu.VMEM((HCH, CH), jnp.int32),
        pltpu.VMEM((HCH, CH), jnp.int32),
        pltpu.VMEM((CH, 128), jnp.float32),
        pltpu.VMEM((CH, 128), jnp.float32),
        pltpu.SemaphoreType.DMA,
        pltpu.SemaphoreType.DMA,
        pltpu.VMEM_SHARED((N_PAD, 128), jnp.float32),
    ],
)



def _dinv(dp_ref):
    deg = dp_ref[0, :, 0:1] + dp_ref[1, :, 0:1] + 1.0
    return lax.rsqrt(deg)


def _zw_body(x_ref, w_ref, dp_ref, o_ref):
    z = jnp.dot(x_ref[...], w_ref[...],
                preferred_element_type=jnp.float32) * _dinv(dp_ref)
    o_ref[0] = z[:, :128]
    o_ref[1] = z[:, 128:]


_zw_call = pl.pallas_call(
    _zw_body,
    grid=(N_BLOCKS,),
    in_specs=[
        pl.BlockSpec((RB, D_IN), lambda i: (i, 0)),
        pl.BlockSpec((D_IN, D_HID), lambda i: (0, 0)),
        pl.BlockSpec((NC, RB, CH), lambda i: (0, i, 0)),
    ],
    out_specs=pl.BlockSpec((NC, RB, 128), lambda i: (0, i, 0)),
    out_shape=jax.ShapeDtypeStruct((NC, N_PAD, 128), jnp.float32),
)


def _h_body(s_ref, z_ref, dp_ref, b_ref, w_ref, o_ref):
    dinv = _dinv(dp_ref)
    t = jnp.concatenate([s_ref[0] + z_ref[0], s_ref[1] + z_ref[1]], axis=1)
    h = jnp.maximum(t * dinv + b_ref[...], 0.0)
    z2 = jnp.dot(h, w_ref[...], preferred_element_type=jnp.float32) * dinv
    o_ref[0] = z2[:, :128]
    o_ref[1] = z2[:, 128:]


_h_call = pl.pallas_call(
    _h_body,
    grid=(N_BLOCKS,),
    in_specs=[
        pl.BlockSpec((NC, RB, 128), lambda i: (0, i, 0)),
        pl.BlockSpec((NC, RB, 128), lambda i: (0, i, 0)),
        pl.BlockSpec((NC, RB, CH), lambda i: (0, i, 0)),
        pl.BlockSpec((1, D_HID), lambda i: (0, 0)),
        pl.BlockSpec((D_HID, D_HID), lambda i: (0, 0)),
    ],
    out_specs=pl.BlockSpec((NC, RB, 128), lambda i: (0, i, 0)),
    out_shape=jax.ShapeDtypeStruct((NC, N_PAD, 128), jnp.float32),
)


def _fin_body(s_ref, z_ref, dp_ref, b_ref, batch_ref, wfc_ref, bfc_ref,
              o_ref, acc_ref):
    i = pl.program_id(0)
    dinv = _dinv(dp_ref)
    t = jnp.concatenate([s_ref[0] + z_ref[0], s_ref[1] + z_ref[1]], axis=1)
    h = jnp.maximum(t * dinv + b_ref[...], 0.0)
    hb = jnp.concatenate([h, jnp.ones((RB, 128), jnp.float32)], axis=1)
    gi = lax.broadcasted_iota(jnp.int32, (N_GRAPHS, RB), 0)
    onehot = (batch_ref[...] == gi).astype(jnp.float32)

    @pl.when(i == 0)
    def _():
        acc_ref[...] = jnp.zeros_like(acc_ref)

    acc_ref[...] += jnp.dot(onehot, hb, preferred_element_type=jnp.float32)

    @pl.when(i == N_BLOCKS - 1)
    def _():
        cnt = jnp.maximum(acc_ref[:, D_HID:D_HID + 1], 1.0)
        pooled = acc_ref[:, :D_HID] / cnt
        o_ref[...] = jnp.dot(pooled, wfc_ref[...],
                             preferred_element_type=jnp.float32) + bfc_ref[...]


_fin_call = pl.pallas_call(
    _fin_body,
    grid=(N_BLOCKS,),
    in_specs=[
        pl.BlockSpec((NC, RB, 128), lambda i: (0, i, 0)),
        pl.BlockSpec((NC, RB, 128), lambda i: (0, i, 0)),
        pl.BlockSpec((NC, RB, CH), lambda i: (0, i, 0)),
        pl.BlockSpec((1, D_HID), lambda i: (0, 0)),
        pl.BlockSpec((1, RB), lambda i: (0, i)),
        pl.BlockSpec((D_HID, N_CLASSES), lambda i: (0, 0)),
        pl.BlockSpec((1, N_CLASSES), lambda i: (0, 0)),
    ],
    out_specs=pl.BlockSpec((N_GRAPHS, N_CLASSES), lambda i: (0, 0)),
    out_shape=jax.ShapeDtypeStruct((N_GRAPHS, N_CLASSES), jnp.float32),
    scratch_shapes=[pltpu.VMEM((N_GRAPHS, D_HID + 128), jnp.float32)],
)



def kernel(x, edge_index, batch, W1, b1, W2, b2, Wfc, bfc):
    src = edge_index[0].astype(jnp.int32)
    dst = edge_index[1].astype(jnp.int32)
    pad_e = E_PAD - N_EDGES
    src_p = jnp.concatenate([src, jnp.zeros((pad_e,), jnp.int32)])
    dst_p = jnp.concatenate([dst, jnp.full((pad_e,), N_NODES, jnp.int32)])
    src_tbl = src_p.reshape(NT, MSG_CHUNKS, CH)
    dst_tbl = dst_p.reshape(NT, MSG_CHUNKS, CH)
    dst_deg = dst_p.reshape(NC * NT, DEG_CHUNKS, CH)

    x_p = jnp.pad(x, ((0, N_PAD - N_NODES), (0, 0)))
    batch_p = jnp.pad(batch.astype(jnp.int32), (0, N_PAD - N_NODES),
                      constant_values=N_GRAPHS).reshape(1, N_PAD)
    b1r = b1.reshape(1, D_HID)
    b2r = b2.reshape(1, D_HID)
    bfcr = bfc.reshape(1, N_CLASSES)

    dp = _deg_call(dst_deg)
    z1 = _zw_call(x_p, W1, dp)
    S1 = _msg_call(z1.reshape(NC * N_PAD, 128), src_tbl, dst_tbl)
    z2 = _h_call(S1.reshape(NC, N_PAD, 128), z1, dp, b1r, W2)
    S2 = _msg_call(z2.reshape(NC * N_PAD, 128), src_tbl, dst_tbl)
    out = _fin_call(S2.reshape(NC, N_PAD, 128), z2, dp, b2r, batch_p,
                    Wfc, bfcr)
    return out

# --- scband reference (transcript-rebuilt; emitter-appended) ---
"""Pipeline reference for scband-situation-gcn-18021682774921 (READ-ONLY COPY).

The authoritative reference and input builder live on the scoring server;
editing this copy changes nothing except your own understanding.
"""

import jax, jax.numpy as jnp
import numpy as np

N_NODES = 10000
N_EDGES = 160000
D_IN = 256
D_HID = 256
N_CLASSES = 16
N_GRAPHS = 64


def gcn_conv(x, edge_index, W, b):
    N = x.shape[0]
    src = edge_index[0]
    dst = edge_index[1]
    loop = jnp.arange(N, dtype=edge_index.dtype)
    src = jnp.concatenate([src, loop])
    dst = jnp.concatenate([dst, loop])
    deg = jnp.zeros((N,), dtype=x.dtype).at[dst].add(1.0)
    dinv = 1.0 / jnp.sqrt(jnp.clip(deg, 1.0))
    xw = x @ W
    norm = (dinv[src] * dinv[dst])[:, None]
    msg = xw[src] * norm
    out = jnp.zeros_like(xw).at[dst].add(msg)
    return out + b


def global_mean_pool(x, batch, num_graphs):
    sums = jax.ops.segment_sum(x, batch, num_segments=num_graphs)
    counts = jax.ops.segment_sum(jnp.ones((x.shape[0],), dtype=x.dtype), batch, num_segments=num_graphs)
    return sums / jnp.clip(counts, 1.0)[:, None]


def setup_inputs(seed: int = 0) -> dict:
    key = jax.random.key(seed)
    k1, k2, k3, k4, k5, k6 = jax.random.split(key, 6)
    x = jax.random.normal(k1, (N_NODES, D_IN), dtype=jnp.float32)
    edge_index = jax.random.randint(k2, (2, N_EDGES), 0, N_NODES, dtype=jnp.int64) if jax.config.jax_enable_x64 else jax.random.randint(k2, (2, N_EDGES), 0, N_NODES).astype(jnp.int32)
    batch = jnp.sort(jax.random.randint(k3, (N_NODES,), 0, N_GRAPHS)).astype(jnp.int32)
    s1 = 1.0 / np.sqrt(D_IN)
    s2 = 1.0 / np.sqrt(D_HID)
    W1 = jax.random.uniform(k4, (D_IN, D_HID), jnp.float32, -s1, s1)
    b1 = jnp.zeros((D_HID,), jnp.float32)
    W2 = jax.random.uniform(k5, (D_HID, D_HID), jnp.float32, -s2, s2)
    b2 = jnp.zeros((D_HID,), jnp.float32)
    Wfc = jax.random.uniform(k6, (D_HID, N_CLASSES), jnp.float32, -s2, s2)
    bfc = jnp.zeros((N_CLASSES,), jnp.float32)
    return {"x": x, "edge_index": edge_index, "batch": batch, "W1": W1, "b1": b1, "W2": W2, "b2": b2, "Wfc": Wfc, "bfc": bfc}


def reference(x, edge_index, batch, W1, b1, W2, b2, Wfc, bfc):
    h = gcn_conv(x, edge_index, W1, b1)
    h = jax.nn.relu(h)
    h = gcn_conv(h, edge_index, W2, b2)
    h = jax.nn.relu(h)
    pooled = global_mean_pool(h, batch, N_GRAPHS)
    out = pooled @ Wfc + bfc
    return out

if __name__ == "__main__":
    import jax
    _d = setup_inputs()
    print(jax.jit(kernel)(*tuple(_d.values())))

</pallas_src>

<mosaic_0001>
#map = affine_map<(d0, d1) -> (0, 0, 0)>
module attributes {stable_mosaic.version = 14 : i64} {
  func.func @_deg_body(%arg0: i32, %arg1: i32, %arg2: memref<32x40x128xi32, #tpu.memory_space<hbm>>, %arg3: memref<2x10240x128xf32, #tpu.memory_space<hbm>>, %arg4: memref<40x128xi32, #tpu.memory_space<vmem>>, %arg5: memref<128x128xf32, #tpu.memory_space<vmem>>, %arg6: memref<!tpu.dma_semaphore, #tpu.memory_space<semaphore_mem>>, %arg7: memref<10240x128xf32, #tpu.memory_space<vmem_shared>>) attributes {dimension_semantics = [#tpu.dimension_semantics<core_parallel>, #tpu.dimension_semantics<subcore_parallel>], iteration_bounds = array<i64: 2, 16>, scalar_prefetch = 0 : i64, scratch_operands = 4 : i64, tpu.core_type = #tpu.core_type<sc_vector_subcore>, window_params = [{transform_indices = #map}, {transform_indices = #map}]} {
    %mul3A = arith.constant 16 : i32
    %mul3A_0 = arith.muli %arg0, %mul3A : i32
    %add3A = arith.addi %mul3A_0, %arg1 : i32
    %scan3A = arith.constant 0 : i32
    %scan3A_1 = arith.constant 0 : i32
    %scan3A_2 = arith.constant 128 : i32
    %scan3A_3 = arith.addi %scan3A_1, %scan3A_2 : i32
    %scan3A_4 = arith.constant 1 : i32
    scf.for %scan3A_65 = %scan3A_1 to %scan3A_3 step %scan3A_4  : i32 {
      %broadcast_in_dim3A = arith.constant 0.000000e+00 : f32
      %broadcast_in_dim3A_66 = vector.broadcast %broadcast_in_dim3A : f32 to vector<16xf32>
      %swap3A = arith.index_cast %scan3A_65 : i32 to index
      %swap3A_67 = arith.constant 0 : index
      %swap3A_68 = tpu.vector_load %arg5[%swap3A, %swap3A_67] {strides = array<i32>} : memref<128x128xf32, #tpu.memory_space<vmem>>, vector<1x16xf32>,
      %swap3A_69 = vector.shape_cast %swap3A_68 : vector<1x16xf32> to vector<16xf32>
      %swap3A_70 = vector.shape_cast %broadcast_in_dim3A_66 : vector<16xf32> to vector<1x16xf32>
      tpu.vector_store %arg5[%swap3A, %swap3A_67], %swap3A_70 {strides = array<i32>} : memref<128x128xf32, #tpu.memory_space<vmem>>, vector<1x16xf32>,
      %broadcast_in_dim3A_71 = arith.constant 0.000000e+00 : f32
      %broadcast_in_dim3A_72 = vector.broadcast %broadcast_in_dim3A_71 : f32 to vector<16xf32>
      %swap3A_73 = arith.index_cast %scan3A_65 : i32 to index
      %swap3A_74 = arith.constant 16 : index
      %swap3A_75 = tpu.vector_load %arg5[%swap3A_73, %swap3A_74] {strides = array<i32>} : memref<128x128xf32, #tpu.memory_space<vmem>>, vector<1x16xf32>,
      %swap3A_76 = vector.shape_cast %swap3A_75 : vector<1x16xf32> to vector<16xf32>
      %swap3A_77 = vector.shape_cast %broadcast_in_dim3A_72 : vector<16xf32> to vector<1x16xf32>
      tpu.vector_store %arg5[%swap3A_73, %swap3A_74], %swap3A_77 {strides = array<i32>} : memref<128x128xf32, #tpu.memory_space<vmem>>, vector<1x16xf32>,
      %broadcast_in_dim3A_78 = arith.constant 0.000000e+00 : f32
      %broadcast_in_dim3A_79 = vector.broadcast %broadcast_in_dim3A_78 : f32 to vector<16xf32>
      %swap3A_80 = arith.index_cast %scan3A_65 : i32 to index
      %swap3A_81 = arith.constant 32 : index
      %swap3A_82 = tpu.vector_load %arg5[%swap3A_80, %swap3A_81] {strides = array<i32>} : memref<128x128xf32, #tpu.memory_space<vmem>>, vector<1x16xf32>,
      %swap3A_83 = vector.shape_cast %swap3A_82 : vector<1x16xf32> to vector<16xf32>
      %swap3A_84 = vector.shape_cast %broadcast_in_dim3A_79 : vector<16xf32> to vector<1x16xf32>
      tpu.vector_store %arg5[%swap3A_80, %swap3A_81], %swap3A_84 {strides = array<i32>} : memref<128x128xf32, #tpu.memory_space<vmem>>, vector<1x16xf32>,
      %broadcast_in_dim3A_85 = arith.constant 0.000000e+00 : f32
      %broadcast_in_dim3A_86 = vector.broadcast %broadcast_in_dim3A_85 : f32 to vector<16xf32>
      %swap3A_87 = arith.index_cast %scan3A_65 : i32 to index
      %swap3A_88 = arith.constant 48 : index
      %swap3A_89 = tpu.vector_load %arg5[%swap3A_87, %swap3A_88] {strides = array<i32>} : memref<128x128xf32, #tpu.memory_space<vmem>>, vector<1x16xf32>,
      %swap3A_90 = vector.shape_cast %swap3A_89 : vector<1x16xf32> to vector<16xf32>
      %swap3A_91 = vector.shape_cast %broadcast_in_dim3A_86 : vector<16xf32> to vector<1x16xf32>
      tpu.vector_store %arg5[%swap3A_87, %swap3A_88], %swap3A_91 {strides = array<i32>} : memref<128x128xf32, #tpu.memory_space<vmem>>, vector<1x16xf32>,
      %broadcast_in_dim3A_92 = arith.constant 0.000000e+00 : f32
      %broadcast_in_dim3A_93 = vector.broadcast %broadcast_in_dim3A_92 : f32 to vector<16xf32>
      %swap3A_94 = arith.index_cast %scan3A_65 : i32 to index
      %swap3A_95 = arith.constant 64 : index
      %swap3A_96 = tpu.vector_load %arg5[%swap3A_94, %swap3A_95] {strides = array<i32>} : memref<128x128xf32, #tpu.memory_space<vmem>>, vector<1x16xf32>,
      %swap3A_97 = vector.shape_cast %swap3A_96 : vector<1x16xf32> to vector<16xf32>
      %swap3A_98 = vector.shape_cast %broadcast_in_dim3A_93 : vector<16xf32> to vector<1x16xf32>
      tpu.vector_store %arg5[%swap3A_94, %swap3A_95], %swap3A_98 {strides = array<i32>} : memref<128x128xf32, #tpu.memory_space<vmem>>, vector<1x16xf32>,
      %broadcast_in_dim3A_99 = arith.constant 0.000000e+00 : f32
      %broadcast_in_dim3A_100 = vector.broadcast %broadcast_in_dim3A_99 : f32 to vector<16xf32>
      %swap3A_101 = arith.index_cast %scan3A_65 : i32 to index
      %swap3A_102 = arith.constant 80 : index
      %swap3A_103 = tpu.vector_load %arg5[%swap3A_101, %swap3A_102] {strides = array<i32>} : memref<128x128xf32, #tpu.memory_space<vmem>>, vector<1x16xf32>,
      %swap3A_104 = vector.shape_cast %swap3A_103 : vector<1x16xf32> to vector<16xf32>
      %swap3A_105 = vector.shape_cast %broadcast_in_dim3A_100 : vector<16xf32> to vector<1x16xf32>
      tpu.vector_store %arg5[%swap3A_101, %swap3A_102], %swap3A_105 {strides = array<i32>} : memref<128x128xf32, #tpu.memory_space<vmem>>, vector<1x16xf32>,
      %broadcast_in_dim3A_106 = arith.constant 0.000000e+00 : f32
      %broadcast_in_dim3A_107 = vector.broadcast %broadcast_in_dim3A_106 : f32 to vector<16xf32>
      %swap3A_108 = arith.index_cast %scan3A_65 : i32 to index
      %swap3A_109 = arith.constant 96 : index
      %swap3A_110 = tpu.vector_load %arg5[%swap3A_108, %swap3A_109] {strides = array<i32>} : memref<128x128xf32, #tpu.memory_space<vmem>>, vector<1x16xf32>,
      %swap3A_111 = vector.shape_cast %swap3A_110 : vector<1x16xf32> to vector<16xf32>
      %swap3A_112 = vector.shape_cast %broadcast_in_dim3A_107 : vector<16xf32> to vector<1x16xf32>
      tpu.vector_store %arg5[%swap3A_108, %swap3A_109], %swap3A_112 {strides = array<i32>} : memref<128x128xf32, #tpu.memory_space<vmem>>, vector<1x16xf32>,
      %broadcast_in_dim3A_113 = arith.constant 0.000000e+00 : f32
      %broadcast_in_dim3A_114 = vector.broadcast %broadcast_in_dim3A_113 : f32 to vector<16xf32>
      %swap3A_115 = arith.index_cast %scan3A_65 : i32 to index
      %swap3A_116 = arith.constant 112 : index
      %swap3A_117 = tpu.vector_load %arg5[%swap3A_115, %swap3A_116] {strides = array<i32>} : memref<128x128xf32, #tpu.memory_space<vmem>>, vector<1x16xf32>,
      %swap3A_118 = vector.shape_cast %swap3A_117 : vector<1x16xf32> to vector<16xf32>
      %swap3A_119 = vector.shape_cast %broadcast_in_dim3A_114 : vector<16xf32> to vector<1x16xf32>
      tpu.vector_store %arg5[%swap3A_115, %swap3A_116], %swap3A_119 {strides = array<i32>} : memref<128x128xf32, #tpu.memory_space<vmem>>, vector<1x16xf32>,
    }
    %scan3A_5 = arith.constant 128 : i32
    %mul3A_6 = arith.constant 640 : i32
    %mul3A_7 = arith.muli %arg1, %mul3A_6 : i32
    %add3A_8 = arith.constant 0 : i32
    %add3A_9 = arith.addi %mul3A_7, %add3A_8 : i32
    "tpu.region"() ({
      %run_scoped3A = tpu.sem_alloc : memref<!tpu.dma_semaphore, #tpu.memory_space<semaphore_mem>>
      %dma_start3A = arith.constant 0 : i32
      %dma_start3A_65 = tpu.memref_slice %arg7[%add3A_9, %dma_start3A] : memref<10240x128xf32, #tpu.memory_space<vmem_shared>> -> memref<128x128xf32, #tpu.memory_space<vmem_shared>>
      %dma_start3A_66 = arith.constant 0 : i32
      %dma_start3A_67 = tpu.memref_slice %arg7[%add3A_9, %dma_start3A_66] : memref<10240x128xf32, #tpu.memory_space<vmem_shared>> -> memref<128x128xf32, #tpu.memory_space<vmem_shared>>
      tpu.enqueue_dma source(%arg5 : memref<128x128xf32, #tpu.memory_space<vmem>>) target(%dma_start3A_67 : memref<128x128xf32, #tpu.memory_space<vmem_shared>>) target_semaphore(%run_scoped3A : memref<!tpu.dma_semaphore, #tpu.memory_space<semaphore_mem>>)
      %dma_wait3A = arith.constant 0 : i32
      %dma_wait3A_68 = tpu.memref_slice %arg7[%add3A_9, %dma_wait3A] : memref<10240x128xf32, #tpu.memory_space<vmem_shared>> -> memref<128x128xf32, #tpu.memory_space<vmem_shared>>
      %dma_wait3A_69 = arith.constant 0 : i32
      %dma_wait3A_70 = tpu.memref_slice %arg7[%add3A_9, %dma_wait3A_69] : memref<10240x128xf32, #tpu.memory_space<vmem_shared>> -> memref<128x128xf32, #tpu.memory_space<vmem_shared>>
      tpu.wait_dma2 semaphore(%run_scoped3A : memref<!tpu.dma_semaphore, #tpu.memory_space<semaphore_mem>>) src(%arg5 : memref<128x128xf32, #tpu.memory_space<vmem>>) dst(%dma_wait3A_70 : memref<128x128xf32, #tpu.memory_space<vmem_shared>>)
      tpu.yield
    }) : () -> ()
    %mul3A_10 = arith.constant 640 : i32
    %mul3A_11 = arith.muli %arg1, %mul3A_10 : i32
    %add3A_12 = arith.constant 128 : i32
    %add3A_13 = arith.addi %mul3A_11, %add3A_12 : i32
    "tpu.region"() ({
      %run_scoped3A = tpu.sem_alloc : memref<!tpu.dma_semaphore, #tpu.memory_space<semaphore_mem>>
      %dma_start3A = arith.constant 0 : i32
      %dma_start3A_65 = tpu.memref_slice %arg7[%add3A_13, %dma_start3A] : memref<10240x128xf32, #tpu.memory_space<vmem_shared>> -> memref<128x128xf32, #tpu.memory_space<vmem_shared>>
      %dma_start3A_66 = arith.constant 0 : i32
      %dma_start3A_67 = tpu.memref_slice %arg7[%add3A_13, %dma_start3A_66] : memref<10240x128xf32, #tpu.memory_space<vmem_shared>> -> memref<128x128xf32, #tpu.memory_space<vmem_shared>>
      tpu.enqueue_dma source(%arg5 : memref<128x128xf32, #tpu.memory_space<vmem>>) target(%dma_start3A_67 : memref<128x128xf32, #tpu.memory_space<vmem_shared>>) target_semaphore(%run_scoped3A : memref<!tpu.dma_semaphore, #tpu.memory_space<semaphore_mem>>)
      %dma_wait3A = arith.constant 0 : i32
      %dma_wait3A_68 = tpu.memref_slice %arg7[%add3A_13, %dma_wait3A] : memref<10240x128xf32, #tpu.memory_space<vmem_shared>> -> memref<128x128xf32, #tpu.memory_space<vmem_shared>>
      %dma_wait3A_69 = arith.constant 0 : i32
      %dma_wait3A_70 = tpu.memref_slice %arg7[%add3A_13, %dma_wait3A_69] : memref<10240x128xf32, #tpu.memory_space<vmem_shared>> -> memref<128x128xf32, #tpu.memory_space<vmem_shared>>
      tpu.wait_dma2 semaphore(%run_scoped3A : memref<!tpu.dma_semaphore, #tpu.memory_space<semaphore_mem>>) src(%arg5 : memref<128x128xf32, #tpu.memory_space<vmem>>) dst(%dma_wait3A_70 : memref<128x128xf32, #tpu.memory_space<vmem_shared>>)
      tpu.yield
    }) : () -> ()
    %mul3A_14 = arith.constant 640 : i32
    %mul3A_15 = arith.muli %arg1, %mul3A_14 : i32
    %add3A_16 = arith.constant 256 : i32
    %add3A_17 = arith.addi %mul3A_15, %add3A_16 : i32
    "tpu.region"() ({
      %run_scoped3A = tpu.sem_alloc : memref<!tpu.dma_semaphore, #tpu.memory_space<semaphore_mem>>
      %dma_start3A = arith.constant 0 : i32
      %dma_start3A_65 = tpu.memref_slice %arg7[%add3A_17, %dma_start3A] : memref<10240x128xf32, #tpu.memory_space<vmem_shared>> -> memref<128x128xf32, #tpu.memory_space<vmem_shared>>
      %dma_start3A_66 = arith.constant 0 : i32
      %dma_start3A_67 = tpu.memref_slice %arg7[%add3A_17, %dma_start3A_66] : memref<10240x128xf32, #tpu.memory_space<vmem_shared>> -> memref<128x128xf32, #tpu.memory_space<vmem_shared>>
      tpu.enqueue_dma source(%arg5 : memref<128x128xf32, #tpu.memory_space<vmem>>) target(%dma_start3A_67 : memref<128x128xf32, #tpu.memory_space<vmem_shared>>) target_semaphore(%run_scoped3A : memref<!tpu.dma_semaphore, #tpu.memory_space<semaphore_mem>>)
      %dma_wait3A = arith.constant 0 : i32
      %dma_wait3A_68 = tpu.memref_slice %arg7[%add3A_17, %dma_wait3A] : memref<10240x128xf32, #tpu.memory_space<vmem_shared>> -> memref<128x128xf32, #tpu.memory_space<vmem_shared>>
      %dma_wait3A_69 = arith.constant 0 : i32
      %dma_wait3A_70 = tpu.memref_slice %arg7[%add3A_17, %dma_wait3A_69] : memref<10240x128xf32, #tpu.memory_space<vmem_shared>> -> memref<128x128xf32, #tpu.memory_space<vmem_shared>>
      tpu.wait_dma2 semaphore(%run_scoped3A : memref<!tpu.dma_semaphore, #tpu.memory_space<semaphore_mem>>) src(%arg5 : memref<128x128xf32, #tpu.memory_space<vmem>>) dst(%dma_wait3A_70 : memref<128x128xf32, #tpu.memory_space<vmem_shared>>)
      tpu.yield
    }) : () -> ()
    %mul3A_18 = arith.constant 640 : i32
    %mul3A_19 = arith.muli %arg1, %mul3A_18 : i32
    %add3A_20 = arith.constant 384 : i32
    %add3A_21 = arith.addi %mul3A_19, %add3A_20 : i32
    "tpu.region"() ({
      %run_scoped3A = tpu.sem_alloc : memref<!tpu.dma_semaphore, #tpu.memory_space<semaphore_mem>>
      %dma_start3A = arith.constant 0 : i32
      %dma_start3A_65 = tpu.memref_slice %arg7[%add3A_21, %dma_start3A] : memref<10240x128xf32, #tpu.memory_space<vmem_shared>> -> memref<128x128xf32, #tpu.memory_space<vmem_shared>>
      %dma_start3A_66 = arith.constant 0 : i32
      %dma_start3A_67 = tpu.memref_slice %arg7[%add3A_21, %dma_start3A_66] : memref<10240x128xf32, #tpu.memory_space<vmem_shared>> -> memref<128x128xf32, #tpu.memory_space<vmem_shared>>
      tpu.enqueue_dma source(%arg5 : memref<128x128xf32, #tpu.memory_space<vmem>>) target(%dma_start3A_67 : memref<128x128xf32, #tpu.memory_space<vmem_shared>>) target_semaphore(%run_scoped3A : memref<!tpu.dma_semaphore, #tpu.memory_space<semaphore_mem>>)
      %dma_wait3A = arith.constant 0 : i32
      %dma_wait3A_68 = tpu.memref_slice %arg7[%add3A_21, %dma_wait3A] : memref<10240x128xf32, #tpu.memory_space<vmem_shared>> -> memref<128x128xf32, #tpu.memory_space<vmem_shared>>
      %dma_wait3A_69 = arith.constant 0 : i32
      %dma_wait3A_70 = tpu.memref_slice %arg7[%add3A_21, %dma_wait3A_69] : memref<10240x128xf32, #tpu.memory_space<vmem_shared>> -> memref<128x128xf32, #tpu.memory_space<vmem_shared>>
      tpu.wait_dma2 semaphore(%run_scoped3A : memref<!tpu.dma_semaphore, #tpu.memory_space<semaphore_mem>>) src(%arg5 : memref<128x128xf32, #tpu.memory_space<vmem>>) dst(%dma_wait3A_70 : memref<128x128xf32, #tpu.memory_space<vmem_shared>>)
      tpu.yield
    }) : () -> ()
    %mul3A_22 = arith.constant 640 : i32
    %mul3A_23 = arith.muli %arg1, %mul3A_22 : i32
    %add3A_24 = arith.constant 512 : i32
    %add3A_25 = arith.addi %mul3A_23, %add3A_24 : i32
    "tpu.region"() ({
      %run_scoped3A = tpu.sem_alloc : memref<!tpu.dma_semaphore, #tpu.memory_space<semaphore_mem>>
      %dma_start3A = arith.constant 0 : i32
      %dma_start3A_65 = tpu.memref_slice %arg7[%add3A_25, %dma_start3A] : memref<10240x128xf32, #tpu.memory_space<vmem_shared>> -> memref<128x128xf32, #tpu.memory_space<vmem_shared>>
      %dma_start3A_66 = arith.constant 0 : i32
      %dma_start3A_67 = tpu.memref_slice %arg7[%add3A_25, %dma_start3A_66] : memref<10240x128xf32, #tpu.memory_space<vmem_shared>> -> memref<128x128xf32, #tpu.memory_space<vmem_shared>>
      tpu.enqueue_dma source(%arg5 : memref<128x128xf32, #tpu.memory_space<vmem>>) target(%dma_start3A_67 : memref<128x128xf32, #tpu.memory_space<vmem_shared>>) target_semaphore(%run_scoped3A : memref<!tpu.dma_semaphore, #tpu.memory_space<semaphore_mem>>)
      %dma_wait3A = arith.constant 0 : i32
      %dma_wait3A_68 = tpu.memref_slice %arg7[%add3A_25, %dma_wait3A] : memref<10240x128xf32, #tpu.memory_space<vmem_shared>> -> memref<128x128xf32, #tpu.memory_space<vmem_shared>>
      %dma_wait3A_69 = arith.constant 0 : i32
      %dma_wait3A_70 = tpu.memref_slice %arg7[%add3A_25, %dma_wait3A_69] : memref<10240x128xf32, #tpu.memory_space<vmem_shared>> -> memref<128x128xf32, #tpu.memory_space<vmem_shared>>
      tpu.wait_dma2 semaphore(%run_scoped3A : memref<!tpu.dma_semaphore, #tpu.memory_space<semaphore_mem>>) src(%arg5 : memref<128x128xf32, #tpu.memory_space<vmem>>) dst(%dma_wait3A_70 : memref<128x128xf32, #tpu.memory_space<vmem_shared>>)
      tpu.yield
    }) : () -> ()
    %scan3A_26 = arith.constant 0 : i32
    %scan3A_27 = arith.constant 0 : i32
    %scan3A_28 = arith.constant 128 : i32
    %scan3A_29 = arith.addi %scan3A_27, %scan3A_28 : i32
    %scan3A_30 = arith.constant 1 : i32
    scf.for %scan3A_65 = %scan3A_27 to %scan3A_29 step %scan3A_30  : i32 {
      %broadcast_in_dim3A = arith.constant 1.000000e+00 : f32
      %broadcast_in_dim3A_66 = vector.broadcast %broadcast_in_dim3A : f32 to vector<16xf32>
      %swap3A = arith.index_cast %scan3A_65 : i32 to index
      %swap3A_67 = arith.constant 0 : index
      %swap3A_68 = tpu.vector_load %arg5[%swap3A, %swap3A_67] {strides = array<i32>} : memref<128x128xf32, #tpu.memory_space<vmem>>, vector<1x16xf32>,
      %swap3A_69 = vector.shape_cast %swap3A_68 : vector<1x16xf32> to vector<16xf32>
      %swap3A_70 = vector.shape_cast %broadcast_in_dim3A_66 : vector<16xf32> to vector<1x16xf32>
      tpu.vector_store %arg5[%swap3A, %swap3A_67], %swap3A_70 {strides = array<i32>} : memref<128x128xf32, #tpu.memory_space<vmem>>, vector<1x16xf32>,
      %broadcast_in_dim3A_71 = arith.constant 1.000000e+00 : f32
      %broadcast_in_dim3A_72 = vector.broadcast %broadcast_in_dim3A_71 : f32 to vector<16xf32>
      %swap3A_73 = arith.index_cast %scan3A_65 : i32 to index
      %swap3A_74 = arith.constant 16 : index
      %swap3A_75 = tpu.vector_load %arg5[%swap3A_73, %swap3A_74] {strides = array<i32>} : memref<128x128xf32, #tpu.memory_space<vmem>>, vector<1x16xf32>,
      %swap3A_76 = vector.shape_cast %swap3A_75 : vector<1x16xf32> to vector<16xf32>
      %swap3A_77 = vector.shape_cast %broadcast_in_dim3A_72 : vector<16xf32> to vector<1x16xf32>
      tpu.vector_store %arg5[%swap3A_73, %swap3A_74], %swap3A_77 {strides = array<i32>} : memref<128x128xf32, #tpu.memory_space<vmem>>, vector<1x16xf32>,
      %broadcast_in_dim3A_78 = arith.constant 1.000000e+00 : f32
      %broadcast_in_dim3A_79 = vector.broadcast %broadcast_in_dim3A_78 : f32 to vector<16xf32>
      %swap3A_80 = arith.index_cast %scan3A_65 : i32 to index
      %swap3A_81 = arith.constant 32 : index
      %swap3A_82 = tpu.vector_load %arg5[%swap3A_80, %swap3A_81] {strides = array<i32>} : memref<128x128xf32, #tpu.memory_space<vmem>>, vector<1x16xf32>,
      %swap3A_83 = vector.shape_cast %swap3A_82 : vector<1x16xf32> to vector<16xf32>
      %swap3A_84 = vector.shape_cast %broadcast_in_dim3A_79 : vector<16xf32> to vector<1x16xf32>
      tpu.vector_store %arg5[%swap3A_80, %swap3A_81], %swap3A_84 {strides = array<i32>} : memref<128x128xf32, #tpu.memory_space<vmem>>, vector<1x16xf32>,
      %broadcast_in_dim3A_85 = arith.constant 1.000000e+00 : f32
      %broadcast_in_dim3A_86 = vector.broadcast %broadcast_in_dim3A_85 : f32 to vector<16xf32>
      %swap3A_87 = arith.index_cast %scan3A_65 : i32 to index
      %swap3A_88 = arith.constant 48 : index
      %swap3A_89 = tpu.vector_load %arg5[%swap3A_87, %swap3A_88] {strides = array<i32>} : memref<128x128xf32, #tpu.memory_space<vmem>>, vector<1x16xf32>,
      %swap3A_90 = vector.shape_cast %swap3A_89 : vector<1x16xf32> to vector<16xf32>
      %swap3A_91 = vector.shape_cast %broadcast_in_dim3A_86 : vector<16xf32> to vector<1x16xf32>
      tpu.vector_store %arg5[%swap3A_87, %swap3A_88], %swap3A_91 {strides = array<i32>} : memref<128x128xf32, #tpu.memory_space<vmem>>, vector<1x16xf32>,
      %broadcast_in_dim3A_92 = arith.constant 1.000000e+00 : f32
      %broadcast_in_dim3A_93 = vector.broadcast %broadcast_in_dim3A_92 : f32 to vector<16xf32>
      %swap3A_94 = arith.index_cast %scan3A_65 : i32 to index
      %swap3A_95 = arith.constant 64 : index
      %swap3A_96 = tpu.vector_load %arg5[%swap3A_94, %swap3A_95] {strides = array<i32>} : memref<128x128xf32, #tpu.memory_space<vmem>>, vector<1x16xf32>,
      %swap3A_97 = vector.shape_cast %swap3A_96 : vector<1x16xf32> to vector<16xf32>
      %swap3A_98 = vector.shape_cast %broadcast_in_dim3A_93 : vector<16xf32> to vector<1x16xf32>
      tpu.vector_store %arg5[%swap3A_94, %swap3A_95], %swap3A_98 {strides = array<i32>} : memref<128x128xf32, #tpu.memory_space<vmem>>, vector<1x16xf32>,
      %broadcast_in_dim3A_99 = arith.constant 1.000000e+00 : f32
      %broadcast_in_dim3A_100 = vector.broadcast %broadcast_in_dim3A_99 : f32 to vector<16xf32>
      %swap3A_101 = arith.index_cast %scan3A_65 : i32 to index
      %swap3A_102 = arith.constant 80 : index
      %swap3A_103 = tpu.vector_load %arg5[%swap3A_101, %swap3A_102] {strides = array<i32>} : memref<128x128xf32, #tpu.memory_space<vmem>>, vector<1x16xf32>,
      %swap3A_104 = vector.shape_cast %swap3A_103 : vector<1x16xf32> to vector<16xf32>
      %swap3A_105 = vector.shape_cast %broadcast_in_dim3A_100 : vector<16xf32> to vector<1x16xf32>
      tpu.vector_store %arg5[%swap3A_101, %swap3A_102], %swap3A_105 {strides = array<i32>} : memref<128x128xf32, #tpu.memory_space<vmem>>, vector<1x16xf32>,
      %broadcast_in_dim3A_106 = arith.constant 1.000000e+00 : f32
      %broadcast_in_dim3A_107 = vector.broadcast %broadcast_in_dim3A_106 : f32 to vector<16xf32>
      %swap3A_108 = arith.index_cast %scan3A_65 : i32 to index
      %swap3A_109 = arith.constant 96 : index
      %swap3A_110 = tpu.vector_load %arg5[%swap3A_108, %swap3A_109] {strides = array<i32>} : memref<128x128xf32, #tpu.memory_space<vmem>>, vector<1x16xf32>,
      %swap3A_111 = vector.shape_cast %swap3A_110 : vector<1x16xf32> to vector<16xf32>
      %swap3A_112 = vector.shape_cast %broadcast_in_dim3A_107 : vector<16xf32> to vector<1x16xf32>
      tpu.vector_store %arg5[%swap3A_108, %swap3A_109], %swap3A_112 {strides = array<i32>} : memref<128x128xf32, #tpu.memory_space<vmem>>, vector<1x16xf32>,
      %broadcast_in_dim3A_113 = arith.constant 1.000000e+00 : f32
      %broadcast_in_dim3A_114 = vector.broadcast %broadcast_in_dim3A_113 : f32 to vector<16xf32>
      %swap3A_115 = arith.index_cast %scan3A_65 : i32 to index
      %swap3A_116 = arith.constant 112 : index
      %swap3A_117 = tpu.vector_load %arg5[%swap3A_115, %swap3A_116] {strides = array<i32>} : memref<128x128xf32, #tpu.memory_space<vmem>>, vector<1x16xf32>,
      %swap3A_118 = vector.shape_cast %swap3A_117 : vector<1x16xf32> to vector<16xf32>
      %swap3A_119 = vector.shape_cast %broadcast_in_dim3A_114 : vector<16xf32> to vector<1x16xf32>
      tpu.vector_store %arg5[%swap3A_115, %swap3A_116], %swap3A_119 {strides = array<i32>} : memref<128x128xf32, #tpu.memory_space<vmem>>, vector<1x16xf32>,
    }
    %scan3A_31 = arith.constant 128 : i32
    "tpu.region"() ({
      %run_scoped3A = tpu.sem_alloc : memref<!tpu.dma_semaphore, #tpu.memory_space<semaphore_mem>>
      %dma_start3A = arith.constant 0 : i32
      %dma_start3A_65 = arith.constant 0 : i32
      %dma_start3A_66 = tpu.memref_slice %arg2[%add3A, %dma_start3A, %dma_start3A_65] : memref<32x40x128xi32, #tpu.memory_space<hbm>> -> memref<1x40x128xi32, #tpu.memory_space<hbm>>
      %dma_start3A_67 = tpu.memref_squeeze %dma_start3A_66 : memref<1x40x128xi32, #tpu.memory_space<hbm>> -> memref<40x128xi32, #tpu.memory_space<hbm>>
      %dma_start3A_68 = arith.constant 0 : i32
      %dma_start3A_69 = arith.constant 0 : i32
      %dma_start3A_70 = tpu.memref_slice %arg2[%add3A, %dma_start3A_68, %dma_start3A_69] : memref<32x40x128xi32, #tpu.memory_space<hbm>> -> memref<1x40x128xi32, #tpu.memory_space<hbm>>
      %dma_start3A_71 = tpu.memref_squeeze %dma_start3A_70 : memref<1x40x128xi32, #tpu.memory_space<hbm>> -> memref<40x128xi32, #tpu.memory_space<hbm>>
      tpu.enqueue_dma source(%dma_start3A_71 : memref<40x128xi32, #tpu.memory_space<hbm>>) target(%arg4 : memref<40x128xi32, #tpu.memory_space<vmem>>) target_semaphore(%run_scoped3A : memref<!tpu.dma_semaphore, #tpu.memory_space<semaphore_mem>>)
      %dma_wait3A = arith.constant 0 : i32
      %dma_wait3A_72 = arith.constant 0 : i32
      %dma_wait3A_73 = tpu.memref_slice %arg2[%add3A, %dma_wait3A, %dma_wait3A_72] : memref<32x40x128xi32, #tpu.memory_space<hbm>> -> memref<1x40x128xi32, #tpu.memory_space<hbm>>
      %dma_wait3A_74 = tpu.memref_squeeze %dma_wait3A_73 : memref<1x40x128xi32, #tpu.memory_space<hbm>> -> memref<40x128xi32, #tpu.memory_space<hbm>>
      %dma_wait3A_75 = arith.constant 0 : i32
      %dma_wait3A_76 = arith.constant 0 : i32
      %dma_wait3A_77 = tpu.memref_slice %arg2[%add3A, %dma_wait3A_75, %dma_wait3A_76] : memref<32x40x128xi32, #tpu.memory_space<hbm>> -> memref<1x40x128xi32, #tpu.memory_space<hbm>>
      %dma_wait3A_78 = tpu.memref_squeeze %dma_wait3A_77 : memref<1x40x128xi32, #tpu.memory_space<hbm>> -> memref<40x128xi32, #tpu.memory_space<hbm>>
      tpu.wait_dma2 semaphore(%run_scoped3A : memref<!tpu.dma_semaphore, #tpu.memory_space<semaphore_mem>>) src(%dma_wait3A_78 : memref<40x128xi32, #tpu.memory_space<hbm>>) dst(%arg4 : memref<40x128xi32, #tpu.memory_space<vmem>>)
      tpu.yield
    }) : () -> ()
    %barrier3A = arith.constant 0 : index
    tpu.barrier barrier_id(%barrier3A)
    %scan3A_32 = arith.constant 0 : i32
    %scan3A_33 = arith.constant 0 : i32
    %scan3A_34 = arith.constant 40 : i32
    %scan3A_35 = arith.addi %scan3A_33, %scan3A_34 : i32
    %scan3A_36 = arith.constant 1 : i32
    scf.for %scan3A_65 = %scan3A_33 to %scan3A_35 step %scan3A_36  : i32 {
      %dma_start3A = arith.constant 0 : i32
      %dma_start3A_66 = tpu.memref_slice %arg4[%scan3A_65, %dma_start3A] : memref<40x128xi32, #tpu.memory_space<vmem>> -> memref<1x128xi32, #tpu.memory_space<vmem>>
      %dma_start3A_67 = tpu.memref_squeeze %dma_start3A_66 : memref<1x128xi32, #tpu.memory_space<vmem>> -> memref<128xi32, #tpu.memory_space<vmem>>
      %dma_start3A_68 = arith.constant 0 : i32
      %dma_start3A_69 = arith.constant 0 : i32
      %dma_start3A_70 = tpu.memref_slice %arg7[%dma_start3A_68, %dma_start3A_69] : memref<10240x128xf32, #tpu.memory_space<vmem_shared>> -> memref<10240x128xf32, #tpu.memory_space<vmem_shared>>
      tpu.enqueue_indirect_dma source(%arg5 : memref<128x128xf32, #tpu.memory_space<vmem>>) target(%dma_start3A_70 : memref<10240x128xf32, #tpu.memory_space<vmem_shared>>) offsets(%dma_start3A_67 : memref<128xi32, #tpu.memory_space<vmem>>) semaphore(%arg6 : memref<!tpu.dma_semaphore, #tpu.memory_space<semaphore_mem>>) {add = true}
    }
    %scan3A_37 = arith.constant 40 : i32
    %scan3A_38 = arith.constant 0 : i32
    %scan3A_39 = arith.constant 0 : i32
    %scan3A_40 = arith.constant 40 : i32
    %scan3A_41 = arith.addi %scan3A_39, %scan3A_40 : i32
    %scan3A_42 = arith.constant 1 : i32
    scf.for %scan3A_65 = %scan3A_39 to %scan3A_41 step %scan3A_42  : i32 {
      %dma_wait3A = arith.constant 0 : i32
      %dma_wait3A_66 = arith.constant 0 : i32
      %dma_wait3A_67 = tpu.memref_slice %arg4[%dma_wait3A, %dma_wait3A_66] : memref<40x128xi32, #tpu.memory_space<vmem>> -> memref<1x128xi32, #tpu.memory_space<vmem>>
      %dma_wait3A_68 = tpu.memref_squeeze %dma_wait3A_67 : memref<1x128xi32, #tpu.memory_space<vmem>> -> memref<128xi32, #tpu.memory_space<vmem>>
      %dma_wait3A_69 = arith.constant 0 : i32
      %dma_wait3A_70 = arith.constant 0 : i32
      %dma_wait3A_71 = tpu.memref_slice %arg7[%dma_wait3A_69, %dma_wait3A_70] : memref<10240x128xf32, #tpu.memory_space<vmem_shared>> -> memref<10240x128xf32, #tpu.memory_space<vmem_shared>>
      tpu.wait_indirect_dma semaphore(%arg6 : memref<!tpu.dma_semaphore, #tpu.memory_space<semaphore_mem>>) src(%arg5 : memref<128x128xf32, #tpu.memory_space<vmem>>) dst(%dma_wait3A_71 : memref<10240x128xf32, #tpu.memory_space<vmem_shared>>)
    }
    %scan3A_43 = arith.constant 40 : i32
    %barrier3A_44 = arith.constant 0 : index
    tpu.barrier barrier_id(%barrier3A_44)
    %mul3A_45 = arith.constant 640 : i32
    %mul3A_46 = arith.muli %arg1, %mul3A_45 : i32
    %add3A_47 = arith.constant 0 : i32
    %add3A_48 = arith.addi %mul3A_46, %add3A_47 : i32
    "tpu.region"() ({
      %run_scoped3A = tpu.sem_alloc : memref<!tpu.dma_semaphore, #tpu.memory_space<semaphore_mem>>
      %dma_start3A = arith.constant 0 : i32
      %dma_start3A_65 = tpu.memref_slice %arg3[%arg0, %add3A_48, %dma_start3A] : memref<2x10240x128xf32, #tpu.memory_space<hbm>> -> memref<1x128x128xf32, #tpu.memory_space<hbm>>
      %dma_start3A_66 = tpu.memref_squeeze %dma_start3A_65 : memref<1x128x128xf32, #tpu.memory_space<hbm>> -> memref<128x128xf32, #tpu.memory_space<hbm>>
      %dma_start3A_67 = arith.constant 0 : i32
      %dma_start3A_68 = tpu.memref_slice %arg7[%add3A_48, %dma_start3A_67] : memref<10240x128xf32, #tpu.memory_space<vmem_shared>> -> memref<128x128xf32, #tpu.memory_space<vmem_shared>>
      tpu.enqueue_dma source(%dma_start3A_68 : memref<128x128xf32, #tpu.memory_space<vmem_shared>>) target(%dma_start3A_66 : memref<128x128xf32, #tpu.memory_space<hbm>>) target_semaphore(%run_scoped3A : memref<!tpu.dma_semaphore, #tpu.memory_space<semaphore_mem>>)
      %dma_wait3A = arith.constant 0 : i32
      %dma_wait3A_69 = tpu.memref_slice %arg3[%arg0, %add3A_48, %dma_wait3A] : memref<2x10240x128xf32, #tpu.memory_space<hbm>> -> memref<1x128x128xf32, #tpu.memory_space<hbm>>
      %dma_wait3A_70 = tpu.memref_squeeze %dma_wait3A_69 : memref<1x128x128xf32, #tpu.memory_space<hbm>> -> memref<128x128xf32, #tpu.memory_space<hbm>>
      %dma_wait3A_71 = arith.constant 0 : i32
      %dma_wait3A_72 = tpu.memref_slice %arg7[%add3A_48, %dma_wait3A_71] : memref<10240x128xf32, #tpu.memory_space<vmem_shared>> -> memref<128x128xf32, #tpu.memory_space<vmem_shared>>
      tpu.wait_dma2 semaphore(%run_scoped3A : memref<!tpu.dma_semaphore, #tpu.memory_space<semaphore_mem>>) src(%dma_wait3A_72 : memref<128x128xf32, #tpu.memory_space<vmem_shared>>) dst(%dma_wait3A_70 : memref<128x128xf32, #tpu.memory_space<hbm>>)
      tpu.yield
    }) : () -> ()
    %mul3A_49 = arith.constant 640 : i32
    %mul3A_50 = arith.muli %arg1, %mul3A_49 : i32
    %add3A_51 = arith.constant 128 : i32
    %add3A_52 = arith.addi %mul3A_50, %add3A_51 : i32
    "tpu.region"() ({
      %run_scoped3A = tpu.sem_alloc : memref<!tpu.dma_semaphore, #tpu.memory_space<semaphore_mem>>
      %dma_start3A = arith.constant 0 : i32
      %dma_start3A_65 = tpu.memref_slice %arg3[%arg0, %add3A_52, %dma_start3A] : memref<2x10240x128xf32, #tpu.memory_space<hbm>> -> memref<1x128x128xf32, #tpu.memory_space<hbm>>
      %dma_start3A_66 = tpu.memref_squeeze %dma_start3A_65 : memref<1x128x128xf32, #tpu.memory_space<hbm>> -> memref<128x128xf32, #tpu.memory_space<hbm>>
      %dma_start3A_67 = arith.constant 0 : i32
      %dma_start3A_68 = tpu.memref_slice %arg7[%add3A_52, %dma_start3A_67] : memref<10240x128xf32, #tpu.memory_space<vmem_shared>> -> memref<128x128xf32, #tpu.memory_space<vmem_shared>>
      tpu.enqueue_dma source(%dma_start3A_68 : memref<128x128xf32, #tpu.memory_space<vmem_shared>>) target(%dma_start3A_66 : memref<128x128xf32, #tpu.memory_space<hbm>>) target_semaphore(%run_scoped3A : memref<!tpu.dma_semaphore, #tpu.memory_space<semaphore_mem>>)
      %dma_wait3A = arith.constant 0 : i32
      %dma_wait3A_69 = tpu.memref_slice %arg3[%arg0, %add3A_52, %dma_wait3A] : memref<2x10240x128xf32, #tpu.memory_space<hbm>> -> memref<1x128x128xf32, #tpu.memory_space<hbm>>
      %dma_wait3A_70 = tpu.memref_squeeze %dma_wait3A_69 : memref<1x128x128xf32, #tpu.memory_space<hbm>> -> memref<128x128xf32, #tpu.memory_space<hbm>>
      %dma_wait3A_71 = arith.constant 0 : i32
      %dma_wait3A_72 = tpu.memref_slice %arg7[%add3A_52, %dma_wait3A_71] : memref<10240x128xf32, #tpu.memory_space<vmem_shared>> -> memref<128x128xf32, #tpu.memory_space<vmem_shared>>
      tpu.wait_dma2 semaphore(%run_scoped3A : memref<!tpu.dma_semaphore, #tpu.memory_space<semaphore_mem>>) src(%dma_wait3A_72 : memref<128x128xf32, #tpu.memory_space<vmem_shared>>) dst(%dma_wait3A_70 : memref<128x128xf32, #tpu.memory_space<hbm>>)
      tpu.yield
    }) : () -> ()
    %mul3A_53 = arith.constant 640 : i32
    %mul3A_54 = arith.muli %arg1, %mul3A_53 : i32
    %add3A_55 = arith.constant 256 : i32
    %add3A_56 = arith.addi %mul3A_54, %add3A_55 : i32
    "tpu.region"() ({
      %run_scoped3A = tpu.sem_alloc : memref<!tpu.dma_semaphore, #tpu.memory_space<semaphore_mem>>
      %dma_start3A = arith.constant 0 : i32
      %dma_start3A_65 = tpu.memref_slice %arg3[%arg0, %add3A_56, %dma_start3A] : memref<2x10240x128xf32, #tpu.memory_space<hbm>> -> memref<1x128x128xf32, #tpu.memory_space<hbm>>
      %dma_start3A_66 = tpu.memref_squeeze %dma_start3A_65 : memref<1x128x128xf32, #tpu.memory_space<hbm>> -> memref<128x128xf32, #tpu.memory_space<hbm>>
      %dma_start3A_67 = arith.constant 0 : i32
      %dma_start3A_68 = tpu.memref_slice %arg7[%add3A_56, %dma_start3A_67] : memref<10240x128xf32, #tpu.memory_space<vmem_shared>> -> memref<128x128xf32, #tpu.memory_space<vmem_shared>>
      tpu.enqueue_dma source(%dma_start3A_68 : memref<128x128xf32, #tpu.memory_space<vmem_shared>>) target(%dma_start3A_66 : memref<128x128xf32, #tpu.memory_space<hbm>>) target_semaphore(%run_scoped3A : memref<!tpu.dma_semaphore, #tpu.memory_space<semaphore_mem>>)
      %dma_wait3A = arith.constant 0 : i32
      %dma_wait3A_69 = tpu.memref_slice %arg3[%arg0, %add3A_56, %dma_wait3A] : memref<2x10240x128xf32, #tpu.memory_space<hbm>> -> memref<1x128x128xf32, #tpu.memory_space<hbm>>
      %dma_wait3A_70 = tpu.memref_squeeze %dma_wait3A_69 : memref<1x128x128xf32, #tpu.memory_space<hbm>> -> memref<128x128xf32, #tpu.memory_space<hbm>>
      %dma_wait3A_71 = arith.constant 0 : i32
      %dma_wait3A_72 = tpu.memref_slice %arg7[%add3A_56, %dma_wait3A_71] : memref<10240x128xf32, #tpu.memory_space<vmem_shared>> -> memref<128x128xf32, #tpu.memory_space<vmem_shared>>
      tpu.wait_dma2 semaphore(%run_scoped3A : memref<!tpu.dma_semaphore, #tpu.memory_space<semaphore_mem>>) src(%dma_wait3A_72 : memref<128x128xf32, #tpu.memory_space<vmem_shared>>) dst(%dma_wait3A_70 : memref<128x128xf32, #tpu.memory_space<hbm>>)
      tpu.yield
    }) : () -> ()
    %mul3A_57 = arith.constant 640 : i32
    %mul3A_58 = arith.muli %arg1, %mul3A_57 : i32
    %add3A_59 = arith.constant 384 : i32
    %add3A_60 = arith.addi %mul3A_58, %add3A_59 : i32
    "tpu.region"() ({
      %run_scoped3A = tpu.sem_alloc : memref<!tpu.dma_semaphore, #tpu.memory_space<semaphore_mem>>
      %dma_start3A = arith.constant 0 : i32
      %dma_start3A_65 = tpu.memref_slice %arg3[%arg0, %add3A_60, %dma_start3A] : memref<2x10240x128xf32, #tpu.memory_space<hbm>> -> memref<1x128x128xf32, #tpu.memory_space<hbm>>
      %dma_start3A_66 = tpu.memref_squeeze %dma_start3A_65 : memref<1x128x128xf32, #tpu.memory_space<hbm>> -> memref<128x128xf32, #tpu.memory_space<hbm>>
      %dma_start3A_67 = arith.constant 0 : i32
      %dma_start3A_68 = tpu.memref_slice %arg7[%add3A_60, %dma_start3A_67] : memref<10240x128xf32, #tpu.memory_space<vmem_shared>> -> memref<128x128xf32, #tpu.memory_space<vmem_shared>>
      tpu.enqueue_dma source(%dma_start3A_68 : memref<128x128xf32, #tpu.memory_space<vmem_shared>>) target(%dma_start3A_66 : memref<128x128xf32, #tpu.memory_space<hbm>>) target_semaphore(%run_scoped3A : memref<!tpu.dma_semaphore, #tpu.memory_space<semaphore_mem>>)
      %dma_wait3A = arith.constant 0 : i32
      %dma_wait3A_69 = tpu.memref_slice %arg3[%arg0, %add3A_60, %dma_wait3A] : memref<2x10240x128xf32, #tpu.memory_space<hbm>> -> memref<1x128x128xf32, #tpu.memory_space<hbm>>
      %dma_wait3A_70 = tpu.memref_squeeze %dma_wait3A_69 : memref<1x128x128xf32, #tpu.memory_space<hbm>> -> memref<128x128xf32, #tpu.memory_space<hbm>>
      %dma_wait3A_71 = arith.constant 0 : i32
      %dma_wait3A_72 = tpu.memref_slice %arg7[%add3A_60, %dma_wait3A_71] : memref<10240x128xf32, #tpu.memory_space<vmem_shared>> -> memref<128x128xf32, #tpu.memory_space<vmem_shared>>
      tpu.wait_dma2 semaphore(%run_scoped3A : memref<!tpu.dma_semaphore, #tpu.memory_space<semaphore_mem>>) src(%dma_wait3A_72 : memref<128x128xf32, #tpu.memory_space<vmem_shared>>) dst(%dma_wait3A_70 : memref<128x128xf32, #tpu.memory_space<hbm>>)
      tpu.yield
    }) : () -> ()
    %mul3A_61 = arith.constant 640 : i32
    %mul3A_62 = arith.muli %arg1, %mul3A_61 : i32
    %add3A_63 = arith.constant 512 : i32
    %add3A_64 = arith.addi %mul3A_62, %add3A_63 : i32
    "tpu.region"() ({
      %run_scoped3A = tpu.sem_alloc : memref<!tpu.dma_semaphore, #tpu.memory_space<semaphore_mem>>
      %dma_start3A = arith.constant 0 : i32
      %dma_start3A_65 = tpu.memref_slice %arg3[%arg0, %add3A_64, %dma_start3A] : memref<2x10240x128xf32, #tpu.memory_space<hbm>> -> memref<1x128x128xf32, #tpu.memory_space<hbm>>
      %dma_start3A_66 = tpu.memref_squeeze %dma_start3A_65 : memref<1x128x128xf32, #tpu.memory_space<hbm>> -> memref<128x128xf32, #tpu.memory_space<hbm>>
      %dma_start3A_67 = arith.constant 0 : i32
      %dma_start3A_68 = tpu.memref_slice %arg7[%add3A_64, %dma_start3A_67] : memref<10240x128xf32, #tpu.memory_space<vmem_shared>> -> memref<128x128xf32, #tpu.memory_space<vmem_shared>>
      tpu.enqueue_dma source(%dma_start3A_68 : memref<128x128xf32, #tpu.memory_space<vmem_shared>>) target(%dma_start3A_66 : memref<128x128xf32, #tpu.memory_space<hbm>>) target_semaphore(%run_scoped3A : memref<!tpu.dma_semaphore, #tpu.memory_space<semaphore_mem>>)
      %dma_wait3A = arith.constant 0 : i32
      %dma_wait3A_69 = tpu.memref_slice %arg3[%arg0, %add3A_64, %dma_wait3A] : memref<2x10240x128xf32, #tpu.memory_space<hbm>> -> memref<1x128x128xf32, #tpu.memory_space<hbm>>
      %dma_wait3A_70 = tpu.memref_squeeze %dma_wait3A_69 : memref<1x128x128xf32, #tpu.memory_space<hbm>> -> memref<128x128xf32, #tpu.memory_space<hbm>>
      %dma_wait3A_71 = arith.constant 0 : i32
      %dma_wait3A_72 = tpu.memref_slice %arg7[%add3A_64, %dma_wait3A_71] : memref<10240x128xf32, #tpu.memory_space<vmem_shared>> -> memref<128x128xf32, #tpu.memory_space<vmem_shared>>
      tpu.wait_dma2 semaphore(%run_scoped3A : memref<!tpu.dma_semaphore, #tpu.memory_space<semaphore_mem>>) src(%dma_wait3A_72 : memref<128x128xf32, #tpu.memory_space<vmem_shared>>) dst(%dma_wait3A_70 : memref<128x128xf32, #tpu.memory_space<hbm>>)
      tpu.yield
    }) : () -> ()
    return
  }
}

#map = affine_map<(d0, d1) -> (0, 0)>
#map1 = affine_map<(d0, d1) -> (0, 0, 0)>
module attributes {stable_mosaic.version = 14 : i64} {
  func.func @_msg_body(%arg0: i32, %arg1: i32, %arg2: memref<20480x128xf32, #tpu.memory_space<hbm>>, %arg3: memref<16x80x128xi32, #tpu.memory_space<hbm>>, %arg4: memref<16x80x128xi32, #tpu.memory_space<hbm>>, %arg5: memref<20480x128xf32, #tpu.memory_space<hbm>>, %arg6: memref<40x128xi32, #tpu.memory_space<vmem>>, %arg7: memref<40x128xi32, #tpu.memory_space<vmem>>, %arg8: memref<128x128xf32, #tpu.memory_space<vmem>>, %arg9: memref<128x128xf32, #tpu.memory_space<vmem>>, %arg10: memref<!tpu.dma_semaphore, #tpu.memory_space<semaphore_mem>>, %arg11: memref<!tpu.dma_semaphore, #tpu.memory_space<semaphore_mem>>, %arg12: memref<10240x128xf32, #tpu.memory_space<vmem_shared>>) attributes {dimension_semantics = [#tpu.dimension_semantics<core_parallel>, #tpu.dimension_semantics<subcore_parallel>], iteration_bounds = array<i64: 2, 16>, scalar_prefetch = 0 : i64, scratch_operands = 7 : i64, tpu.core_type = #tpu.core_type<sc_vector_subcore>, window_params = [{transform_indices = #map}, {transform_indices = #map1}, {transform_indices = #map1}, {transform_indices = #map}]} {
    %mul3A = arith.constant 10240 : i32
    %mul3A_0 = arith.muli %arg0, %mul3A : i32
    %scan3A = arith.constant 0 : i32
    %scan3A_1 = arith.constant 0 : i32
    %scan3A_2 = arith.constant 128 : i32
    %scan3A_3 = arith.addi %scan3A_1, %scan3A_2 : i32
    %scan3A_4 = arith.constant 1 : i32
    scf.for %scan3A_102 = %scan3A_1 to %scan3A_3 step %scan3A_4  : i32 {
      %broadcast_in_dim3A = arith.constant 0.000000e+00 : f32
      %broadcast_in_dim3A_103 = vector.broadcast %broadcast_in_dim3A : f32 to vector<16xf32>
      %swap3A = arith.index_cast %scan3A_102 : i32 to index
      %swap3A_104 = arith.constant 0 : index
      %swap3A_105 = tpu.vector_load %arg8[%swap3A, %swap3A_104] {strides = array<i32>} : memref<128x128xf32, #tpu.memory_space<vmem>>, vector<1x16xf32>,
      %swap3A_106 = vector.shape_cast %swap3A_105 : vector<1x16xf32> to vector<16xf32>
      %swap3A_107 = vector.shape_cast %broadcast_in_dim3A_103 : vector<16xf32> to vector<1x16xf32>
      tpu.vector_store %arg8[%swap3A, %swap3A_104], %swap3A_107 {strides = array<i32>} : memref<128x128xf32, #tpu.memory_space<vmem>>, vector<1x16xf32>,
      %broadcast_in_dim3A_108 = arith.constant 0.000000e+00 : f32
      %broadcast_in_dim3A_109 = vector.broadcast %broadcast_in_dim3A_108 : f32 to vector<16xf32>
      %swap3A_110 = arith.index_cast %scan3A_102 : i32 to index
      %swap3A_111 = arith.constant 16 : index
      %swap3A_112 = tpu.vector_load %arg8[%swap3A_110, %swap3A_111] {strides = array<i32>} : memref<128x128xf32, #tpu.memory_space<vmem>>, vector<1x16xf32>,
      %swap3A_113 = vector.shape_cast %swap3A_112 : vector<1x16xf32> to vector<16xf32>
      %swap3A_114 = vector.shape_cast %broadcast_in_dim3A_109 : vector<16xf32> to vector<1x16xf32>
      tpu.vector_store %arg8[%swap3A_110, %swap3A_111], %swap3A_114 {strides = array<i32>} : memref<128x128xf32, #tpu.memory_space<vmem>>, vector<1x16xf32>,
      %broadcast_in_dim3A_115 = arith.constant 0.000000e+00 : f32
      %broadcast_in_dim3A_116 = vector.broadcast %broadcast_in_dim3A_115 : f32 to vector<16xf32>
      %swap3A_117 = arith.index_cast %scan3A_102 : i32 to index
      %swap3A_118 = arith.constant 32 : index
      %swap3A_119 = tpu.vector_load %arg8[%swap3A_117, %swap3A_118] {strides = array<i32>} : memref<128x128xf32, #tpu.memory_space<vmem>>, vector<1x16xf32>,
      %swap3A_120 = vector.shape_cast %swap3A_119 : vector<1x16xf32> to vector<16xf32>
      %swap3A_121 = vector.shape_cast %broadcast_in_dim3A_116 : vector<16xf32> to vector<1x16xf32>
      tpu.vector_store %arg8[%swap3A_117, %swap3A_118], %swap3A_121 {strides = array<i32>} : memref<128x128xf32, #tpu.memory_space<vmem>>, vector<1x16xf32>,
      %broadcast_in_dim3A_122 = arith.constant 0.000000e+00 : f32
      %broadcast_in_dim3A_123 = vector.broadcast %broadcast_in_dim3A_122 : f32 to vector<16xf32>
      %swap3A_124 = arith.index_cast %scan3A_102 : i32 to index
      %swap3A_125 = arith.constant 48 : index
      %swap3A_126 = tpu.vector_load %arg8[%swap3A_124, %swap3A_125] {strides = array<i32>} : memref<128x128xf32, #tpu.memory_space<vmem>>, vector<1x16xf32>,
      %swap3A_127 = vector.shape_cast %swap3A_126 : vector<1x16xf32> to vector<16xf32>
      %swap3A_128 = vector.shape_cast %broadcast_in_dim3A_123 : vector<16xf32> to vector<1x16xf32>
      tpu.vector_store %arg8[%swap3A_124, %swap3A_125], %swap3A_128 {strides = array<i32>} : memref<128x128xf32, #tpu.memory_space<vmem>>, vector<1x16xf32>,
      %broadcast_in_dim3A_129 = arith.constant 0.000000e+00 : f32
      %broadcast_in_dim3A_130 = vector.broadcast %broadcast_in_dim3A_129 : f32 to vector<16xf32>
      %swap3A_131 = arith.index_cast %scan3A_102 : i32 to index
      %swap3A_132 = arith.constant 64 : index
      %swap3A_133 = tpu.vector_load %arg8[%swap3A_131, %swap3A_132] {strides = array<i32>} : memref<128x128xf32, #tpu.memory_space<vmem>>, vector<1x16xf32>,
      %swap3A_134 = vector.shape_cast %swap3A_133 : vector<1x16xf32> to vector<16xf32>
      %swap3A_135 = vector.shape_cast %broadcast_in_dim3A_130 : vector<16xf32> to vector<1x16xf32>
      tpu.vector_store %arg8[%swap3A_131, %swap3A_132], %swap3A_135 {strides = array<i32>} : memref<128x128xf32, #tpu.memory_space<vmem>>, vector<1x16xf32>,
      %broadcast_in_dim3A_136 = arith.constant 0.000000e+00 : f32
      %broadcast_in_dim3A_137 = vector.broadcast %broadcast_in_dim3A_136 : f32 to vector<16xf32>
      %swap3A_138 = arith.index_cast %scan3A_102 : i32 to index
      %swap3A_139 = arith.constant 80 : index
      %swap3A_140 = tpu.vector_load %arg8[%swap3A_138, %swap3A_139] {strides = array<i32>} : memref<128x128xf32, #tpu.memory_space<vmem>>, vector<1x16xf32>,
      %swap3A_141 = vector.shape_cast %swap3A_140 : vector<1x16xf32> to vector<16xf32>
      %swap3A_142 = vector.shape_cast %broadcast_in_dim3A_137 : vector<16xf32> to vector<1x16xf32>
      tpu.vector_store %arg8[%swap3A_138, %swap3A_139], %swap3A_142 {strides = array<i32>} : memref<128x128xf32, #tpu.memory_space<vmem>>, vector<1x16xf32>,
      %broadcast_in_dim3A_143 = arith.constant 0.000000e+00 : f32
      %broadcast_in_dim3A_144 = vector.broadcast %broadcast_in_dim3A_143 : f32 to vector<16xf32>
      %swap3A_145 = arith.index_cast %scan3A_102 : i32 to index
      %swap3A_146 = arith.constant 96 : index
      %swap3A_147 = tpu.vector_load %arg8[%swap3A_145, %swap3A_146] {strides = array<i32>} : memref<128x128xf32, #tpu.memory_space<vmem>>, vector<1x16xf32>,
      %swap3A_148 = vector.shape_cast %swap3A_147 : vector<1x16xf32> to vector<16xf32>
      %swap3A_149 = vector.shape_cast %broadcast_in_dim3A_144 : vector<16xf32> to vector<1x16xf32>
      tpu.vector_store %arg8[%swap3A_145, %swap3A_146], %swap3A_149 {strides = array<i32>} : memref<128x128xf32, #tpu.memory_space<vmem>>, vector<1x16xf32>,
      %broadcast_in_dim3A_150 = arith.constant 0.000000e+00 : f32
      %broadcast_in_dim3A_151 = vector.broadcast %broadcast_in_dim3A_150 : f32 to vector<16xf32>
      %swap3A_152 = arith.index_cast %scan3A_102 : i32 to index
      %swap3A_153 = arith.constant 112 : index
      %swap3A_154 = tpu.vector_load %arg8[%swap3A_152, %swap3A_153] {strides = array<i32>} : memref<128x128xf32, #tpu.memory_space<vmem>>, vector<1x16xf32>,
      %swap3A_155 = vector.shape_cast %swap3A_154 : vector<1x16xf32> to vector<16xf32>
      %swap3A_156 = vector.shape_cast %broadcast_in_dim3A_151 : vector<16xf32> to vector<1x16xf32>
      tpu.vector_store %arg8[%swap3A_152, %swap3A_153], %swap3A_156 {strides = array<i32>} : memref<128x128xf32, #tpu.memory_space<vmem>>, vector<1x16xf32>,
    }
    %scan3A_5 = arith.constant 128 : i32
    %mul3A_6 = arith.constant 640 : i32
    %mul3A_7 = arith.muli %arg1, %mul3A_6 : i32
    %add3A = arith.constant 0 : i32
    %add3A_8 = arith.addi %mul3A_7, %add3A : i32
    "tpu.region"() ({
      %run_scoped3A = tpu.sem_alloc : memref<!tpu.dma_semaphore, #tpu.memory_space<semaphore_mem>>
      %dma_start3A_102 = arith.constant 0 : i32
      %dma_start3A_103 = tpu.memref_slice %arg12[%add3A_8, %dma_start3A_102] : memref<10240x128xf32, #tpu.memory_space<vmem_shared>> -> memref<128x128xf32, #tpu.memory_space<vmem_shared>>
      %dma_start3A_104 = arith.constant 0 : i32
      %dma_start3A_105 = tpu.memref_slice %arg12[%add3A_8, %dma_start3A_104] : memref<10240x128xf32, #tpu.memory_space<vmem_shared>> -> memref<128x128xf32, #tpu.memory_space<vmem_shared>>
      tpu.enqueue_dma source(%arg8 : memref<128x128xf32, #tpu.memory_space<vmem>>) target(%dma_start3A_105 : memref<128x128xf32, #tpu.memory_space<vmem_shared>>) target_semaphore(%run_scoped3A : memref<!tpu.dma_semaphore, #tpu.memory_space<semaphore_mem>>)
      %dma_wait3A = arith.constant 0 : i32
      %dma_wait3A_106 = tpu.memref_slice %arg12[%add3A_8, %dma_wait3A] : memref<10240x128xf32, #tpu.memory_space<vmem_shared>> -> memref<128x128xf32, #tpu.memory_space<vmem_shared>>
      %dma_wait3A_107 = arith.constant 0 : i32
      %dma_wait3A_108 = tpu.memref_slice %arg12[%add3A_8, %dma_wait3A_107] : memref<10240x128xf32, #tpu.memory_space<vmem_shared>> -> memref<128x128xf32, #tpu.memory_space<vmem_shared>>
      tpu.wait_dma2 semaphore(%run_scoped3A : memref<!tpu.dma_semaphore, #tpu.memory_space<semaphore_mem>>) src(%arg8 : memref<128x128xf32, #tpu.memory_space<vmem>>) dst(%dma_wait3A_108 : memref<128x128xf32, #tpu.memory_space<vmem_shared>>)
      tpu.yield
    }) : () -> ()
    %mul3A_9 = arith.constant 640 : i32
    %mul3A_10 = arith.muli %arg1, %mul3A_9 : i32
    %add3A_11 = arith.constant 128 : i32
    %add3A_12 = arith.addi %mul3A_10, %add3A_11 : i32
    "tpu.region"() ({
      %run_scoped3A = tpu.sem_alloc : memref<!tpu.dma_semaphore, #tpu.memory_space<semaphore_mem>>
      %dma_start3A_102 = arith.constant 0 : i32
      %dma_start3A_103 = tpu.memref_slice %arg12[%add3A_12, %dma_start3A_102] : memref<10240x128xf32, #tpu.memory_space<vmem_shared>> -> memref<128x128xf32, #tpu.memory_space<vmem_shared>>
      %dma_start3A_104 = arith.constant 0 : i32
      %dma_start3A_105 = tpu.memref_slice %arg12[%add3A_12, %dma_start3A_104] : memref<10240x128xf32, #tpu.memory_space<vmem_shared>> -> memref<128x128xf32, #tpu.memory_space<vmem_shared>>
      tpu.enqueue_dma source(%arg8 : memref<128x128xf32, #tpu.memory_space<vmem>>) target(%dma_start3A_105 : memref<128x128xf32, #tpu.memory_space<vmem_shared>>) target_semaphore(%run_scoped3A : memref<!tpu.dma_semaphore, #tpu.memory_space<semaphore_mem>>)
      %dma_wait3A = arith.constant 0 : i32
      %dma_wait3A_106 = tpu.memref_slice %arg12[%add3A_12, %dma_wait3A] : memref<10240x128xf32, #tpu.memory_space<vmem_shared>> -> memref<128x128xf32, #tpu.memory_space<vmem_shared>>
      %dma_wait3A_107 = arith.constant 0 : i32
      %dma_wait3A_108 = tpu.memref_slice %arg12[%add3A_12, %dma_wait3A_107] : memref<10240x128xf32, #tpu.memory_space<vmem_shared>> -> memref<128x128xf32, #tpu.memory_space<vmem_shared>>
      tpu.wait_dma2 semaphore(%run_scoped3A : memref<!tpu.dma_semaphore, #tpu.memory_space<semaphore_mem>>) src(%arg8 : memref<128x128xf32, #tpu.memory_space<vmem>>) dst(%dma_wait3A_108 : memref<128x128xf32, #tpu.memory_space<vmem_shared>>)
      tpu.yield
    }) : () -> ()
    %mul3A_13 = arith.constant 640 : i32
    %mul3A_14 = arith.muli %arg1, %mul3A_13 : i32
    %add3A_15 = arith.constant 256 : i32
    %add3A_16 = arith.addi %mul3A_14, %add3A_15 : i32
    "tpu.region"() ({
      %run_scoped3A = tpu.sem_alloc : memref<!tpu.dma_semaphore, #tpu.memory_space<semaphore_mem>>
      %dma_start3A_102 = arith.constant 0 : i32
      %dma_start3A_103 = tpu.memref_slice %arg12[%add3A_16, %dma_start3A_102] : memref<10240x128xf32, #tpu.memory_space<vmem_shared>> -> memref<128x128xf32, #tpu.memory_space<vmem_shared>>
      %dma_start3A_104 = arith.constant 0 : i32
      %dma_start3A_105 = tpu.memref_slice %arg12[%add3A_16, %dma_start3A_104] : memref<10240x128xf32, #tpu.memory_space<vmem_shared>> -> memref<128x128xf32, #tpu.memory_space<vmem_shared>>
      tpu.enqueue_dma source(%arg8 : memref<128x128xf32, #tpu.memory_space<vmem>>) target(%dma_start3A_105 : memref<128x128xf32, #tpu.memory_space<vmem_shared>>) target_semaphore(%run_scoped3A : memref<!tpu.dma_semaphore, #tpu.memory_space<semaphore_mem>>)
      %dma_wait3A = arith.constant 0 : i32
      %dma_wait3A_106 = tpu.memref_slice %arg12[%add3A_16, %dma_wait3A] : memref<10240x128xf32, #tpu.memory_space<vmem_shared>> -> memref<128x128xf32, #tpu.memory_space<vmem_shared>>
      %dma_wait3A_107 = arith.constant 0 : i32
      %dma_wait3A_108 = tpu.memref_slice %arg12[%add3A_16, %dma_wait3A_107] : memref<10240x128xf32, #tpu.memory_space<vmem_shared>> -> memref<128x128xf32, #tpu.memory_space<vmem_shared>>
      tpu.wait_dma2 semaphore(%run_scoped3A : memref<!tpu.dma_semaphore, #tpu.memory_space<semaphore_mem>>) src(%arg8 : memref<128x128xf32, #tpu.memory_space<vmem>>) dst(%dma_wait3A_108 : memref<128x128xf32, #tpu.memory_space<vmem_shared>>)
      tpu.yield
    }) : () -> ()
    %mul3A_17 = arith.constant 640 : i32
    %mul3A_18 = arith.muli %arg1, %mul3A_17 : i32
    %add3A_19 = arith.constant 384 : i32
    %add3A_20 = arith.addi %mul3A_18, %add3A_19 : i32
    "tpu.region"() ({
      %run_scoped3A = tpu.sem_alloc : memref<!tpu.dma_semaphore, #tpu.memory_space<semaphore_mem>>
      %dma_start3A_102 = arith.constant 0 : i32
      %dma_start3A_103 = tpu.memref_slice %arg12[%add3A_20, %dma_start3A_102] : memref<10240x128xf32, #tpu.memory_space<vmem_shared>> -> memref<128x128xf32, #tpu.memory_space<vmem_shared>>
      %dma_start3A_104 = arith.constant 0 : i32
      %dma_start3A_105 = tpu.memref_slice %arg12[%add3A_20, %dma_start3A_104] : memref<10240x128xf32, #tpu.memory_space<vmem_shared>> -> memref<128x128xf32, #tpu.memory_space<vmem_shared>>
      tpu.enqueue_dma source(%arg8 : memref<128x128xf32, #tpu.memory_space<vmem>>) target(%dma_start3A_105 : memref<128x128xf32, #tpu.memory_space<vmem_shared>>) target_semaphore(%run_scoped3A : memref<!tpu.dma_semaphore, #tpu.memory_space<semaphore_mem>>)
      %dma_wait3A = arith.constant 0 : i32
      %dma_wait3A_106 = tpu.memref_slice %arg12[%add3A_20, %dma_wait3A] : memref<10240x128xf32, #tpu.memory_space<vmem_shared>> -> memref<128x128xf32, #tpu.memory_space<vmem_shared>>
      %dma_wait3A_107 = arith.constant 0 : i32
      %dma_wait3A_108 = tpu.memref_slice %arg12[%add3A_20, %dma_wait3A_107] : memref<10240x128xf32, #tpu.memory_space<vmem_shared>> -> memref<128x128xf32, #tpu.memory_space<vmem_shared>>
      tpu.wait_dma2 semaphore(%run_scoped3A : memref<!tpu.dma_semaphore, #tpu.memory_space<semaphore_mem>>) src(%arg8 : memref<128x128xf32, #tpu.memory_space<vmem>>) dst(%dma_wait3A_108 : memref<128x128xf32, #tpu.memory_space<vmem_shared>>)
      tpu.yield
    }) : () -> ()
    %mul3A_21 = arith.constant 640 : i32
    %mul3A_22 = arith.muli %arg1, %mul3A_21 : i32
    %add3A_23 = arith.constant 512 : i32
    %add3A_24 = arith.addi %mul3A_22, %add3A_23 : i32
    "tpu.region"() ({
      %run_scoped3A = tpu.sem_alloc : memref<!tpu.dma_semaphore, #tpu.memory_space<semaphore_mem>>
      %dma_start3A_102 = arith.constant 0 : i32
      %dma_start3A_103 = tpu.memref_slice %arg12[%add3A_24, %dma_start3A_102] : memref<10240x128xf32, #tpu.memory_space<vmem_shared>> -> memref<128x128xf32, #tpu.memory_space<vmem_shared>>
      %dma_start3A_104 = arith.constant 0 : i32
      %dma_start3A_105 = tpu.memref_slice %arg12[%add3A_24, %dma_start3A_104] : memref<10240x128xf32, #tpu.memory_space<vmem_shared>> -> memref<128x128xf32, #tpu.memory_space<vmem_shared>>
      tpu.enqueue_dma source(%arg8 : memref<128x128xf32, #tpu.memory_space<vmem>>) target(%dma_start3A_105 : memref<128x128xf32, #tpu.memory_space<vmem_shared>>) target_semaphore(%run_scoped3A : memref<!tpu.dma_semaphore, #tpu.memory_space<semaphore_mem>>)
      %dma_wait3A = arith.constant 0 : i32
      %dma_wait3A_106 = tpu.memref_slice %arg12[%add3A_24, %dma_wait3A] : memref<10240x128xf32, #tpu.memory_space<vmem_shared>> -> memref<128x128xf32, #tpu.memory_space<vmem_shared>>
      %dma_wait3A_107 = arith.constant 0 : i32
      %dma_wait3A_108 = tpu.memref_slice %arg12[%add3A_24, %dma_wait3A_107] : memref<10240x128xf32, #tpu.memory_space<vmem_shared>> -> memref<128x128xf32, #tpu.memory_space<vmem_shared>>
      tpu.wait_dma2 semaphore(%run_scoped3A : memref<!tpu.dma_semaphore, #tpu.memory_space<semaphore_mem>>) src(%arg8 : memref<128x128xf32, #tpu.memory_space<vmem>>) dst(%dma_wait3A_108 : memref<128x128xf32, #tpu.memory_space<vmem_shared>>)
      tpu.yield
    }) : () -> ()
    %barrier3A = arith.constant 0 : index
    tpu.barrier barrier_id(%barrier3A)
    "tpu.region"() ({
      %run_scoped3A = tpu.sem_alloc : memref<!tpu.dma_semaphore, #tpu.memory_space<semaphore_mem>>
      %dma_start3A_102 = arith.constant 0 : i32
      %dma_start3A_103 = arith.constant 0 : i32
      %dma_start3A_104 = tpu.memref_slice %arg3[%arg1, %dma_start3A_102, %dma_start3A_103] : memref<16x80x128xi32, #tpu.memory_space<hbm>> -> memref<1x40x128xi32, #tpu.memory_space<hbm>>
      %dma_start3A_105 = tpu.memref_squeeze %dma_start3A_104 : memref<1x40x128xi32, #tpu.memory_space<hbm>> -> memref<40x128xi32, #tpu.memory_space<hbm>>
      %dma_start3A_106 = arith.constant 0 : i32
      %dma_start3A_107 = arith.constant 0 : i32
      %dma_start3A_108 = tpu.memref_slice %arg3[%arg1, %dma_start3A_106, %dma_start3A_107] : memref<16x80x128xi32, #tpu.memory_space<hbm>> -> memref<1x40x128xi32, #tpu.memory_space<hbm>>
      %dma_start3A_109 = tpu.memref_squeeze %dma_start3A_108 : memref<1x40x128xi32, #tpu.memory_space<hbm>> -> memref<40x128xi32, #tpu.memory_space<hbm>>
      tpu.enqueue_dma source(%dma_start3A_109 : memref<40x128xi32, #tpu.memory_space<hbm>>) target(%arg6 : memref<40x128xi32, #tpu.memory_space<vmem>>) target_semaphore(%run_scoped3A : memref<!tpu.dma_semaphore, #tpu.memory_space<semaphore_mem>>)
      %dma_wait3A = arith.constant 0 : i32
      %dma_wait3A_110 = arith.constant 0 : i32
      %dma_wait3A_111 = tpu.memref_slice %arg3[%arg1, %dma_wait3A, %dma_wait3A_110] : memref<16x80x128xi32, #tpu.memory_space<hbm>> -> memref<1x40x128xi32, #tpu.memory_space<hbm>>
      %dma_wait3A_112 = tpu.memref_squeeze %dma_wait3A_111 : memref<1x40x128xi32, #tpu.memory_space<hbm>> -> memref<40x128xi32, #tpu.memory_space<hbm>>
      %dma_wait3A_113 = arith.constant 0 : i32
      %dma_wait3A_114 = arith.constant 0 : i32
      %dma_wait3A_115 = tpu.memref_slice %arg3[%arg1, %dma_wait3A_113, %dma_wait3A_114] : memref<16x80x128xi32, #tpu.memory_space<hbm>> -> memref<1x40x128xi32, #tpu.memory_space<hbm>>
      %dma_wait3A_116 = tpu.memref_squeeze %dma_wait3A_115 : memref<1x40x128xi32, #tpu.memory_space<hbm>> -> memref<40x128xi32, #tpu.memory_space<hbm>>
      tpu.wait_dma2 semaphore(%run_scoped3A : memref<!tpu.dma_semaphore, #tpu.memory_space<semaphore_mem>>) src(%dma_wait3A_116 : memref<40x128xi32, #tpu.memory_space<hbm>>) dst(%arg6 : memref<40x128xi32, #tpu.memory_space<vmem>>)
      tpu.yield
    }) : () -> ()
    "tpu.region"() ({
      %run_scoped3A = tpu.sem_alloc : memref<!tpu.dma_semaphore, #tpu.memory_space<semaphore_mem>>
      %dma_start3A_102 = arith.constant 0 : i32
      %dma_start3A_103 = arith.constant 0 : i32
      %dma_start3A_104 = tpu.memref_slice %arg4[%arg1, %dma_start3A_102, %dma_start3A_103] : memref<16x80x128xi32, #tpu.memory_space<hbm>> -> memref<1x40x128xi32, #tpu.memory_space<hbm>>
      %dma_start3A_105 = tpu.memref_squeeze %dma_start3A_104 : memref<1x40x128xi32, #tpu.memory_space<hbm>> -> memref<40x128xi32, #tpu.memory_space<hbm>>
      %dma_start3A_106 = arith.constant 0 : i32
      %dma_start3A_107 = arith.constant 0 : i32
      %dma_start3A_108 = tpu.memref_slice %arg4[%arg1, %dma_start3A_106, %dma_start3A_107] : memref<16x80x128xi32, #tpu.memory_space<hbm>> -> memref<1x40x128xi32, #tpu.memory_space<hbm>>
      %dma_start3A_109 = tpu.memref_squeeze %dma_start3A_108 : memref<1x40x128xi32, #tpu.memory_space<hbm>> -> memref<40x128xi32, #tpu.memory_space<hbm>>
      tpu.enqueue_dma source(%dma_start3A_109 : memref<40x128xi32, #tpu.memory_space<hbm>>) target(%arg7 : memref<40x128xi32, #tpu.memory_space<vmem>>) target_semaphore(%run_scoped3A : memref<!tpu.dma_semaphore, #tpu.memory_space<semaphore_mem>>)
      %dma_wait3A = arith.constant 0 : i32
      %dma_wait3A_110 = arith.constant 0 : i32
      %dma_wait3A_111 = tpu.memref_slice %arg4[%arg1, %dma_wait3A, %dma_wait3A_110] : memref<16x80x128xi32, #tpu.memory_space<hbm>> -> memref<1x40x128xi32, #tpu.memory_space<hbm>>
      %dma_wait3A_112 = tpu.memref_squeeze %dma_wait3A_111 : memref<1x40x128xi32, #tpu.memory_space<hbm>> -> memref<40x128xi32, #tpu.memory_space<hbm>>
      %dma_wait3A_113 = arith.constant 0 : i32
      %dma_wait3A_114 = arith.constant 0 : i32
      %dma_wait3A_115 = tpu.memref_slice %arg4[%arg1, %dma_wait3A_113, %dma_wait3A_114] : memref<16x80x128xi32, #tpu.memory_space<hbm>> -> memref<1x40x128xi32, #tpu.memory_space<hbm>>
      %dma_wait3A_116 = tpu.memref_squeeze %dma_wait3A_115 : memref<1x40x128xi32, #tpu.memory_space<hbm>> -> memref<40x128xi32, #tpu.memory_space<hbm>>
      tpu.wait_dma2 semaphore(%run_scoped3A : memref<!tpu.dma_semaphore, #tpu.memory_space<semaphore_mem>>) src(%dma_wait3A_116 : memref<40x128xi32, #tpu.memory_space<hbm>>) dst(%arg7 : memref<40x128xi32, #tpu.memory_space<vmem>>)
      tpu.yield
    }) : () -> ()
    %scan3A_25 = arith.constant 0 : i32
    %scan3A_26 = arith.constant 0 : i32
    %scan3A_27 = arith.constant 40 : i32
    %scan3A_28 = arith.addi %scan3A_26, %scan3A_27 : i32
    %scan3A_29 = arith.constant 1 : i32
    scf.for %scan3A_102 = %scan3A_26 to %scan3A_28 step %scan3A_29  : i32 {
      %get3A = arith.index_cast %scan3A_102 : i32 to index
      %get3A_103 = arith.constant 0 : index
      %get3A_104 = tpu.vector_load %arg6[%get3A, %get3A_103] {strides = array<i32>} : memref<40x128xi32, #tpu.memory_space<vmem>>, vector<1x16xi32>,
      %get3A_105 = vector.shape_cast %get3A_104 : vector<1x16xi32> to vector<16xi32>
      %add3A_106 = vector.broadcast %mul3A_0 : i32 to vector<16xi32>
      %add3A_107 = arith.addi %get3A_105, %add3A_106 : vector<16xi32>
      %swap3A = arith.index_cast %scan3A_102 : i32 to index
      %swap3A_108 = arith.constant 0 : index
      %swap3A_109 = tpu.vector_load %arg6[%swap3A, %swap3A_108] {strides = array<i32>} : memref<40x128xi32, #tpu.memory_space<vmem>>, vector<1x16xi32>,
      %swap3A_110 = vector.shape_cast %swap3A_109 : vector<1x16xi32> to vector<16xi32>
      %swap3A_111 = vector.shape_cast %add3A_107 : vector<16xi32> to vector<1x16xi32>
      tpu.vector_store %arg6[%swap3A, %swap3A_108], %swap3A_111 {strides = array<i32>} : memref<40x128xi32, #tpu.memory_space<vmem>>, vector<1x16xi32>,
      %get3A_112 = arith.index_cast %scan3A_102 : i32 to index
      %get3A_113 = arith.constant 16 : index
      %get3A_114 = tpu.vector_load %arg6[%get3A_112, %get3A_113] {strides = array<i32>} : memref<40x128xi32, #tpu.memory_space<vmem>>, vector<1x16xi32>,
      %get3A_115 = vector.shape_cast %get3A_114 : vector<1x16xi32> to vector<16xi32>
      %add3A_116 = vector.broadcast %mul3A_0 : i32 to vector<16xi32>
      %add3A_117 = arith.addi %get3A_115, %add3A_116 : vector<16xi32>
      %swap3A_118 = arith.index_cast %scan3A_102 : i32 to index
      %swap3A_119 = arith.constant 16 : index
      %swap3A_120 = tpu.vector_load %arg6[%swap3A_118, %swap3A_119] {strides = array<i32>} : memref<40x128xi32, #tpu.memory_space<vmem>>, vector<1x16xi32>,
      %swap3A_121 = vector.shape_cast %swap3A_120 : vector<1x16xi32> to vector<16xi32>
      %swap3A_122 = vector.shape_cast %add3A_117 : vector<16xi32> to vector<1x16xi32>
      tpu.vector_store %arg6[%swap3A_118, %swap3A_119], %swap3A_122 {strides = array<i32>} : memref<40x128xi32, #tpu.memory_space<vmem>>, vector<1x16xi32>,
      %get3A_123 = arith.index_cast %scan3A_102 : i32 to index
      %get3A_124 = arith.constant 32 : index
      %get3A_125 = tpu.vector_load %arg6[%get3A_123, %get3A_124] {strides = array<i32>} : memref<40x128xi32, #tpu.memory_space<vmem>>, vector<1x16xi32>,
      %get3A_126 = vector.shape_cast %get3A_125 : vector<1x16xi32> to vector<16xi32>
      %add3A_127 = vector.broadcast %mul3A_0 : i32 to vector<16xi32>
      %add3A_128 = arith.addi %get3A_126, %add3A_127 : vector<16xi32>
      %swap3A_129 = arith.index_cast %scan3A_102 : i32 to index
      %swap3A_130 = arith.constant 32 : index
      %swap3A_131 = tpu.vector_load %arg6[%swap3A_129, %swap3A_130] {strides = array<i32>} : memref<40x128xi32, #tpu.memory_space<vmem>>, vector<1x16xi32>,
      %swap3A_132 = vector.shape_cast %swap3A_131 : vector<1x16xi32> to vector<16xi32>
      %swap3A_133 = vector.shape_cast %add3A_128 : vector<16xi32> to vector<1x16xi32>
      tpu.vector_store %arg6[%swap3A_129, %swap3A_130], %swap3A_133 {strides = array<i32>} : memref<40x128xi32, #tpu.memory_space<vmem>>, vector<1x16xi32>,
      %get3A_134 = arith.index_cast %scan3A_102 : i32 to index
      %get3A_135 = arith.constant 48 : index
      %get3A_136 = tpu.vector_load %arg6[%get3A_134, %get3A_135] {strides = array<i32>} : memref<40x128xi32, #tpu.memory_space<vmem>>, vector<1x16xi32>,
      %get3A_137 = vector.shape_cast %get3A_136 : vector<1x16xi32> to vector<16xi32>
      %add3A_138 = vector.broadcast %mul3A_0 : i32 to vector<16xi32>
      %add3A_139 = arith.addi %get3A_137, %add3A_138 : vector<16xi32>
      %swap3A_140 = arith.index_cast %scan3A_102 : i32 to index
      %swap3A_141 = arith.constant 48 : index
      %swap3A_142 = tpu.vector_load %arg6[%swap3A_140, %swap3A_141] {strides = array<i32>} : memref<40x128xi32, #tpu.memory_space<vmem>>, vector<1x16xi32>,
      %swap3A_143 = vector.shape_cast %swap3A_142 : vector<1x16xi32> to vector<16xi32>
      %swap3A_144 = vector.shape_cast %add3A_139 : vector<16xi32> to vector<1x16xi32>
      tpu.vector_store %arg6[%swap3A_140, %swap3A_141], %swap3A_144 {strides = array<i32>} : memref<40x128xi32, #tpu.memory_space<vmem>>, vector<1x16xi32>,
      %get3A_145 = arith.index_cast %scan3A_102 : i32 to index
      %get3A_146 = arith.constant 64 : index
      %get3A_147 = tpu.vector_load %arg6[%get3A_145, %get3A_146] {strides = array<i32>} : memref<40x128xi32, #tpu.memory_space<vmem>>, vector<1x16xi32>,
      %get3A_148 = vector.shape_cast %get3A_147 : vector<1x16xi32> to vector<16xi32>
      %add3A_149 = vector.broadcast %mul3A_0 : i32 to vector<16xi32>
      %add3A_150 = arith.addi %get3A_148, %add3A_149 : vector<16xi32>
      %swap3A_151 = arith.index_cast %scan3A_102 : i32 to index
      %swap3A_152 = arith.constant 64 : index
      %swap3A_153 = tpu.vector_load %arg6[%swap3A_151, %swap3A_152] {strides = array<i32>} : memref<40x128xi32, #tpu.memory_space<vmem>>, vector<1x16xi32>,
      %swap3A_154 = vector.shape_cast %swap3A_153 : vector<1x16xi32> to vector<16xi32>
      %swap3A_155 = vector.shape_cast %add3A_150 : vector<16xi32> to vector<1x16xi32>
      tpu.vector_store %arg6[%swap3A_151, %swap3A_152], %swap3A_155 {strides = array<i32>} : memref<40x128xi32, #tpu.memory_space<vmem>>, vector<1x16xi32>,
      %get3A_156 = arith.index_cast %scan3A_102 : i32 to index
      %get3A_157 = arith.constant 80 : index
      %get3A_158 = tpu.vector_load %arg6[%get3A_156, %get3A_157] {strides = array<i32>} : memref<40x128xi32, #tpu.memory_space<vmem>>, vector<1x16xi32>,
      %get3A_159 = vector.shape_cast %get3A_158 : vector<1x16xi32> to vector<16xi32>
      %add3A_160 = vector.broadcast %mul3A_0 : i32 to vector<16xi32>
      %add3A_161 = arith.addi %get3A_159, %add3A_160 : vector<16xi32>
      %swap3A_162 = arith.index_cast %scan3A_102 : i32 to index
      %swap3A_163 = arith.constant 80 : index
      %swap3A_164 = tpu.vector_load %arg6[%swap3A_162, %swap3A_163] {strides = array<i32>} : memref<40x128xi32, #tpu.memory_space<vmem>>, vector<1x16xi32>,
      %swap3A_165 = vector.shape_cast %swap3A_164 : vector<1x16xi32> to vector<16xi32>
      %swap3A_166 = vector.shape_cast %add3A_161 : vector<16xi32> to vector<1x16xi32>
      tpu.vector_store %arg6[%swap3A_162, %swap3A_163], %swap3A_166 {strides = array<i32>} : memref<40x128xi32, #tpu.memory_space<vmem>>, vector<1x16xi32>,
      %get3A_167 = arith.index_cast %scan3A_102 : i32 to index
      %get3A_168 = arith.constant 96 : index
      %get3A_169 = tpu.vector_load %arg6[%get3A_167, %get3A_168] {strides = array<i32>} : memref<40x128xi32, #tpu.memory_space<vmem>>, vector<1x16xi32>,
      %get3A_170 = vector.shape_cast %get3A_169 : vector<1x16xi32> to vector<16xi32>
      %add3A_171 = vector.broadcast %mul3A_0 : i32 to vector<16xi32>
      %add3A_172 = arith.addi %get3A_170, %add3A_171 : vector<16xi32>
      %swap3A_173 = arith.index_cast %scan3A_102 : i32 to index
      %swap3A_174 = arith.constant 96 : index
      %swap3A_175 = tpu.vector_load %arg6[%swap3A_173, %swap3A_174] {strides = array<i32>} : memref<40x128xi32, #tpu.memory_space<vmem>>, vector<1x16xi32>,
      %swap3A_176 = vector.shape_cast %swap3A_175 : vector<1x16xi32> to vector<16xi32>
      %swap3A_177 = vector.shape_cast %add3A_172 : vector<16xi32> to vector<1x16xi32>
      tpu.vector_store %arg6[%swap3A_173, %swap3A_174], %swap3A_177 {strides = array<i32>} : memref<40x128xi32, #tpu.memory_space<vmem>>, vector<1x16xi32>,
      %get3A_178 = arith.index_cast %scan3A_102 : i32 to index
      %get3A_179 = arith.constant 112 : index
      %get3A_180 = tpu.vector_load %arg6[%get3A_178, %get3A_179] {strides = array<i32>} : memref<40x128xi32, #tpu.memory_space<vmem>>, vector<1x16xi32>,
      %get3A_181 = vector.shape_cast %get3A_180 : vector<1x16xi32> to vector<16xi32>
      %add3A_182 = vector.broadcast %mul3A_0 : i32 to vector<16xi32>
      %add3A_183 = arith.addi %get3A_181, %add3A_182 : vector<16xi32>
      %swap3A_184 = arith.index_cast %scan3A_102 : i32 to index
      %swap3A_185 = arith.constant 112 : index
      %swap3A_186 = tpu.vector_load %arg6[%swap3A_184, %swap3A_185] {strides = array<i32>} : memref<40x128xi32, #tpu.memory_space<vmem>>, vector<1x16xi32>,
      %swap3A_187 = vector.shape_cast %swap3A_186 : vector<1x16xi32> to vector<16xi32>
      %swap3A_188 = vector.shape_cast %add3A_183 : vector<16xi32> to vector<1x16xi32>
      tpu.vector_store %arg6[%swap3A_184, %swap3A_185], %swap3A_188 {strides = array<i32>} : memref<40x128xi32, #tpu.memory_space<vmem>>, vector<1x16xi32>,
    }
    %scan3A_30 = arith.constant 40 : i32
    %dma_start3A = arith.constant 0 : i32
    %dma_start3A_31 = arith.constant 0 : i32
    %dma_start3A_32 = tpu.memref_slice %arg6[%dma_start3A, %dma_start3A_31] : memref<40x128xi32, #tpu.memory_space<vmem>> -> memref<1x128xi32, #tpu.memory_space<vmem>>
    %dma_start3A_33 = tpu.memref_squeeze %dma_start3A_32 : memref<1x128xi32, #tpu.memory_space<vmem>> -> memref<128xi32, #tpu.memory_space<vmem>>
    %dma_start3A_34 = arith.constant 0 : i32
    %dma_start3A_35 = arith.constant 0 : i32
    %dma_start3A_36 = tpu.memref_slice %arg2[%dma_start3A_34, %dma_start3A_35] : memref<20480x128xf32, #tpu.memory_space<hbm>> -> memref<20480x128xf32, #tpu.memory_space<hbm>>
    tpu.enqueue_indirect_dma source(%dma_start3A_36 : memref<20480x128xf32, #tpu.memory_space<hbm>>) target(%arg8 : memref<128x128xf32, #tpu.memory_space<vmem>>) offsets(%dma_start3A_33 : memref<128xi32, #tpu.memory_space<vmem>>) semaphore(%arg10 : memref<!tpu.dma_semaphore, #tpu.memory_space<semaphore_mem>>)
    %dma_start3A_37 = arith.constant 1 : i32
    %dma_start3A_38 = arith.constant 0 : i32
    %dma_start3A_39 = tpu.memref_slice %arg6[%dma_start3A_37, %dma_start3A_38] : memref<40x128xi32, #tpu.memory_space<vmem>> -> memref<1x128xi32, #tpu.memory_space<vmem>>
    %dma_start3A_40 = tpu.memref_squeeze %dma_start3A_39 : memref<1x128xi32, #tpu.memory_space<vmem>> -> memref<128xi32, #tpu.memory_space<vmem>>
    %dma_start3A_41 = arith.constant 0 : i32
    %dma_start3A_42 = arith.constant 0 : i32
    %dma_start3A_43 = tpu.memref_slice %arg2[%dma_start3A_41, %dma_start3A_42] : memref<20480x128xf32, #tpu.memory_space<hbm>> -> memref<20480x128xf32, #tpu.memory_space<hbm>>
    tpu.enqueue_indirect_dma source(%dma_start3A_43 : memref<20480x128xf32, #tpu.memory_space<hbm>>) target(%arg9 : memref<128x128xf32, #tpu.memory_space<vmem>>) offsets(%dma_start3A_40 : memref<128xi32, #tpu.memory_space<vmem>>) semaphore(%arg11 : memref<!tpu.dma_semaphore, #tpu.memory_space<semaphore_mem>>)
    %scan3A_44 = arith.constant 0 : i32
    %scan3A_45 = arith.constant 0 : i32
    %scan3A_46 = arith.constant 20 : i32
    %scan3A_47 = arith.addi %scan3A_45, %scan3A_46 : i32
    %scan3A_48 = arith.constant 1 : i32
    scf.for %scan3A_102 = %scan3A_45 to %scan3A_47 step %scan3A_48  : i32 {
      %mul3A_103 = arith.constant 2 : i32
      %mul3A_104 = arith.muli %mul3A_103, %scan3A_102 : i32
      %dma_wait3A = arith.constant 0 : i32
      %dma_wait3A_105 = tpu.memref_slice %arg6[%mul3A_104, %dma_wait3A] : memref<40x128xi32, #tpu.memory_space<vmem>> -> memref<1x128xi32, #tpu.memory_space<vmem>>
      %dma_wait3A_106 = tpu.memref_squeeze %dma_wait3A_105 : memref<1x128xi32, #tpu.memory_space<vmem>> -> memref<128xi32, #tpu.memory_space<vmem>>
      %dma_wait3A_107 = arith.constant 0 : i32
      %dma_wait3A_108 = arith.constant 0 : i32
      %dma_wait3A_109 = tpu.memref_slice %arg2[%dma_wait3A_107, %dma_wait3A_108] : memref<20480x128xf32, #tpu.memory_space<hbm>> -> memref<20480x128xf32, #tpu.memory_space<hbm>>
      tpu.wait_indirect_dma semaphore(%arg10 : memref<!tpu.dma_semaphore, #tpu.memory_space<semaphore_mem>>) src(%dma_wait3A_109 : memref<20480x128xf32, #tpu.memory_space<hbm>>) dst(%arg8 : memref<128x128xf32, #tpu.memory_space<vmem>>)
      "tpu.region"() ({
        %run_scoped3A = tpu.sem_alloc : memref<!tpu.dma_semaphore, #tpu.memory_space<semaphore_mem>>
        %dma_start3A_129 = arith.constant 0 : i32
        %dma_start3A_130 = tpu.memref_slice %arg7[%mul3A_104, %dma_start3A_129] : memref<40x128xi32, #tpu.memory_space<vmem>> -> memref<1x128xi32, #tpu.memory_space<vmem>>
        %dma_start3A_131 = tpu.memref_squeeze %dma_start3A_130 : memref<1x128xi32, #tpu.memory_space<vmem>> -> memref<128xi32, #tpu.memory_space<vmem>>
        %dma_start3A_132 = arith.constant 0 : i32
        %dma_start3A_133 = arith.constant 0 : i32
        %dma_start3A_134 = tpu.memref_slice %arg12[%dma_start3A_132, %dma_start3A_133] : memref<10240x128xf32, #tpu.memory_space<vmem_shared>> -> memref<10240x128xf32, #tpu.memory_space<vmem_shared>>
        tpu.enqueue_indirect_dma source(%arg8 : memref<128x128xf32, #tpu.memory_space<vmem>>) target(%dma_start3A_134 : memref<10240x128xf32, #tpu.memory_space<vmem_shared>>) offsets(%dma_start3A_131 : memref<128xi32, #tpu.memory_space<vmem>>) semaphore(%run_scoped3A : memref<!tpu.dma_semaphore, #tpu.memory_space<semaphore_mem>>) {add = true}
        %dma_wait3A_135 = arith.constant 0 : i32
        %dma_wait3A_136 = tpu.memref_slice %arg7[%mul3A_104, %dma_wait3A_135] : memref<40x128xi32, #tpu.memory_space<vmem>> -> memref<1x128xi32, #tpu.memory_space<vmem>>
        %dma_wait3A_137 = tpu.memref_squeeze %dma_wait3A_136 : memref<1x128xi32, #tpu.memory_space<vmem>> -> memref<128xi32, #tpu.memory_space<vmem>>
        %dma_wait3A_138 = arith.constant 0 : i32
        %dma_wait3A_139 = arith.constant 0 : i32
        %dma_wait3A_140 = tpu.memref_slice %arg12[%dma_wait3A_138, %dma_wait3A_139] : memref<10240x128xf32, #tpu.memory_space<vmem_shared>> -> memref<10240x128xf32, #tpu.memory_space<vmem_shared>>
        tpu.wait_indirect_dma semaphore(%run_scoped3A : memref<!tpu.dma_semaphore, #tpu.memory_space<semaphore_mem>>) src(%arg8 : memref<128x128xf32, #tpu.memory_space<vmem>>) dst(%dma_wait3A_140 : memref<10240x128xf32, #tpu.memory_space<vmem_shared>>)
        tpu.yield
      }) : () -> ()
      %add3A_110 = arith.constant 2 : i32
      %add3A_111 = arith.addi %mul3A_104, %add3A_110 : i32
      %lt3A = arith.constant 40 : i32
      %lt3A_112 = arith.cmpi slt, %add3A_111, %lt3A : i32
      %convert_element_type3A = arith.extui %lt3A_112 : i1 to i32
      %cond3A = arith.constant 0 : i32
      %cond3A_113 = arith.cmpi ne, %convert_element_type3A, %cond3A : i32
      scf.if %cond3A_113 {
        %add3A_129 = arith.constant 2 : i32
        %add3A_130 = arith.addi %mul3A_104, %add3A_129 : i32
        %dma_start3A_131 = arith.constant 0 : i32
        %dma_start3A_132 = tpu.memref_slice %arg6[%add3A_130, %dma_start3A_131] : memref<40x128xi32, #tpu.memory_space<vmem>> -> memref<1x128xi32, #tpu.memory_space<vmem>>
        %dma_start3A_133 = tpu.memref_squeeze %dma_start3A_132 : memref<1x128xi32, #tpu.memory_space<vmem>> -> memref<128xi32, #tpu.memory_space<vmem>>
        %dma_start3A_134 = arith.constant 0 : i32
        %dma_start3A_135 = arith.constant 0 : i32
        %dma_start3A_136 = tpu.memref_slice %arg2[%dma_start3A_134, %dma_start3A_135] : memref<20480x128xf32, #tpu.memory_space<hbm>> -> memref<20480x128xf32, #tpu.memory_space<hbm>>
        tpu.enqueue_indirect_dma source(%dma_start3A_136 : memref<20480x128xf32, #tpu.memory_space<hbm>>) target(%arg8 : memref<128x128xf32, #tpu.memory_space<vmem>>) offsets(%dma_start3A_133 : memref<128xi32, #tpu.memory_space<vmem>>) semaphore(%arg10 : memref<!tpu.dma_semaphore, #tpu.memory_space<semaphore_mem>>)
      } else {
      }
      %add3A_114 = arith.constant 1 : i32
      %add3A_115 = arith.addi %mul3A_104, %add3A_114 : i32
      %dma_wait3A_116 = arith.constant 0 : i32
      %dma_wait3A_117 = tpu.memref_slice %arg6[%add3A_115, %dma_wait3A_116] : memref<40x128xi32, #tpu.memory_space<vmem>> -> memref<1x128xi32, #tpu.memory_space<vmem>>
      %dma_wait3A_118 = tpu.memref_squeeze %dma_wait3A_117 : memref<1x128xi32, #tpu.memory_space<vmem>> -> memref<128xi32, #tpu.memory_space<vmem>>
      %dma_wait3A_119 = arith.constant 0 : i32
      %dma_wait3A_120 = arith.constant 0 : i32
      %dma_wait3A_121 = tpu.memref_slice %arg2[%dma_wait3A_119, %dma_wait3A_120] : memref<20480x128xf32, #tpu.memory_space<hbm>> -> memref<20480x128xf32, #tpu.memory_space<hbm>>
      tpu.wait_indirect_dma semaphore(%arg11 : memref<!tpu.dma_semaphore, #tpu.memory_space<semaphore_mem>>) src(%dma_wait3A_121 : memref<20480x128xf32, #tpu.memory_space<hbm>>) dst(%arg9 : memref<128x128xf32, #tpu.memory_space<vmem>>)
      "tpu.region"() ({
        %run_scoped3A = tpu.sem_alloc : memref<!tpu.dma_semaphore, #tpu.memory_space<semaphore_mem>>
        %dma_start3A_129 = arith.constant 0 : i32
        %dma_start3A_130 = tpu.memref_slice %arg7[%add3A_115, %dma_start3A_129] : memref<40x128xi32, #tpu.memory_space<vmem>> -> memref<1x128xi32, #tpu.memory_space<vmem>>
        %dma_start3A_131 = tpu.memref_squeeze %dma_start3A_130 : memref<1x128xi32, #tpu.memory_space<vmem>> -> memref<128xi32, #tpu.memory_space<vmem>>
        %dma_start3A_132 = arith.constant 0 : i32
        %dma_start3A_133 = arith.constant 0 : i32
        %dma_start3A_134 = tpu.memref_slice %arg12[%dma_start3A_132, %dma_start3A_133] : memref<10240x128xf32, #tpu.memory_space<vmem_shared>> -> memref<10240x128xf32, #tpu.memory_space<vmem_shared>>
        tpu.enqueue_indirect_dma source(%arg9 : memref<128x128xf32, #tpu.memory_space<vmem>>) target(%dma_start3A_134 : memref<10240x128xf32, #tpu.memory_space<vmem_shared>>) offsets(%dma_start3A_131 : memref<128xi32, #tpu.memory_space<vmem>>) semaphore(%run_scoped3A : memref<!tpu.dma_semaphore, #tpu.memory_space<semaphore_mem>>) {add = true}
        %dma_wait3A_135 = arith.constant 0 : i32
        %dma_wait3A_136 = tpu.memref_slice %arg7[%add3A_115, %dma_wait3A_135] : memref<40x128xi32, #tpu.memory_space<vmem>> -> memref<1x128xi32, #tpu.memory_space<vmem>>
        %dma_wait3A_137 = tpu.memref_squeeze %dma_wait3A_136 : memref<1x128xi32, #tpu.memory_space<vmem>> -> memref<128xi32, #tpu.memory_space<vmem>>
        %dma_wait3A_138 = arith.constant 0 : i32
        %dma_wait3A_139 = arith.constant 0 : i32
        %dma_wait3A_140 = tpu.memref_slice %arg12[%dma_wait3A_138, %dma_wait3A_139] : memref<10240x128xf32, #tpu.memory_space<vmem_shared>> -> memref<10240x128xf32, #tpu.memory_space<vmem_shared>>
        tpu.wait_indirect_dma semaphore(%run_scoped3A : memref<!tpu.dma_semaphore, #tpu.memory_space<semaphore_mem>>) src(%arg9 : memref<128x128xf32, #tpu.memory_space<vmem>>) dst(%dma_wait3A_140 : memref<10240x128xf32, #tpu.memory_space<vmem_shared>>)
        tpu.yield
      }) : () -> ()
      %add3A_122 = arith.constant 2 : i32
      %add3A_123 = arith.addi %add3A_115, %add3A_122 : i32
      %lt3A_124 = arith.constant 40 : i32
      %lt3A_125 = arith.cmpi slt, %add3A_123, %lt3A_124 : i32
      %convert_element_type3A_126 = arith.extui %lt3A_125 : i1 to i32
      %cond3A_127 = arith.constant 0 : i32
      %cond3A_128 = arith.cmpi ne, %convert_element_type3A_126, %cond3A_127 : i32
      scf.if %cond3A_128 {
        %add3A_129 = arith.constant 2 : i32
        %add3A_130 = arith.addi %add3A_115, %add3A_129 : i32
        %dma_start3A_131 = arith.constant 0 : i32
        %dma_start3A_132 = tpu.memref_slice %arg6[%add3A_130, %dma_start3A_131] : memref<40x128xi32, #tpu.memory_space<vmem>> -> memref<1x128xi32, #tpu.memory_space<vmem>>
        %dma_start3A_133 = tpu.memref_squeeze %dma_start3A_132 : memref<1x128xi32, #tpu.memory_space<vmem>> -> memref<128xi32, #tpu.memory_space<vmem>>
        %dma_start3A_134 = arith.constant 0 : i32
        %dma_start3A_135 = arith.constant 0 : i32
        %dma_start3A_136 = tpu.memref_slice %arg2[%dma_start3A_134, %dma_start3A_135] : memref<20480x128xf32, #tpu.memory_space<hbm>> -> memref<20480x128xf32, #tpu.memory_space<hbm>>
        tpu.enqueue_indirect_dma source(%dma_start3A_136 : memref<20480x128xf32, #tpu.memory_space<hbm>>) target(%arg9 : memref<128x128xf32, #tpu.memory_space<vmem>>) offsets(%dma_start3A_133 : memref<128xi32, #tpu.memory_space<vmem>>) semaphore(%arg11 : memref<!tpu.dma_semaphore, #tpu.memory_space<semaphore_mem>>)
      } else {
      }
    }
    %scan3A_49 = arith.constant 20 : i32
    "tpu.region"() ({
      %run_scoped3A = tpu.sem_alloc : memref<!tpu.dma_semaphore, #tpu.memory_space<semaphore_mem>>
      %dma_start3A_102 = arith.constant 40 : i32
      %dma_start3A_103 = arith.constant 0 : i32
      %dma_start3A_104 = tpu.memref_slice %arg3[%arg1, %dma_start3A_102, %dma_start3A_103] : memref<16x80x128xi32, #tpu.memory_space<hbm>> -> memref<1x40x128xi32, #tpu.memory_space<hbm>>
      %dma_start3A_105 = tpu.memref_squeeze %dma_start3A_104 : memref<1x40x128xi32, #tpu.memory_space<hbm>> -> memref<40x128xi32, #tpu.memory_space<hbm>>
      %dma_start3A_106 = arith.constant 40 : i32
      %dma_start3A_107 = arith.constant 0 : i32
      %dma_start3A_108 = tpu.memref_slice %arg3[%arg1, %dma_start3A_106, %dma_start3A_107] : memref<16x80x128xi32, #tpu.memory_space<hbm>> -> memref<1x40x128xi32, #tpu.memory_space<hbm>>
      %dma_start3A_109 = tpu.memref_squeeze %dma_start3A_108 : memref<1x40x128xi32, #tpu.memory_space<hbm>> -> memref<40x128xi32, #tpu.memory_space<hbm>>
      tpu.enqueue_dma source(%dma_start3A_109 : memref<40x128xi32, #tpu.memory_space<hbm>>) target(%arg6 : memref<40x128xi32, #tpu.memory_space<vmem>>) target_semaphore(%run_scoped3A : memref<!tpu.dma_semaphore, #tpu.memory_space<semaphore_mem>>)
      %dma_wait3A = arith.constant 40 : i32
      %dma_wait3A_110 = arith.constant 0 : i32
      %dma_wait3A_111 = tpu.memref_slice %arg3[%arg1, %dma_wait3A, %dma_wait3A_110] : memref<16x80x128xi32, #tpu.memory_space<hbm>> -> memref<1x40x128xi32, #tpu.memory_space<hbm>>
      %dma_wait3A_112 = tpu.memref_squeeze %dma_wait3A_111 : memref<1x40x128xi32, #tpu.memory_space<hbm>> -> memref<40x128xi32, #tpu.memory_space<hbm>>
      %dma_wait3A_113 = arith.constant 40 : i32
      %dma_wait3A_114 = arith.constant 0 : i32
      %dma_wait3A_115 = tpu.memref_slice %arg3[%arg1, %dma_wait3A_113, %dma_wait3A_114] : memref<16x80x128xi32, #tpu.memory_space<hbm>> -> memref<1x40x128xi32, #tpu.memory_space<hbm>>
      %dma_wait3A_116 = tpu.memref_squeeze %dma_wait3A_115 : memref<1x40x128xi32, #tpu.memory_space<hbm>> -> memref<40x128xi32, #tpu.memory_space<hbm>>
      tpu.wait_dma2 semaphore(%run_scoped3A : memref<!tpu.dma_semaphore, #tpu.memory_space<semaphore_mem>>) src(%dma_wait3A_116 : memref<40x128xi32, #tpu.memory_space<hbm>>) dst(%arg6 : memref<40x128xi32, #tpu.memory_space<vmem>>)
      tpu.yield
    }) : () -> ()
    "tpu.region"() ({
      %run_scoped3A = tpu.sem_alloc : memref<!tpu.dma_semaphore, #tpu.memory_space<semaphore_mem>>
      %dma_start3A_102 = arith.constant 40 : i32
      %dma_start3A_103 = arith.constant 0 : i32
      %dma_start3A_104 = tpu.memref_slice %arg4[%arg1, %dma_start3A_102, %dma_start3A_103] : memref<16x80x128xi32, #tpu.memory_space<hbm>> -> memref<1x40x128xi32, #tpu.memory_space<hbm>>
      %dma_start3A_105 = tpu.memref_squeeze %dma_start3A_104 : memref<1x40x128xi32, #tpu.memory_space<hbm>> -> memref<40x128xi32, #tpu.memory_space<hbm>>
      %dma_start3A_106 = arith.constant 40 : i32
      %dma_start3A_107 = arith.constant 0 : i32
      %dma_start3A_108 = tpu.memref_slice %arg4[%arg1, %dma_start3A_106, %dma_start3A_107] : memref<16x80x128xi32, #tpu.memory_space<hbm>> -> memref<1x40x128xi32, #tpu.memory_space<hbm>>
      %dma_start3A_109 = tpu.memref_squeeze %dma_start3A_108 : memref<1x40x128xi32, #tpu.memory_space<hbm>> -> memref<40x128xi32, #tpu.memory_space<hbm>>
      tpu.enqueue_dma source(%dma_start3A_109 : memref<40x128xi32, #tpu.memory_space<hbm>>) target(%arg7 : memref<40x128xi32, #tpu.memory_space<vmem>>) target_semaphore(%run_scoped3A : memref<!tpu.dma_semaphore, #tpu.memory_space<semaphore_mem>>)
      %dma_wait3A = arith.constant 40 : i32
      %dma_wait3A_110 = arith.constant 0 : i32
      %dma_wait3A_111 = tpu.memref_slice %arg4[%arg1, %dma_wait3A, %dma_wait3A_110] : memref<16x80x128xi32, #tpu.memory_space<hbm>> -> memref<1x40x128xi32, #tpu.memory_space<hbm>>
      %dma_wait3A_112 = tpu.memref_squeeze %dma_wait3A_111 : memref<1x40x128xi32, #tpu.memory_space<hbm>> -> memref<40x128xi32, #tpu.memory_space<hbm>>
      %dma_wait3A_113 = arith.constant 40 : i32
      %dma_wait3A_114 = arith.constant 0 : i32
      %dma_wait3A_115 = tpu.memref_slice %arg4[%arg1, %dma_wait3A_113, %dma_wait3A_114] : memref<16x80x128xi32, #tpu.memory_space<hbm>> -> memref<1x40x128xi32, #tpu.memory_space<hbm>>
      %dma_wait3A_116 = tpu.memref_squeeze %dma_wait3A_115 : memref<1x40x128xi32, #tpu.memory_space<hbm>> -> memref<40x128xi32, #tpu.memory_space<hbm>>
      tpu.wait_dma2 semaphore(%run_scoped3A : memref<!tpu.dma_semaphore, #tpu.memory_space<semaphore_mem>>) src(%dma_wait3A_116 : memref<40x128xi32, #tpu.memory_space<hbm>>) dst(%arg7 : memref<40x128xi32, #tpu.memory_space<vmem>>)
      tpu.yield
    }) : () -> ()
    %scan3A_50 = arith.constant 0 : i32
    %scan3A_51 = arith.constant 0 : i32
    %scan3A_52 = arith.constant 40 : i32
    %scan3A_53 = arith.addi %scan3A_51, %scan3A_52 : i32
    %scan3A_54 = arith.constant 1 : i32
    scf.for %scan3A_102 = %scan3A_51 to %scan3A_53 step %scan3A_54  : i32 {
      %get3A = arith.index_cast %scan3A_102 : i32 to index
      %get3A_103 = arith.constant 0 : index
      %get3A_104 = tpu.vector_load %arg6[%get3A, %get3A_103] {strides = array<i32>} : memref<40x128xi32, #tpu.memory_space<vmem>>, vector<1x16xi32>,
      %get3A_105 = vector.shape_cast %get3A_104 : vector<1x16xi32> to vector<16xi32>
      %add3A_106 = vector.broadcast %mul3A_0 : i32 to vector<16xi32>
      %add3A_107 = arith.addi %get3A_105, %add3A_106 : vector<16xi32>
      %swap3A = arith.index_cast %scan3A_102 : i32 to index
      %swap3A_108 = arith.constant 0 : index
      %swap3A_109 = tpu.vector_load %arg6[%swap3A, %swap3A_108] {strides = array<i32>} : memref<40x128xi32, #tpu.memory_space<vmem>>, vector<1x16xi32>,
      %swap3A_110 = vector.shape_cast %swap3A_109 : vector<1x16xi32> to vector<16xi32>
      %swap3A_111 = vector.shape_cast %add3A_107 : vector<16xi32> to vector<1x16xi32>
      tpu.vector_store %arg6[%swap3A, %swap3A_108], %swap3A_111 {strides = array<i32>} : memref<40x128xi32, #tpu.memory_space<vmem>>, vector<1x16xi32>,
      %get3A_112 = arith.index_cast %scan3A_102 : i32 to index
      %get3A_113 = arith.constant 16 : index
      %get3A_114 = tpu.vector_load %arg6[%get3A_112, %get3A_113] {strides = array<i32>} : memref<40x128xi32, #tpu.memory_space<vmem>>, vector<1x16xi32>,
      %get3A_115 = vector.shape_cast %get3A_114 : vector<1x16xi32> to vector<16xi32>
      %add3A_116 = vector.broadcast %mul3A_0 : i32 to vector<16xi32>
      %add3A_117 = arith.addi %get3A_115, %add3A_116 : vector<16xi32>
      %swap3A_118 = arith.index_cast %scan3A_102 : i32 to index
      %swap3A_119 = arith.constant 16 : index
      %swap3A_120 = tpu.vector_load %arg6[%swap3A_118, %swap3A_119] {strides = array<i32>} : memref<40x128xi32, #tpu.memory_space<vmem>>, vector<1x16xi32>,
      %swap3A_121 = vector.shape_cast %swap3A_120 : vector<1x16xi32> to vector<16xi32>
      %swap3A_122 = vector.shape_cast %add3A_117 : vector<16xi32> to vector<1x16xi32>
      tpu.vector_store %arg6[%swap3A_118, %swap3A_119], %swap3A_122 {strides = array<i32>} : memref<40x128xi32, #tpu.memory_space<vmem>>, vector<1x16xi32>,
      %get3A_123 = arith.index_cast %scan3A_102 : i32 to index
      %get3A_124 = arith.constant 32 : index
      %get3A_125 = tpu.vector_load %arg6[%get3A_123, %get3A_124] {strides = array<i32>} : memref<40x128xi32, #tpu.memory_space<vmem>>, vector<1x16xi32>,
      %get3A_126 = vector.shape_cast %get3A_125 : vector<1x16xi32> to vector<16xi32>
      %add3A_127 = vector.broadcast %mul3A_0 : i32 to vector<16xi32>
      %add3A_128 = arith.addi %get3A_126, %add3A_127 : vector<16xi32>
      %swap3A_129 = arith.index_cast %scan3A_102 : i32 to index
      %swap3A_130 = arith.constant 32 : index
      %swap3A_131 = tpu.vector_load %arg6[%swap3A_129, %swap3A_130] {strides = array<i32>} : memref<40x128xi32, #tpu.memory_space<vmem>>, vector<1x16xi32>,
      %swap3A_132 = vector.shape_cast %swap3A_131 : vector<1x16xi32> to vector<16xi32>
      %swap3A_133 = vector.shape_cast %add3A_128 : vector<16xi32> to vector<1x16xi32>
      tpu.vector_store %arg6[%swap3A_129, %swap3A_130], %swap3A_133 {strides = array<i32>} : memref<40x128xi32, #tpu.memory_space<vmem>>, vector<1x16xi32>,
      %get3A_134 = arith.index_cast %scan3A_102 : i32 to index
      %get3A_135 = arith.constant 48 : index
      %get3A_136 = tpu.vector_load %arg6[%get3A_134, %get3A_135] {strides = array<i32>} : memref<40x128xi32, #tpu.memory_space<vmem>>, vector<1x16xi32>,
      %get3A_137 = vector.shape_cast %get3A_136 : vector<1x16xi32> to vector<16xi32>
      %add3A_138 = vector.broadcast %mul3A_0 : i32 to vector<16xi32>
      %add3A_139 = arith.addi %get3A_137, %add3A_138 : vector<16xi32>
      %swap3A_140 = arith.index_cast %scan3A_102 : i32 to index
      %swap3A_141 = arith.constant 48 : index
      %swap3A_142 = tpu.vector_load %arg6[%swap3A_140, %swap3A_141] {strides = array<i32>} : memref<40x128xi32, #tpu.memory_space<vmem>>, vector<1x16xi32>,
      %swap3A_143 = vector.shape_cast %swap3A_142 : vector<1x16xi32> to vector<16xi32>
      %swap3A_144 = vector.shape_cast %add3A_139 : vector<16xi32> to vector<1x16xi32>
      tpu.vector_store %arg6[%swap3A_140, %swap3A_141], %swap3A_144 {strides = array<i32>} : memref<40x128xi32, #tpu.memory_space<vmem>>, vector<1x16xi32>,
      %get3A_145 = arith.index_cast %scan3A_102 : i32 to index
      %get3A_146 = arith.constant 64 : index
      %get3A_147 = tpu.vector_load %arg6[%get3A_145, %get3A_146] {strides = array<i32>} : memref<40x128xi32, #tpu.memory_space<vmem>>, vector<1x16xi32>,
      %get3A_148 = vector.shape_cast %get3A_147 : vector<1x16xi32> to vector<16xi32>
      %add3A_149 = vector.broadcast %mul3A_0 : i32 to vector<16xi32>
      %add3A_150 = arith.addi %get3A_148, %add3A_149 : vector<16xi32>
      %swap3A_151 = arith.index_cast %scan3A_102 : i32 to index
      %swap3A_152 = arith.constant 64 : index
      %swap3A_153 = tpu.vector_load %arg6[%swap3A_151, %swap3A_152] {strides = array<i32>} : memref<40x128xi32, #tpu.memory_space<vmem>>, vector<1x16xi32>,
      %swap3A_154 = vector.shape_cast %swap3A_153 : vector<1x16xi32> to vector<16xi32>
      %swap3A_155 = vector.shape_cast %add3A_150 : vector<16xi32> to vector<1x16xi32>
      tpu.vector_store %arg6[%swap3A_151, %swap3A_152], %swap3A_155 {strides = array<i32>} : memref<40x128xi32, #tpu.memory_space<vmem>>, vector<1x16xi32>,
      %get3A_156 = arith.index_cast %scan3A_102 : i32 to index
      %get3A_157 = arith.constant 80 : index
      %get3A_158 = tpu.vector_load %arg6[%get3A_156, %get3A_157] {strides = array<i32>} : memref<40x128xi32, #tpu.memory_space<vmem>>, vector<1x16xi32>,
      %get3A_159 = vector.shape_cast %get3A_158 : vector<1x16xi32> to vector<16xi32>
      %add3A_160 = vector.broadcast %mul3A_0 : i32 to vector<16xi32>
      %add3A_161 = arith.addi %get3A_159, %add3A_160 : vector<16xi32>
      %swap3A_162 = arith.index_cast %scan3A_102 : i32 to index
      %swap3A_163 = arith.constant 80 : index
      %swap3A_164 = tpu.vector_load %arg6[%swap3A_162, %swap3A_163] {strides = array<i32>} : memref<40x128xi32, #tpu.memory_space<vmem>>, vector<1x16xi32>,
      %swap3A_165 = vector.shape_cast %swap3A_164 : vector<1x16xi32> to vector<16xi32>
      %swap3A_166 = vector.shape_cast %add3A_161 : vector<16xi32> to vector<1x16xi32>
      tpu.vector_store %arg6[%swap3A_162, %swap3A_163], %swap3A_166 {strides = array<i32>} : memref<40x128xi32, #tpu.memory_space<vmem>>, vector<1x16xi32>,
      %get3A_167 = arith.index_cast %scan3A_102 : i32 to index
      %get3A_168 = arith.constant 96 : index
      %get3A_169 = tpu.vector_load %arg6[%get3A_167, %get3A_168] {strides = array<i32>} : memref<40x128xi32, #tpu.memory_space<vmem>>, vector<1x16xi32>,
      %get3A_170 = vector.shape_cast %get3A_169 : vector<1x16xi32> to vector<16xi32>
      %add3A_171 = vector.broadcast %mul3A_0 : i32 to vector<16xi32>
      %add3A_172 = arith.addi %get3A_170, %add3A_171 : vector<16xi32>
      %swap3A_173 = arith.index_cast %scan3A_102 : i32 to index
      %swap3A_174 = arith.constant 96 : index
      %swap3A_175 = tpu.vector_load %arg6[%swap3A_173, %swap3A_174] {strides = array<i32>} : memref<40x128xi32, #tpu.memory_space<vmem>>, vector<1x16xi32>,
      %swap3A_176 = vector.shape_cast %swap3A_175 : vector<1x16xi32> to vector<16xi32>
      %swap3A_177 = vector.shape_cast %add3A_172 : vector<16xi32> to vector<1x16xi32>
      tpu.vector_store %arg6[%swap3A_173, %swap3A_174], %swap3A_177 {strides = array<i32>} : memref<40x128xi32, #tpu.memory_space<vmem>>, vector<1x16xi32>,
      %get3A_178 = arith.index_cast %scan3A_102 : i32 to index
      %get3A_179 = arith.constant 112 : index
      %get3A_180 = tpu.vector_load %arg6[%get3A_178, %get3A_179] {strides = array<i32>} : memref<40x128xi32, #tpu.memory_space<vmem>>, vector<1x16xi32>,
      %get3A_181 = vector.shape_cast %get3A_180 : vector<1x16xi32> to vector<16xi32>
      %add3A_182 = vector.broadcast %mul3A_0 : i32 to vector<16xi32>
      %add3A_183 = arith.addi %get3A_181, %add3A_182 : vector<16xi32>
      %swap3A_184 = arith.index_cast %scan3A_102 : i32 to index
      %swap3A_185 = arith.constant 112 : index
      %swap3A_186 = tpu.vector_load %arg6[%swap3A_184, %swap3A_185] {strides = array<i32>} : memref<40x128xi32, #tpu.memory_space<vmem>>, vector<1x16xi32>,
      %swap3A_187 = vector.shape_cast %swap3A_186 : vector<1x16xi32> to vector<16xi32>
      %swap3A_188 = vector.shape_cast %add3A_183 : vector<16xi32> to vector<1x16xi32>
      tpu.vector_store %arg6[%swap3A_184, %swap3A_185], %swap3A_188 {strides = array<i32>} : memref<40x128xi32, #tpu.memory_space<vmem>>, vector<1x16xi32>,
    }
    %scan3A_55 = arith.constant 40 : i32
    %dma_start3A_56 = arith.constant 0 : i32
    %dma_start3A_57 = arith.constant 0 : i32
    %dma_start3A_58 = tpu.memref_slice %arg6[%dma_start3A_56, %dma_start3A_57] : memref<40x128xi32, #tpu.memory_space<vmem>> -> memref<1x128xi32, #tpu.memory_space<vmem>>
    %dma_start3A_59 = tpu.memref_squeeze %dma_start3A_58 : memref<1x128xi32, #tpu.memory_space<vmem>> -> memref<128xi32, #tpu.memory_space<vmem>>
    %dma_start3A_60 = arith.constant 0 : i32
    %dma_start3A_61 = arith.constant 0 : i32
    %dma_start3A_62 = tpu.memref_slice %arg2[%dma_start3A_60, %dma_start3A_61] : memref<20480x128xf32, #tpu.memory_space<hbm>> -> memref<20480x128xf32, #tpu.memory_space<hbm>>
    tpu.enqueue_indirect_dma source(%dma_start3A_62 : memref<20480x128xf32, #tpu.memory_space<hbm>>) target(%arg8 : memref<128x128xf32, #tpu.memory_space<vmem>>) offsets(%dma_start3A_59 : memref<128xi32, #tpu.memory_space<vmem>>) semaphore(%arg10 : memref<!tpu.dma_semaphore, #tpu.memory_space<semaphore_mem>>)
    %dma_start3A_63 = arith.constant 1 : i32
    %dma_start3A_64 = arith.constant 0 : i32
    %dma_start3A_65 = tpu.memref_slice %arg6[%dma_start3A_63, %dma_start3A_64] : memref<40x128xi32, #tpu.memory_space<vmem>> -> memref<1x128xi32, #tpu.memory_space<vmem>>
    %dma_start3A_66 = tpu.memref_squeeze %dma_start3A_65 : memref<1x128xi32, #tpu.memory_space<vmem>> -> memref<128xi32, #tpu.memory_space<vmem>>
    %dma_start3A_67 = arith.constant 0 : i32
    %dma_start3A_68 = arith.constant 0 : i32
    %dma_start3A_69 = tpu.memref_slice %arg2[%dma_start3A_67, %dma_start3A_68] : memref<20480x128xf32, #tpu.memory_space<hbm>> -> memref<20480x128xf32, #tpu.memory_space<hbm>>
    tpu.enqueue_indirect_dma source(%dma_start3A_69 : memref<20480x128xf32, #tpu.memory_space<hbm>>) target(%arg9 : memref<128x128xf32, #tpu.memory_space<vmem>>) offsets(%dma_start3A_66 : memref<128xi32, #tpu.memory_space<vmem>>) semaphore(%arg11 : memref<!tpu.dma_semaphore, #tpu.memory_space<semaphore_mem>>)
    %scan3A_70 = arith.constant 0 : i32
    %scan3A_71 = arith.constant 0 : i32
    %scan3A_72 = arith.constant 20 : i32
    %scan3A_73 = arith.addi %scan3A_71, %scan3A_72 : i32
    %scan3A_74 = arith.constant 1 : i32
    scf.for %scan3A_102 = %scan3A_71 to %scan3A_73 step %scan3A_74  : i32 {
      %mul3A_103 = arith.constant 2 : i32
      %mul3A_104 = arith.muli %mul3A_103, %scan3A_102 : i32
      %dma_wait3A = arith.constant 0 : i32
      %dma_wait3A_105 = tpu.memref_slice %arg6[%mul3A_104, %dma_wait3A] : memref<40x128xi32, #tpu.memory_space<vmem>> -> memref<1x128xi32, #tpu.memory_space<vmem>>
      %dma_wait3A_106 = tpu.memref_squeeze %dma_wait3A_105 : memref<1x128xi32, #tpu.memory_space<vmem>> -> memref<128xi32, #tpu.memory_space<vmem>>
      %dma_wait3A_107 = arith.constant 0 : i32
      %dma_wait3A_108 = arith.constant 0 : i32
      %dma_wait3A_109 = tpu.memref_slice %arg2[%dma_wait3A_107, %dma_wait3A_108] : memref<20480x128xf32, #tpu.memory_space<hbm>> -> memref<20480x128xf32, #tpu.memory_space<hbm>>
      tpu.wait_indirect_dma semaphore(%arg10 : memref<!tpu.dma_semaphore, #tpu.memory_space<semaphore_mem>>) src(%dma_wait3A_109 : memref<20480x128xf32, #tpu.memory_space<hbm>>) dst(%arg8 : memref<128x128xf32, #tpu.memory_space<vmem>>)
      "tpu.region"() ({
        %run_scoped3A = tpu.sem_alloc : memref<!tpu.dma_semaphore, #tpu.memory_space<semaphore_mem>>
        %dma_start3A_129 = arith.constant 0 : i32
        %dma_start3A_130 = tpu.memref_slice %arg7[%mul3A_104, %dma_start3A_129] : memref<40x128xi32, #tpu.memory_space<vmem>> -> memref<1x128xi32, #tpu.memory_space<vmem>>
        %dma_start3A_131 = tpu.memref_squeeze %dma_start3A_130 : memref<1x128xi32, #tpu.memory_space<vmem>> -> memref<128xi32, #tpu.memory_space<vmem>>
        %dma_start3A_132 = arith.constant 0 : i32
        %dma_start3A_133 = arith.constant 0 : i32
        %dma_start3A_134 = tpu.memref_slice %arg12[%dma_start3A_132, %dma_start3A_133] : memref<10240x128xf32, #tpu.memory_space<vmem_shared>> -> memref<10240x128xf32, #tpu.memory_space<vmem_shared>>
        tpu.enqueue_indirect_dma source(%arg8 : memref<128x128xf32, #tpu.memory_space<vmem>>) target(%dma_start3A_134 : memref<10240x128xf32, #tpu.memory_space<vmem_shared>>) offsets(%dma_start3A_131 : memref<128xi32, #tpu.memory_space<vmem>>) semaphore(%run_scoped3A : memref<!tpu.dma_semaphore, #tpu.memory_space<semaphore_mem>>) {add = true}
        %dma_wait3A_135 = arith.constant 0 : i32
        %dma_wait3A_136 = tpu.memref_slice %arg7[%mul3A_104, %dma_wait3A_135] : memref<40x128xi32, #tpu.memory_space<vmem>> -> memref<1x128xi32, #tpu.memory_space<vmem>>
        %dma_wait3A_137 = tpu.memref_squeeze %dma_wait3A_136 : memref<1x128xi32, #tpu.memory_space<vmem>> -> memref<128xi32, #tpu.memory_space<vmem>>
        %dma_wait3A_138 = arith.constant 0 : i32
        %dma_wait3A_139 = arith.constant 0 : i32
        %dma_wait3A_140 = tpu.memref_slice %arg12[%dma_wait3A_138, %dma_wait3A_139] : memref<10240x128xf32, #tpu.memory_space<vmem_shared>> -> memref<10240x128xf32, #tpu.memory_space<vmem_shared>>
        tpu.wait_indirect_dma semaphore(%run_scoped3A : memref<!tpu.dma_semaphore, #tpu.memory_space<semaphore_mem>>) src(%arg8 : memref<128x128xf32, #tpu.memory_space<vmem>>) dst(%dma_wait3A_140 : memref<10240x128xf32, #tpu.memory_space<vmem_shared>>)
        tpu.yield
      }) : () -> ()
      %add3A_110 = arith.constant 2 : i32
      %add3A_111 = arith.addi %mul3A_104, %add3A_110 : i32
      %lt3A = arith.constant 40 : i32
      %lt3A_112 = arith.cmpi slt, %add3A_111, %lt3A : i32
      %convert_element_type3A = arith.extui %lt3A_112 : i1 to i32
      %cond3A = arith.constant 0 : i32
      %cond3A_113 = arith.cmpi ne, %convert_element_type3A, %cond3A : i32
      scf.if %cond3A_113 {
        %add3A_129 = arith.constant 2 : i32
        %add3A_130 = arith.addi %mul3A_104, %add3A_129 : i32
        %dma_start3A_131 = arith.constant 0 : i32
        %dma_start3A_132 = tpu.memref_slice %arg6[%add3A_130, %dma_start3A_131] : memref<40x128xi32, #tpu.memory_space<vmem>> -> memref<1x128xi32, #tpu.memory_space<vmem>>
        %dma_start3A_133 = tpu.memref_squeeze %dma_start3A_132 : memref<1x128xi32, #tpu.memory_space<vmem>> -> memref<128xi32, #tpu.memory_space<vmem>>
        %dma_start3A_134 = arith.constant 0 : i32
        %dma_start3A_135 = arith.constant 0 : i32
        %dma_start3A_136 = tpu.memref_slice %arg2[%dma_start3A_134, %dma_start3A_135] : memref<20480x128xf32, #tpu.memory_space<hbm>> -> memref<20480x128xf32, #tpu.memory_space<hbm>>
        tpu.enqueue_indirect_dma source(%dma_start3A_136 : memref<20480x128xf32, #tpu.memory_space<hbm>>) target(%arg8 : memref<128x128xf32, #tpu.memory_space<vmem>>) offsets(%dma_start3A_133 : memref<128xi32, #tpu.memory_space<vmem>>) semaphore(%arg10 : memref<!tpu.dma_semaphore, #tpu.memory_space<semaphore_mem>>)
      } else {
      }
      %add3A_114 = arith.constant 1 : i32
      %add3A_115 = arith.addi %mul3A_104, %add3A_114 : i32
      %dma_wait3A_116 = arith.constant 0 : i32
      %dma_wait3A_117 = tpu.memref_slice %arg6[%add3A_115, %dma_wait3A_116] : memref<40x128xi32, #tpu.memory_space<vmem>> -> memref<1x128xi32, #tpu.memory_space<vmem>>
      %dma_wait3A_118 = tpu.memref_squeeze %dma_wait3A_117 : memref<1x128xi32, #tpu.memory_space<vmem>> -> memref<128xi32, #tpu.memory_space<vmem>>
      %dma_wait3A_119 = arith.constant 0 : i32
      %dma_wait3A_120 = arith.constant 0 : i32
      %dma_wait3A_121 = tpu.memref_slice %arg2[%dma_wait3A_119, %dma_wait3A_120] : memref<20480x128xf32, #tpu.memory_space<hbm>> -> memref<20480x128xf32, #tpu.memory_space<hbm>>
      tpu.wait_indirect_dma semaphore(%arg11 : memref<!tpu.dma_semaphore, #tpu.memory_space<semaphore_mem>>) src(%dma_wait3A_121 : memref<20480x128xf32, #tpu.memory_space<hbm>>) dst(%arg9 : memref<128x128xf32, #tpu.memory_space<vmem>>)
      "tpu.region"() ({
        %run_scoped3A = tpu.sem_alloc : memref<!tpu.dma_semaphore, #tpu.memory_space<semaphore_mem>>
        %dma_start3A_129 = arith.constant 0 : i32
        %dma_start3A_130 = tpu.memref_slice %arg7[%add3A_115, %dma_start3A_129] : memref<40x128xi32, #tpu.memory_space<vmem>> -> memref<1x128xi32, #tpu.memory_space<vmem>>
        %dma_start3A_131 = tpu.memref_squeeze %dma_start3A_130 : memref<1x128xi32, #tpu.memory_space<vmem>> -> memref<128xi32, #tpu.memory_space<vmem>>
        %dma_start3A_132 = arith.constant 0 : i32
        %dma_start3A_133 = arith.constant 0 : i32
        %dma_start3A_134 = tpu.memref_slice %arg12[%dma_start3A_132, %dma_start3A_133] : memref<10240x128xf32, #tpu.memory_space<vmem_shared>> -> memref<10240x128xf32, #tpu.memory_space<vmem_shared>>
        tpu.enqueue_indirect_dma source(%arg9 : memref<128x128xf32, #tpu.memory_space<vmem>>) target(%dma_start3A_134 : memref<10240x128xf32, #tpu.memory_space<vmem_shared>>) offsets(%dma_start3A_131 : memref<128xi32, #tpu.memory_space<vmem>>) semaphore(%run_scoped3A : memref<!tpu.dma_semaphore, #tpu.memory_space<semaphore_mem>>) {add = true}
        %dma_wait3A_135 = arith.constant 0 : i32
        %dma_wait3A_136 = tpu.memref_slice %arg7[%add3A_115, %dma_wait3A_135] : memref<40x128xi32, #tpu.memory_space<vmem>> -> memref<1x128xi32, #tpu.memory_space<vmem>>
        %dma_wait3A_137 = tpu.memref_squeeze %dma_wait3A_136 : memref<1x128xi32, #tpu.memory_space<vmem>> -> memref<128xi32, #tpu.memory_space<vmem>>
        %dma_wait3A_138 = arith.constant 0 : i32
        %dma_wait3A_139 = arith.constant 0 : i32
        %dma_wait3A_140 = tpu.memref_slice %arg12[%dma_wait3A_138, %dma_wait3A_139] : memref<10240x128xf32, #tpu.memory_space<vmem_shared>> -> memref<10240x128xf32, #tpu.memory_space<vmem_shared>>
        tpu.wait_indirect_dma semaphore(%run_scoped3A : memref<!tpu.dma_semaphore, #tpu.memory_space<semaphore_mem>>) src(%arg9 : memref<128x128xf32, #tpu.memory_space<vmem>>) dst(%dma_wait3A_140 : memref<10240x128xf32, #tpu.memory_space<vmem_shared>>)
        tpu.yield
      }) : () -> ()
      %add3A_122 = arith.constant 2 : i32
      %add3A_123 = arith.addi %add3A_115, %add3A_122 : i32
      %lt3A_124 = arith.constant 40 : i32
      %lt3A_125 = arith.cmpi slt, %add3A_123, %lt3A_124 : i32
      %convert_element_type3A_126 = arith.extui %lt3A_125 : i1 to i32
      %cond3A_127 = arith.constant 0 : i32
      %cond3A_128 = arith.cmpi ne, %convert_element_type3A_126, %cond3A_127 : i32
      scf.if %cond3A_128 {
        %add3A_129 = arith.constant 2 : i32
        %add3A_130 = arith.addi %add3A_115, %add3A_129 : i32
        %dma_start3A_131 = arith.constant 0 : i32
        %dma_start3A_132 = tpu.memref_slice %arg6[%add3A_130, %dma_start3A_131] : memref<40x128xi32, #tpu.memory_space<vmem>> -> memref<1x128xi32, #tpu.memory_space<vmem>>
        %dma_start3A_133 = tpu.memref_squeeze %dma_start3A_132 : memref<1x128xi32, #tpu.memory_space<vmem>> -> memref<128xi32, #tpu.memory_space<vmem>>
        %dma_start3A_134 = arith.constant 0 : i32
        %dma_start3A_135 = arith.constant 0 : i32
        %dma_start3A_136 = tpu.memref_slice %arg2[%dma_start3A_134, %dma_start3A_135] : memref<20480x128xf32, #tpu.memory_space<hbm>> -> memref<20480x128xf32, #tpu.memory_space<hbm>>
        tpu.enqueue_indirect_dma source(%dma_start3A_136 : memref<20480x128xf32, #tpu.memory_space<hbm>>) target(%arg9 : memref<128x128xf32, #tpu.memory_space<vmem>>) offsets(%dma_start3A_133 : memref<128xi32, #tpu.memory_space<vmem>>) semaphore(%arg11 : memref<!tpu.dma_semaphore, #tpu.memory_space<semaphore_mem>>)
      } else {
      }
    }
    %scan3A_75 = arith.constant 20 : i32
    %barrier3A_76 = arith.constant 0 : index
    tpu.barrier barrier_id(%barrier3A_76)
    %mul3A_77 = arith.constant 640 : i32
    %mul3A_78 = arith.muli %arg1, %mul3A_77 : i32
    %add3A_79 = arith.constant 0 : i32
    %add3A_80 = arith.addi %mul3A_78, %add3A_79 : i32
    %add3A_81 = arith.addi %mul3A_0, %add3A_80 : i32
    "tpu.region"() ({
      %run_scoped3A = tpu.sem_alloc : memref<!tpu.dma_semaphore, #tpu.memory_space<semaphore_mem>>
      %dma_start3A_102 = arith.constant 0 : i32
      %dma_start3A_103 = tpu.memref_slice %arg5[%add3A_81, %dma_start3A_102] : memref<20480x128xf32, #tpu.memory_space<hbm>> -> memref<128x128xf32, #tpu.memory_space<hbm>>
      %dma_start3A_104 = arith.constant 0 : i32
      %dma_start3A_105 = tpu.memref_slice %arg12[%add3A_80, %dma_start3A_104] : memref<10240x128xf32, #tpu.memory_space<vmem_shared>> -> memref<128x128xf32, #tpu.memory_space<vmem_shared>>
      tpu.enqueue_dma source(%dma_start3A_105 : memref<128x128xf32, #tpu.memory_space<vmem_shared>>) target(%dma_start3A_103 : memref<128x128xf32, #tpu.memory_space<hbm>>) target_semaphore(%run_scoped3A : memref<!tpu.dma_semaphore, #tpu.memory_space<semaphore_mem>>)
      %dma_wait3A = arith.constant 0 : i32
      %dma_wait3A_106 = tpu.memref_slice %arg5[%add3A_81, %dma_wait3A] : memref<20480x128xf32, #tpu.memory_space<hbm>> -> memref<128x128xf32, #tpu.memory_space<hbm>>
      %dma_wait3A_107 = arith.constant 0 : i32
      %dma_wait3A_108 = tpu.memref_slice %arg12[%add3A_80, %dma_wait3A_107] : memref<10240x128xf32, #tpu.memory_space<vmem_shared>> -> memref<128x128xf32, #tpu.memory_space<vmem_shared>>
      tpu.wait_dma2 semaphore(%run_scoped3A : memref<!tpu.dma_semaphore, #tpu.memory_space<semaphore_mem>>) src(%dma_wait3A_108 : memref<128x128xf32, #tpu.memory_space<vmem_shared>>) dst(%dma_wait3A_106 : memref<128x128xf32, #tpu.memory_space<hbm>>)
      tpu.yield
    }) : () -> ()
    %mul3A_82 = arith.constant 640 : i32
    %mul3A_83 = arith.muli %arg1, %mul3A_82 : i32
    %add3A_84 = arith.constant 128 : i32
    %add3A_85 = arith.addi %mul3A_83, %add3A_84 : i32
    %add3A_86 = arith.addi %mul3A_0, %add3A_85 : i32
    "tpu.region"() ({
      %run_scoped3A = tpu.sem_alloc : memref<!tpu.dma_semaphore, #tpu.memory_space<semaphore_mem>>
      %dma_start3A_102 = arith.constant 0 : i32
      %dma_start3A_103 = tpu.memref_slice %arg5[%add3A_86, %dma_start3A_102] : memref<20480x128xf32, #tpu.memory_space<hbm>> -> memref<128x128xf32, #tpu.memory_space<hbm>>
      %dma_start3A_104 = arith.constant 0 : i32
      %dma_start3A_105 = tpu.memref_slice %arg12[%add3A_85, %dma_start3A_104] : memref<10240x128xf32, #tpu.memory_space<vmem_shared>> -> memref<128x128xf32, #tpu.memory_space<vmem_shared>>
      tpu.enqueue_dma source(%dma_start3A_105 : memref<128x128xf32, #tpu.memory_space<vmem_shared>>) target(%dma_start3A_103 : memref<128x128xf32, #tpu.memory_space<hbm>>) target_semaphore(%run_scoped3A : memref<!tpu.dma_semaphore, #tpu.memory_space<semaphore_mem>>)
      %dma_wait3A = arith.constant 0 : i32
      %dma_wait3A_106 = tpu.memref_slice %arg5[%add3A_86, %dma_wait3A] : memref<20480x128xf32, #tpu.memory_space<hbm>> -> memref<128x128xf32, #tpu.memory_space<hbm>>
      %dma_wait3A_107 = arith.constant 0 : i32
      %dma_wait3A_108 = tpu.memref_slice %arg12[%add3A_85, %dma_wait3A_107] : memref<10240x128xf32, #tpu.memory_space<vmem_shared>> -> memref<128x128xf32, #tpu.memory_space<vmem_shared>>
      tpu.wait_dma2 semaphore(%run_scoped3A : memref<!tpu.dma_semaphore, #tpu.memory_space<semaphore_mem>>) src(%dma_wait3A_108 : memref<128x128xf32, #tpu.memory_space<vmem_shared>>) dst(%dma_wait3A_106 : memref<128x128xf32, #tpu.memory_space<hbm>>)
      tpu.yield
    }) : () -> ()
    %mul3A_87 = arith.constant 640 : i32
    %mul3A_88 = arith.muli %arg1, %mul3A_87 : i32
    %add3A_89 = arith.constant 256 : i32
    %add3A_90 = arith.addi %mul3A_88, %add3A_89 : i32
    %add3A_91 = arith.addi %mul3A_0, %add3A_90 : i32
    "tpu.region"() ({
      %run_scoped3A = tpu.sem_alloc : memref<!tpu.dma_semaphore, #tpu.memory_space<semaphore_mem>>
      %dma_start3A_102 = arith.constant 0 : i32
      %dma_start3A_103 = tpu.memref_slice %arg5[%add3A_91, %dma_start3A_102] : memref<20480x128xf32, #tpu.memory_space<hbm>> -> memref<128x128xf32, #tpu.memory_space<hbm>>
      %dma_start3A_104 = arith.constant 0 : i32
      %dma_start3A_105 = tpu.memref_slice %arg12[%add3A_90, %dma_start3A_104] : memref<10240x128xf32, #tpu.memory_space<vmem_shared>> -> memref<128x128xf32, #tpu.memory_space<vmem_shared>>
      tpu.enqueue_dma source(%dma_start3A_105 : memref<128x128xf32, #tpu.memory_space<vmem_shared>>) target(%dma_start3A_103 : memref<128x128xf32, #tpu.memory_space<hbm>>) target_semaphore(%run_scoped3A : memref<!tpu.dma_semaphore, #tpu.memory_space<semaphore_mem>>)
      %dma_wait3A = arith.constant 0 : i32
      %dma_wait3A_106 = tpu.memref_slice %arg5[%add3A_91, %dma_wait3A] : memref<20480x128xf32, #tpu.memory_space<hbm>> -> memref<128x128xf32, #tpu.memory_space<hbm>>
      %dma_wait3A_107 = arith.constant 0 : i32
      %dma_wait3A_108 = tpu.memref_slice %arg12[%add3A_90, %dma_wait3A_107] : memref<10240x128xf32, #tpu.memory_space<vmem_shared>> -> memref<128x128xf32, #tpu.memory_space<vmem_shared>>
      tpu.wait_dma2 semaphore(%run_scoped3A : memref<!tpu.dma_semaphore, #tpu.memory_space<semaphore_mem>>) src(%dma_wait3A_108 : memref<128x128xf32, #tpu.memory_space<vmem_shared>>) dst(%dma_wait3A_106 : memref<128x128xf32, #tpu.memory_space<hbm>>)
      tpu.yield
    }) : () -> ()
    %mul3A_92 = arith.constant 640 : i32
    %mul3A_93 = arith.muli %arg1, %mul3A_92 : i32
    %add3A_94 = arith.constant 384 : i32
    %add3A_95 = arith.addi %mul3A_93, %add3A_94 : i32
    %add3A_96 = arith.addi %mul3A_0, %add3A_95 : i32
    "tpu.region"() ({
      %run_scoped3A = tpu.sem_alloc : memref<!tpu.dma_semaphore, #tpu.memory_space<semaphore_mem>>
      %dma_start3A_102 = arith.constant 0 : i32
      %dma_start3A_103 = tpu.memref_slice %arg5[%add3A_96, %dma_start3A_102] : memref<20480x128xf32, #tpu.memory_space<hbm>> -> memref<128x128xf32, #tpu.memory_space<hbm>>
      %dma_start3A_104 = arith.constant 0 : i32
      %dma_start3A_105 = tpu.memref_slice %arg12[%add3A_95, %dma_start3A_104] : memref<10240x128xf32, #tpu.memory_space<vmem_shared>> -> memref<128x128xf32, #tpu.memory_space<vmem_shared>>
      tpu.enqueue_dma source(%dma_start3A_105 : memref<128x128xf32, #tpu.memory_space<vmem_shared>>) target(%dma_start3A_103 : memref<128x128xf32, #tpu.memory_space<hbm>>) target_semaphore(%run_scoped3A : memref<!tpu.dma_semaphore, #tpu.memory_space<semaphore_mem>>)
      %dma_wait3A = arith.constant 0 : i32
      %dma_wait3A_106 = tpu.memref_slice %arg5[%add3A_96, %dma_wait3A] : memref<20480x128xf32, #tpu.memory_space<hbm>> -> memref<128x128xf32, #tpu.memory_space<hbm>>
      %dma_wait3A_107 = arith.constant 0 : i32
      %dma_wait3A_108 = tpu.memref_slice %arg12[%add3A_95, %dma_wait3A_107] : memref<10240x128xf32, #tpu.memory_space<vmem_shared>> -> memref<128x128xf32, #tpu.memory_space<vmem_shared>>
      tpu.wait_dma2 semaphore(%run_scoped3A : memref<!tpu.dma_semaphore, #tpu.memory_space<semaphore_mem>>) src(%dma_wait3A_108 : memref<128x128xf32, #tpu.memory_space<vmem_shared>>) dst(%dma_wait3A_106 : memref<128x128xf32, #tpu.memory_space<hbm>>)
      tpu.yield
    }) : () -> ()
    %mul3A_97 = arith.constant 640 : i32
    %mul3A_98 = arith.muli %arg1, %mul3A_97 : i32
    %add3A_99 = arith.constant 512 : i32
    %add3A_100 = arith.addi %mul3A_98, %add3A_99 : i32
    %add3A_101 = arith.addi %mul3A_0, %add3A_100 : i32
    "tpu.region"() ({
      %run_scoped3A = tpu.sem_alloc : memref<!tpu.dma_semaphore, #tpu.memory_space<semaphore_mem>>
      %dma_start3A_102 = arith.constant 0 : i32
      %dma_start3A_103 = tpu.memref_slice %arg5[%add3A_101, %dma_start3A_102] : memref<20480x128xf32, #tpu.memory_space<hbm>> -> memref<128x128xf32, #tpu.memory_space<hbm>>
      %dma_start3A_104 = arith.constant 0 : i32
      %dma_start3A_105 = tpu.memref_slice %arg12[%add3A_100, %dma_start3A_104] : memref<10240x128xf32, #tpu.memory_space<vmem_shared>> -> memref<128x128xf32, #tpu.memory_space<vmem_shared>>
      tpu.enqueue_dma source(%dma_start3A_105 : memref<128x128xf32, #tpu.memory_space<vmem_shared>>) target(%dma_start3A_103 : memref<128x128xf32, #tpu.memory_space<hbm>>) target_semaphore(%run_scoped3A : memref<!tpu.dma_semaphore, #tpu.memory_space<semaphore_mem>>)
      %dma_wait3A = arith.constant 0 : i32
      %dma_wait3A_106 = tpu.memref_slice %arg5[%add3A_101, %dma_wait3A] : memref<20480x128xf32, #tpu.memory_space<hbm>> -> memref<128x128xf32, #tpu.memory_space<hbm>>
      %dma_wait3A_107 = arith.constant 0 : i32
      %dma_wait3A_108 = tpu.memref_slice %arg12[%add3A_100, %dma_wait3A_107] : memref<10240x128xf32, #tpu.memory_space<vmem_shared>> -> memref<128x128xf32, #tpu.memory_space<vmem_shared>>
      tpu.wait_dma2 semaphore(%run_scoped3A : memref<!tpu.dma_semaphore, #tpu.memory_space<semaphore_mem>>) src(%dma_wait3A_108 : memref<128x128xf32, #tpu.memory_space<vmem_shared>>) dst(%dma_wait3A_106 : memref<128x128xf32, #tpu.memory_space<hbm>>)
      tpu.yield
    }) : () -> ()
    return
  }
}

#map = affine_map<(d0, d1) -> (0, 0)>
#map1 = affine_map<(d0, d1) -> (0, 0, 0)>
module attributes {stable_mosaic.version = 14 : i64} {
  func.func @_msg_body(%arg0: i32, %arg1: i32, %arg2: memref<20480x128xf32, #tpu.memory_space<hbm>>, %arg3: memref<16x80x128xi32, #tpu.memory_space<hbm>>, %arg4: memref<16x80x128xi32, #tpu.memory_space<hbm>>, %arg5: memref<20480x128xf32, #tpu.memory_space<hbm>>, %arg6: memref<40x128xi32, #tpu.memory_space<vmem>>, %arg7: memref<40x128xi32, #tpu.memory_space<vmem>>, %arg8: memref<128x128xf32, #tpu.memory_space<vmem>>, %arg9: memref<128x128xf32, #tpu.memory_space<vmem>>, %arg10: memref<!tpu.dma_semaphore, #tpu.memory_space<semaphore_mem>>, %arg11: memref<!tpu.dma_semaphore, #tpu.memory_space<semaphore_mem>>, %arg12: memref<10240x128xf32, #tpu.memory_space<vmem_shared>>) attributes {dimension_semantics = [#tpu.dimension_semantics<core_parallel>, #tpu.dimension_semantics<subcore_parallel>], iteration_bounds = array<i64: 2, 16>, scalar_prefetch = 0 : i64, scratch_operands = 7 : i64, tpu.core_type = #tpu.core_type<sc_vector_subcore>, window_params = [{transform_indices = #map}, {transform_indices = #map1}, {transform_indices = #map1}, {transform_indices = #map}]} {
    %mul3A = arith.constant 10240 : i32
    %mul3A_0 = arith.muli %arg0, %mul3A : i32
    %scan3A = arith.constant 0 : i32
    %scan3A_1 = arith.constant 0 : i32
    %scan3A_2 = arith.constant 128 : i32
    %scan3A_3 = arith.addi %scan3A_1, %scan3A_2 : i32
    %scan3A_4 = arith.constant 1 : i32
    scf.for %scan3A_102 = %scan3A_1 to %scan3A_3 step %scan3A_4  : i32 {
      %broadcast_in_dim3A = arith.constant 0.000000e+00 : f32
      %broadcast_in_dim3A_103 = vector.broadcast %broadcast_in_dim3A : f32 to vector<16xf32>
      %swap3A = arith.index_cast %scan3A_102 : i32 to index
      %swap3A_104 = arith.constant 0 : index
      %swap3A_105 = tpu.vector_load %arg8[%swap3A, %swap3A_104] {strides = array<i32>} : memref<128x128xf32, #tpu.memory_space<vmem>>, vector<1x16xf32>,
      %swap3A_106 = vector.shape_cast %swap3A_105 : vector<1x16xf32> to vector<16xf32>
      %swap3A_107 = vector.shape_cast %broadcast_in_dim3A_103 : vector<16xf32> to vector<1x16xf32>
      tpu.vector_store %arg8[%swap3A, %swap3A_104], %swap3A_107 {strides = array<i32>} : memref<128x128xf32, #tpu.memory_space<vmem>>, vector<1x16xf32>,
      %broadcast_in_dim3A_108 = arith.constant 0.000000e+00 : f32
      %broadcast_in_dim3A_109 = vector.broadcast %broadcast_in_dim3A_108 : f32 to vector<16xf32>
      %swap3A_110 = arith.index_cast %scan3A_102 : i32 to index
      %swap3A_111 = arith.constant 16 : index
      %swap3A_112 = tpu.vector_load %arg8[%swap3A_110, %swap3A_111] {strides = array<i32>} : memref<128x128xf32, #tpu.memory_space<vmem>>, vector<1x16xf32>,
      %swap3A_113 = vector.shape_cast %swap3A_112 : vector<1x16xf32> to vector<16xf32>
      %swap3A_114 = vector.shape_cast %broadcast_in_dim3A_109 : vector<16xf32> to vector<1x16xf32>
      tpu.vector_store %arg8[%swap3A_110, %swap3A_111], %swap3A_114 {strides = array<i32>} : memref<128x128xf32, #tpu.memory_space<vmem>>, vector<1x16xf32>,
      %broadcast_in_dim3A_115 = arith.constant 0.000000e+00 : f32
      %broadcast_in_dim3A_116 = vector.broadcast %broadcast_in_dim3A_115 : f32 to vector<16xf32>
      %swap3A_117 = arith.index_cast %scan3A_102 : i32 to index
      %swap3A_118 = arith.constant 32 : index
      %swap3A_119 = tpu.vector_load %arg8[%swap3A_117, %swap3A_118] {strides = array<i32>} : memref<128x128xf32, #tpu.memory_space<vmem>>, vector<1x16xf32>,
      %swap3A_120 = vector.shape_cast %swap3A_119 : vector<1x16xf32> to vector<16xf32>
      %swap3A_121 = vector.shape_cast %broadcast_in_dim3A_116 : vector<16xf32> to vector<1x16xf32>
      tpu.vector_store %arg8[%swap3A_117, %swap3A_118], %swap3A_121 {strides = array<i32>} : memref<128x128xf32, #tpu.memory_space<vmem>>, vector<1x16xf32>,
      %broadcast_in_dim3A_122 = arith.constant 0.000000e+00 : f32
      %broadcast_in_dim3A_123 = vector.broadcast %broadcast_in_dim3A_122 : f32 to vector<16xf32>
      %swap3A_124 = arith.index_cast %scan3A_102 : i32 to index
      %swap3A_125 = arith.constant 48 : index
      %swap3A_126 = tpu.vector_load %arg8[%swap3A_124, %swap3A_125] {strides = array<i32>} : memref<128x128xf32, #tpu.memory_space<vmem>>, vector<1x16xf32>,
      %swap3A_127 = vector.shape_cast %swap3A_126 : vector<1x16xf32> to vector<16xf32>
      %swap3A_128 = vector.shape_cast %broadcast_in_dim3A_123 : vector<16xf32> to vector<1x16xf32>
      tpu.vector_store %arg8[%swap3A_124, %swap3A_125], %swap3A_128 {strides = array<i32>} : memref<128x128xf32, #tpu.memory_space<vmem>>, vector<1x16xf32>,
      %broadcast_in_dim3A_129 = arith.constant 0.000000e+00 : f32
      %broadcast_in_dim3A_130 = vector.broadcast %broadcast_in_dim3A_129 : f32 to vector<16xf32>
      %swap3A_131 = arith.index_cast %scan3A_102 : i32 to index
      %swap3A_132 = arith.constant 64 : index
      %swap3A_133 = tpu.vector_load %arg8[%swap3A_131, %swap3A_132] {strides = array<i32>} : memref<128x128xf32, #tpu.memory_space<vmem>>, vector<1x16xf32>,
      %swap3A_134 = vector.shape_cast %swap3A_133 : vector<1x16xf32> to vector<16xf32>
      %swap3A_135 = vector.shape_cast %broadcast_in_dim3A_130 : vector<16xf32> to vector<1x16xf32>
      tpu.vector_store %arg8[%swap3A_131, %swap3A_132], %swap3A_135 {strides = array<i32>} : memref<128x128xf32, #tpu.memory_space<vmem>>, vector<1x16xf32>,
      %broadcast_in_dim3A_136 = arith.constant 0.000000e+00 : f32
      %broadcast_in_dim3A_137 = vector.broadcast %broadcast_in_dim3A_136 : f32 to vector<16xf32>
      %swap3A_138 = arith.index_cast %scan3A_102 : i32 to index
      %swap3A_139 = arith.constant 80 : index
      %swap3A_140 = tpu.vector_load %arg8[%swap3A_138, %swap3A_139] {strides = array<i32>} : memref<128x128xf32, #tpu.memory_space<vmem>>, vector<1x16xf32>,
      %swap3A_141 = vector.shape_cast %swap3A_140 : vector<1x16xf32> to vector<16xf32>
      %swap3A_142 = vector.shape_cast %broadcast_in_dim3A_137 : vector<16xf32> to vector<1x16xf32>
      tpu.vector_store %arg8[%swap3A_138, %swap3A_139], %swap3A_142 {strides = array<i32>} : memref<128x128xf32, #tpu.memory_space<vmem>>, vector<1x16xf32>,
      %broadcast_in_dim3A_143 = arith.constant 0.000000e+00 : f32
      %broadcast_in_dim3A_144 = vector.broadcast %broadcast_in_dim3A_143 : f32 to vector<16xf32>
      %swap3A_145 = arith.index_cast %scan3A_102 : i32 to index
      %swap3A_146 = arith.constant 96 : index
      %swap3A_147 = tpu.vector_load %arg8[%swap3A_145, %swap3A_146] {strides = array<i32>} : memref<128x128xf32, #tpu.memory_space<vmem>>, vector<1x16xf32>,
      %swap3A_148 = vector.shape_cast %swap3A_147 : vector<1x16xf32> to vector<16xf32>
      %swap3A_149 = vector.shape_cast %broadcast_in_dim3A_144 : vector<16xf32> to vector<1x16xf32>
      tpu.vector_store %arg8[%swap3A_145, %swap3A_146], %swap3A_149 {strides = array<i32>} : memref<128x128xf32, #tpu.memory_space<vmem>>, vector<1x16xf32>,
      %broadcast_in_dim3A_150 = arith.constant 0.000000e+00 : f32
      %broadcast_in_dim3A_151 = vector.broadcast %broadcast_in_dim3A_150 : f32 to vector<16xf32>
      %swap3A_152 = arith.index_cast %scan3A_102 : i32 to index
      %swap3A_153 = arith.constant 112 : index
      %swap3A_154 = tpu.vector_load %arg8[%swap3A_152, %swap3A_153] {strides = array<i32>} : memref<128x128xf32, #tpu.memory_space<vmem>>, vector<1x16xf32>,
      %swap3A_155 = vector.shape_cast %swap3A_154 : vector<1x16xf32> to vector<16xf32>
      %swap3A_156 = vector.shape_cast %broadcast_in_dim3A_151 : vector<16xf32> to vector<1x16xf32>
      tpu.vector_store %arg8[%swap3A_152, %swap3A_153], %swap3A_156 {strides = array<i32>} : memref<128x128xf32, #tpu.memory_space<vmem>>, vector<1x16xf32>,
    }
    %scan3A_5 = arith.constant 128 : i32
    %mul3A_6 = arith.constant 640 : i32
    %mul3A_7 = arith.muli %arg1, %mul3A_6 : i32
    %add3A = arith.constant 0 : i32
    %add3A_8 = arith.addi %mul3A_7, %add3A : i32
    "tpu.region"() ({
      %run_scoped3A = tpu.sem_alloc : memref<!tpu.dma_semaphore, #tpu.memory_space<semaphore_mem>>
      %dma_start3A_102 = arith.constant 0 : i32
      %dma_start3A_103 = tpu.memref_slice %arg12[%add3A_8, %dma_start3A_102] : memref<10240x128xf32, #tpu.memory_space<vmem_shared>> -> memref<128x128xf32, #tpu.memory_space<vmem_shared>>
      %dma_start3A_104 = arith.constant 0 : i32
      %dma_start3A_105 = tpu.memref_slice %arg12[%add3A_8, %dma_start3A_104] : memref<10240x128xf32, #tpu.memory_space<vmem_shared>> -> memref<128x128xf32, #tpu.memory_space<vmem_shared>>
      tpu.enqueue_dma source(%arg8 : memref<128x128xf32, #tpu.memory_space<vmem>>) target(%dma_start3A_105 : memref<128x128xf32, #tpu.memory_space<vmem_shared>>) target_semaphore(%run_scoped3A : memref<!tpu.dma_semaphore, #tpu.memory_space<semaphore_mem>>)
      %dma_wait3A = arith.constant 0 : i32
      %dma_wait3A_106 = tpu.memref_slice %arg12[%add3A_8, %dma_wait3A] : memref<10240x128xf32, #tpu.memory_space<vmem_shared>> -> memref<128x128xf32, #tpu.memory_space<vmem_shared>>
      %dma_wait3A_107 = arith.constant 0 : i32
      %dma_wait3A_108 = tpu.memref_slice %arg12[%add3A_8, %dma_wait3A_107] : memref<10240x128xf32, #tpu.memory_space<vmem_shared>> -> memref<128x128xf32, #tpu.memory_space<vmem_shared>>
      tpu.wait_dma2 semaphore(%run_scoped3A : memref<!tpu.dma_semaphore, #tpu.memory_space<semaphore_mem>>) src(%arg8 : memref<128x128xf32, #tpu.memory_space<vmem>>) dst(%dma_wait3A_108 : memref<128x128xf32, #tpu.memory_space<vmem_shared>>)
      tpu.yield
    }) : () -> ()
    %mul3A_9 = arith.constant 640 : i32
    %mul3A_10 = arith.muli %arg1, %mul3A_9 : i32
    %add3A_11 = arith.constant 128 : i32
    %add3A_12 = arith.addi %mul3A_10, %add3A_11 : i32
    "tpu.region"() ({
      %run_scoped3A = tpu.sem_alloc : memref<!tpu.dma_semaphore, #tpu.memory_space<semaphore_mem>>
      %dma_start3A_102 = arith.constant 0 : i32
      %dma_start3A_103 = tpu.memref_slice %arg12[%add3A_12, %dma_start3A_102] : memref<10240x128xf32, #tpu.memory_space<vmem_shared>> -> memref<128x128xf32, #tpu.memory_space<vmem_shared>>
      %dma_start3A_104 = arith.constant 0 : i32
      %dma_start3A_105 = tpu.memref_slice %arg12[%add3A_12, %dma_start3A_104] : memref<10240x128xf32, #tpu.memory_space<vmem_shared>> -> memref<128x128xf32, #tpu.memory_space<vmem_shared>>
      tpu.enqueue_dma source(%arg8 : memref<128x128xf32, #tpu.memory_space<vmem>>) target(%dma_start3A_105 : memref<128x128xf32, #tpu.memory_space<vmem_shared>>) target_semaphore(%run_scoped3A : memref<!tpu.dma_semaphore, #tpu.memory_space<semaphore_mem>>)
      %dma_wait3A = arith.constant 0 : i32
      %dma_wait3A_106 = tpu.memref_slice %arg12[%add3A_12, %dma_wait3A] : memref<10240x128xf32, #tpu.memory_space<vmem_shared>> -> memref<128x128xf32, #tpu.memory_space<vmem_shared>>
      %dma_wait3A_107 = arith.constant 0 : i32
      %dma_wait3A_108 = tpu.memref_slice %arg12[%add3A_12, %dma_wait3A_107] : memref<10240x128xf32, #tpu.memory_space<vmem_shared>> -> memref<128x128xf32, #tpu.memory_space<vmem_shared>>
      tpu.wait_dma2 semaphore(%run_scoped3A : memref<!tpu.dma_semaphore, #tpu.memory_space<semaphore_mem>>) src(%arg8 : memref<128x128xf32, #tpu.memory_space<vmem>>) dst(%dma_wait3A_108 : memref<128x128xf32, #tpu.memory_space<vmem_shared>>)
      tpu.yield
    }) : () -> ()
    %mul3A_13 = arith.constant 640 : i32
    %mul3A_14 = arith.muli %arg1, %mul3A_13 : i32
    %add3A_15 = arith.constant 256 : i32
    %add3A_16 = arith.addi %mul3A_14, %add3A_15 : i32
    "tpu.region"() ({
      %run_scoped3A = tpu.sem_alloc : memref<!tpu.dma_semaphore, #tpu.memory_space<semaphore_mem>>
      %dma_start3A_102 = arith.constant 0 : i32
      %dma_start3A_103 = tpu.memref_slice %arg12[%add3A_16, %dma_start3A_102] : memref<10240x128xf32, #tpu.memory_space<vmem_shared>> -> memref<128x128xf32, #tpu.memory_space<vmem_shared>>
      %dma_start3A_104 = arith.constant 0 : i32
      %dma_start3A_105 = tpu.memref_slice %arg12[%add3A_16, %dma_start3A_104] : memref<10240x128xf32, #tpu.memory_space<vmem_shared>> -> memref<128x128xf32, #tpu.memory_space<vmem_shared>>
      tpu.enqueue_dma source(%arg8 : memref<128x128xf32, #tpu.memory_space<vmem>>) target(%dma_start3A_105 : memref<128x128xf32, #tpu.memory_space<vmem_shared>>) target_semaphore(%run_scoped3A : memref<!tpu.dma_semaphore, #tpu.memory_space<semaphore_mem>>)
      %dma_wait3A = arith.constant 0 : i32
      %dma_wait3A_106 = tpu.memref_slice %arg12[%add3A_16, %dma_wait3A] : memref<10240x128xf32, #tpu.memory_space<vmem_shared>> -> memref<128x128xf32, #tpu.memory_space<vmem_shared>>
      %dma_wait3A_107 = arith.constant 0 : i32
      %dma_wait3A_108 = tpu.memref_slice %arg12[%add3A_16, %dma_wait3A_107] : memref<10240x128xf32, #tpu.memory_space<vmem_shared>> -> memref<128x128xf32, #tpu.memory_space<vmem_shared>>
      tpu.wait_dma2 semaphore(%run_scoped3A : memref<!tpu.dma_semaphore, #tpu.memory_space<semaphore_mem>>) src(%arg8 : memref<128x128xf32, #tpu.memory_space<vmem>>) dst(%dma_wait3A_108 : memref<128x128xf32, #tpu.memory_space<vmem_shared>>)
      tpu.yield
    }) : () -> ()
    %mul3A_17 = arith.constant 640 : i32
    %mul3A_18 = arith.muli %arg1, %mul3A_17 : i32
    %add3A_19 = arith.constant 384 : i32
    %add3A_20 = arith.addi %mul3A_18, %add3A_19 : i32
    "tpu.region"() ({
      %run_scoped3A = tpu.sem_alloc : memref<!tpu.dma_semaphore, #tpu.memory_space<semaphore_mem>>
      %dma_start3A_102 = arith.constant 0 : i32
      %dma_start3A_103 = tpu.memref_slice %arg12[%add3A_20, %dma_start3A_102] : memref<10240x128xf32, #tpu.memory_space<vmem_shared>> -> memref<128x128xf32, #tpu.memory_space<vmem_shared>>
      %dma_start3A_104 = arith.constant 0 : i32
      %dma_start3A_105 = tpu.memref_slice %arg12[%add3A_20, %dma_start3A_104] : memref<10240x128xf32, #tpu.memory_space<vmem_shared>> -> memref<128x128xf32, #tpu.memory_space<vmem_shared>>
      tpu.enqueue_dma source(%arg8 : memref<128x128xf32, #tpu.memory_space<vmem>>) target(%dma_start3A_105 : memref<128x128xf32, #tpu.memory_space<vmem_shared>>) target_semaphore(%run_scoped3A : memref<!tpu.dma_semaphore, #tpu.memory_space<semaphore_mem>>)
      %dma_wait3A = arith.constant 0 : i32
      %dma_wait3A_106 = tpu.memref_slice %arg12[%add3A_20, %dma_wait3A] : memref<10240x128xf32, #tpu.memory_space<vmem_shared>> -> memref<128x128xf32, #tpu.memory_space<vmem_shared>>
      %dma_wait3A_107 = arith.constant 0 : i32
      %dma_wait3A_108 = tpu.memref_slice %arg12[%add3A_20, %dma_wait3A_107] : memref<10240x128xf32, #tpu.memory_space<vmem_shared>> -> memref<128x128xf32, #tpu.memory_space<vmem_shared>>
      tpu.wait_dma2 semaphore(%run_scoped3A : memref<!tpu.dma_semaphore, #tpu.memory_space<semaphore_mem>>) src(%arg8 : memref<128x128xf32, #tpu.memory_space<vmem>>) dst(%dma_wait3A_108 : memref<128x128xf32, #tpu.memory_space<vmem_shared>>)
      tpu.yield
    }) : () -> ()
    %mul3A_21 = arith.constant 640 : i32
    %mul3A_22 = arith.muli %arg1, %mul3A_21 : i32
    %add3A_23 = arith.constant 512 : i32
    %add3A_24 = arith.addi %mul3A_22, %add3A_23 : i32
    "tpu.region"() ({
      %run_scoped3A = tpu.sem_alloc : memref<!tpu.dma_semaphore, #tpu.memory_space<semaphore_mem>>
      %dma_start3A_102 = arith.constant 0 : i32
      %dma_start3A_103 = tpu.memref_slice %arg12[%add3A_24, %dma_start3A_102] : memref<10240x128xf32, #tpu.memory_space<vmem_shared>> -> memref<128x128xf32, #tpu.memory_space<vmem_shared>>
      %dma_start3A_104 = arith.constant 0 : i32
      %dma_start3A_105 = tpu.memref_slice %arg12[%add3A_24, %dma_start3A_104] : memref<10240x128xf32, #tpu.memory_space<vmem_shared>> -> memref<128x128xf32, #tpu.memory_space<vmem_shared>>
      tpu.enqueue_dma source(%arg8 : memref<128x128xf32, #tpu.memory_space<vmem>>) target(%dma_start3A_105 : memref<128x128xf32, #tpu.memory_space<vmem_shared>>) target_semaphore(%run_scoped3A : memref<!tpu.dma_semaphore, #tpu.memory_space<semaphore_mem>>)
      %dma_wait3A = arith.constant 0 : i32
      %dma_wait3A_106 = tpu.memref_slice %arg12[%add3A_24, %dma_wait3A] : memref<10240x128xf32, #tpu.memory_space<vmem_shared>> -> memref<128x128xf32, #tpu.memory_space<vmem_shared>>
      %dma_wait3A_107 = arith.constant 0 : i32
      %dma_wait3A_108 = tpu.memref_slice %arg12[%add3A_24, %dma_wait3A_107] : memref<10240x128xf32, #tpu.memory_space<vmem_shared>> -> memref<128x128xf32, #tpu.memory_space<vmem_shared>>
      tpu.wait_dma2 semaphore(%run_scoped3A : memref<!tpu.dma_semaphore, #tpu.memory_space<semaphore_mem>>) src(%arg8 : memref<128x128xf32, #tpu.memory_space<vmem>>) dst(%dma_wait3A_108 : memref<128x128xf32, #tpu.memory_space<vmem_shared>>)
      tpu.yield
    }) : () -> ()
    %barrier3A = arith.constant 0 : index
    tpu.barrier barrier_id(%barrier3A)
    "tpu.region"() ({
      %run_scoped3A = tpu.sem_alloc : memref<!tpu.dma_semaphore, #tpu.memory_space<semaphore_mem>>
      %dma_start3A_102 = arith.constant 0 : i32
      %dma_start3A_103 = arith.constant 0 : i32
      %dma_start3A_104 = tpu.memref_slice %arg3[%arg1, %dma_start3A_102, %dma_start3A_103] : memref<16x80x128xi32, #tpu.memory_space<hbm>> -> memref<1x40x128xi32, #tpu.memory_space<hbm>>
      %dma_start3A_105 = tpu.memref_squeeze %dma_start3A_104 : memref<1x40x128xi32, #tpu.memory_space<hbm>> -> memref<40x128xi32, #tpu.memory_space<hbm>>
      %dma_start3A_106 = arith.constant 0 : i32
      %dma_start3A_107 = arith.constant 0 : i32
      %dma_start3A_108 = tpu.memref_slice %arg3[%arg1, %dma_start3A_106, %dma_start3A_107] : memref<16x80x128xi32, #tpu.memory_space<hbm>> -> memref<1x40x128xi32, #tpu.memory_space<hbm>>
      %dma_start3A_109 = tpu.memref_squeeze %dma_start3A_108 : memref<1x40x128xi32, #tpu.memory_space<hbm>> -> memref<40x128xi32, #tpu.memory_space<hbm>>
      tpu.enqueue_dma source(%dma_start3A_109 : memref<40x128xi32, #tpu.memory_space<hbm>>) target(%arg6 : memref<40x128xi32, #tpu.memory_space<vmem>>) target_semaphore(%run_scoped3A : memref<!tpu.dma_semaphore, #tpu.memory_space<semaphore_mem>>)
      %dma_wait3A = arith.constant 0 : i32
      %dma_wait3A_110 = arith.constant 0 : i32
      %dma_wait3A_111 = tpu.memref_slice %arg3[%arg1, %dma_wait3A, %dma_wait3A_110] : memref<16x80x128xi32, #tpu.memory_space<hbm>> -> memref<1x40x128xi32, #tpu.memory_space<hbm>>
      %dma_wait3A_112 = tpu.memref_squeeze %dma_wait3A_111 : memref<1x40x128xi32, #tpu.memory_space<hbm>> -> memref<40x128xi32, #tpu.memory_space<hbm>>
      %dma_wait3A_113 = arith.constant 0 : i32
      %dma_wait3A_114 = arith.constant 0 : i32
      %dma_wait3A_115 = tpu.memref_slice %arg3[%arg1, %dma_wait3A_113, %dma_wait3A_114] : memref<16x80x128xi32, #tpu.memory_space<hbm>> -> memref<1x40x128xi32, #tpu.memory_space<hbm>>
      %dma_wait3A_116 = tpu.memref_squeeze %dma_wait3A_115 : memref<1x40x128xi32, #tpu.memory_space<hbm>> -> memref<40x128xi32, #tpu.memory_space<hbm>>
      tpu.wait_dma2 semaphore(%run_scoped3A : memref<!tpu.dma_semaphore, #tpu.memory_space<semaphore_mem>>) src(%dma_wait3A_116 : memref<40x128xi32, #tpu.memory_space<hbm>>) dst(%arg6 : memref<40x128xi32, #tpu.memory_space<vmem>>)
      tpu.yield
    }) : () -> ()
    "tpu.region"() ({
      %run_scoped3A = tpu.sem_alloc : memref<!tpu.dma_semaphore, #tpu.memory_space<semaphore_mem>>
      %dma_start3A_102 = arith.constant 0 : i32
      %dma_start3A_103 = arith.constant 0 : i32
      %dma_start3A_104 = tpu.memref_slice %arg4[%arg1, %dma_start3A_102, %dma_start3A_103] : memref<16x80x128xi32, #tpu.memory_space<hbm>> -> memref<1x40x128xi32, #tpu.memory_space<hbm>>
      %dma_start3A_105 = tpu.memref_squeeze %dma_start3A_104 : memref<1x40x128xi32, #tpu.memory_space<hbm>> -> memref<40x128xi32, #tpu.memory_space<hbm>>
      %dma_start3A_106 = arith.constant 0 : i32
      %dma_start3A_107 = arith.constant 0 : i32
      %dma_start3A_108 = tpu.memref_slice %arg4[%arg1, %dma_start3A_106, %dma_start3A_107] : memref<16x80x128xi32, #tpu.memory_space<hbm>> -> memref<1x40x128xi32, #tpu.memory_space<hbm>>
      %dma_start3A_109 = tpu.memref_squeeze %dma_start3A_108 : memref<1x40x128xi32, #tpu.memory_space<hbm>> -> memref<40x128xi32, #tpu.memory_space<hbm>>
      tpu.enqueue_dma source(%dma_start3A_109 : memref<40x128xi32, #tpu.memory_space<hbm>>) target(%arg7 : memref<40x128xi32, #tpu.memory_space<vmem>>) target_semaphore(%run_scoped3A : memref<!tpu.dma_semaphore, #tpu.memory_space<semaphore_mem>>)
      %dma_wait3A = arith.constant 0 : i32
      %dma_wait3A_110 = arith.constant 0 : i32
      %dma_wait3A_111 = tpu.memref_slice %arg4[%arg1, %dma_wait3A, %dma_wait3A_110] : memref<16x80x128xi32, #tpu.memory_space<hbm>> -> memref<1x40x128xi32, #tpu.memory_space<hbm>>
      %dma_wait3A_112 = tpu.memref_squeeze %dma_wait3A_111 : memref<1x40x128xi32, #tpu.memory_space<hbm>> -> memref<40x128xi32, #tpu.memory_space<hbm>>
      %dma_wait3A_113 = arith.constant 0 : i32
      %dma_wait3A_114 = arith.constant 0 : i32
      %dma_wait3A_115 = tpu.memref_slice %arg4[%arg1, %dma_wait3A_113, %dma_wait3A_114] : memref<16x80x128xi32, #tpu.memory_space<hbm>> -> memref<1x40x128xi32, #tpu.memory_space<hbm>>
      %dma_wait3A_116 = tpu.memref_squeeze %dma_wait3A_115 : memref<1x40x128xi32, #tpu.memory_space<hbm>> -> memref<40x128xi32, #tpu.memory_space<hbm>>
      tpu.wait_dma2 semaphore(%run_scoped3A : memref<!tpu.dma_semaphore, #tpu.memory_space<semaphore_mem>>) src(%dma_wait3A_116 : memref<40x128xi32, #tpu.memory_space<hbm>>) dst(%arg7 : memref<40x128xi32, #tpu.memory_space<vmem>>)
      tpu.yield
    }) : () -> ()
    %scan3A_25 = arith.constant 0 : i32
    %scan3A_26 = arith.constant 0 : i32
    %scan3A_27 = arith.constant 40 : i32
    %scan3A_28 = arith.addi %scan3A_26, %scan3A_27 : i32
    %scan3A_29 = arith.constant 1 : i32
    scf.for %scan3A_102 = %scan3A_26 to %scan3A_28 step %scan3A_29  : i32 {
      %get3A = arith.index_cast %scan3A_102 : i32 to index
      %get3A_103 = arith.constant 0 : index
      %get3A_104 = tpu.vector_load %arg6[%get3A, %get3A_103] {strides = array<i32>} : memref<40x128xi32, #tpu.memory_space<vmem>>, vector<1x16xi32>,
      %get3A_105 = vector.shape_cast %get3A_104 : vector<1x16xi32> to vector<16xi32>
      %add3A_106 = vector.broadcast %mul3A_0 : i32 to vector<16xi32>
      %add3A_107 = arith.addi %get3A_105, %add3A_106 : vector<16xi32>
      %swap3A = arith.index_cast %scan3A_102 : i32 to index
      %swap3A_108 = arith.constant 0 : index
      %swap3A_109 = tpu.vector_load %arg6[%swap3A, %swap3A_108] {strides = array<i32>} : memref<40x128xi32, #tpu.memory_space<vmem>>, vector<1x16xi32>,
      %swap3A_110 = vector.shape_cast %swap3A_109 : vector<1x16xi32> to vector<16xi32>
      %swap3A_111 = vector.shape_cast %add3A_107 : vector<16xi32> to vector<1x16xi32>
      tpu.vector_store %arg6[%swap3A, %swap3A_108], %swap3A_111 {strides = array<i32>} : memref<40x128xi32, #tpu.memory_space<vmem>>, vector<1x16xi32>,
      %get3A_112 = arith.index_cast %scan3A_102 : i32 to index
      %get3A_113 = arith.constant 16 : index
      %get3A_114 = tpu.vector_load %arg6[%get3A_112, %get3A_113] {strides = array<i32>} : memref<40x128xi32, #tpu.memory_space<vmem>>, vector<1x16xi32>,
      %get3A_115 = vector.shape_cast %get3A_114 : vector<1x16xi32> to vector<16xi32>
      %add3A_116 = vector.broadcast %mul3A_0 : i32 to vector<16xi32>
      %add3A_117 = arith.addi %get3A_115, %add3A_116 : vector<16xi32>
      %swap3A_118 = arith.index_cast %scan3A_102 : i32 to index
      %swap3A_119 = arith.constant 16 : index
      %swap3A_120 = tpu.vector_load %arg6[%swap3A_118, %swap3A_119] {strides = array<i32>} : memref<40x128xi32, #tpu.memory_space<vmem>>, vector<1x16xi32>,
      %swap3A_121 = vector.shape_cast %swap3A_120 : vector<1x16xi32> to vector<16xi32>
      %swap3A_122 = vector.shape_cast %add3A_117 : vector<16xi32> to vector<1x16xi32>
      tpu.vector_store %arg6[%swap3A_118, %swap3A_119], %swap3A_122 {strides = array<i32>} : memref<40x128xi32, #tpu.memory_space<vmem>>, vector<1x16xi32>,
      %get3A_123 = arith.index_cast %scan3A_102 : i32 to index
      %get3A_124 = arith.constant 32 : index
      %get3A_125 = tpu.vector_load %arg6[%get3A_123, %get3A_124] {strides = array<i32>} : memref<40x128xi32, #tpu.memory_space<vmem>>, vector<1x16xi32>,
      %get3A_126 = vector.shape_cast %get3A_125 : vector<1x16xi32> to vector<16xi32>
      %add3A_127 = vector.broadcast %mul3A_0 : i32 to vector<16xi32>
      %add3A_128 = arith.addi %get3A_126, %add3A_127 : vector<16xi32>
      %swap3A_129 = arith.index_cast %scan3A_102 : i32 to index
      %swap3A_130 = arith.constant 32 : index
      %swap3A_131 = tpu.vector_load %arg6[%swap3A_129, %swap3A_130] {strides = array<i32>} : memref<40x128xi32, #tpu.memory_space<vmem>>, vector<1x16xi32>,
      %swap3A_132 = vector.shape_cast %swap3A_131 : vector<1x16xi32> to vector<16xi32>
      %swap3A_133 = vector.shape_cast %add3A_128 : vector<16xi32> to vector<1x16xi32>
      tpu.vector_store %arg6[%swap3A_129, %swap3A_130], %swap3A_133 {strides = array<i32>} : memref<40x128xi32, #tpu.memory_space<vmem>>, vector<1x16xi32>,
      %get3A_134 = arith.index_cast %scan3A_102 : i32 to index
      %get3A_135 = arith.constant 48 : index
      %get3A_136 = tpu.vector_load %arg6[%get3A_134, %get3A_135] {strides = array<i32>} : memref<40x128xi32, #tpu.memory_space<vmem>>, vector<1x16xi32>,
      %get3A_137 = vector.shape_cast %get3A_136 : vector<1x16xi32> to vector<16xi32>
      %add3A_138 = vector.broadcast %mul3A_0 : i32 to vector<16xi32>
      %add3A_139 = arith.addi %get3A_137, %add3A_138 : vector<16xi32>
      %swap3A_140 = arith.index_cast %scan3A_102 : i32 to index
      %swap3A_141 = arith.constant 48 : index
      %swap3A_142 = tpu.vector_load %arg6[%swap3A_140, %swap3A_141] {strides = array<i32>} : memref<40x128xi32, #tpu.memory_space<vmem>>, vector<1x16xi32>,
      %swap3A_143 = vector.shape_cast %swap3A_142 : vector<1x16xi32> to vector<16xi32>
      %swap3A_144 = vector.shape_cast %add3A_139 : vector<16xi32> to vector<1x16xi32>
      tpu.vector_store %arg6[%swap3A_140, %swap3A_141], %swap3A_144 {strides = array<i32>} : memref<40x128xi32, #tpu.memory_space<vmem>>, vector<1x16xi32>,
      %get3A_145 = arith.index_cast %scan3A_102 : i32 to index
      %get3A_146 = arith.constant 64 : index
      %get3A_147 = tpu.vector_load %arg6[%get3A_145, %get3A_146] {strides = array<i32>} : memref<40x128xi32, #tpu.memory_space<vmem>>, vector<1x16xi32>,
      %get3A_148 = vector.shape_cast %get3A_147 : vector<1x16xi32> to vector<16xi32>
      %add3A_149 = vector.broadcast %mul3A_0 : i32 to vector<16xi32>
      %add3A_150 = arith.addi %get3A_148, %add3A_149 : vector<16xi32>
      %swap3A_151 = arith.index_cast %scan3A_102 : i32 to index
      %swap3A_152 = arith.constant 64 : index
      %swap3A_153 = tpu.vector_load %arg6[%swap3A_151, %swap3A_152] {strides = array<i32>} : memref<40x128xi32, #tpu.memory_space<vmem>>, vector<1x16xi32>,
      %swap3A_154 = vector.shape_cast %swap3A_153 : vector<1x16xi32> to vector<16xi32>
      %swap3A_155 = vector.shape_cast %add3A_150 : vector<16xi32> to vector<1x16xi32>
      tpu.vector_store %arg6[%swap3A_151, %swap3A_152], %swap3A_155 {strides = array<i32>} : memref<40x128xi32, #tpu.memory_space<vmem>>, vector<1x16xi32>,
      %get3A_156 = arith.index_cast %scan3A_102 : i32 to index
      %get3A_157 = arith.constant 80 : index
      %get3A_158 = tpu.vector_load %arg6[%get3A_156, %get3A_157] {strides = array<i32>} : memref<40x128xi32, #tpu.memory_space<vmem>>, vector<1x16xi32>,
      %get3A_159 = vector.shape_cast %get3A_158 : vector<1x16xi32> to vector<16xi32>
      %add3A_160 = vector.broadcast %mul3A_0 : i32 to vector<16xi32>
      %add3A_161 = arith.addi %get3A_159, %add3A_160 : vector<16xi32>
      %swap3A_162 = arith.index_cast %scan3A_102 : i32 to index
      %swap3A_163 = arith.constant 80 : index
      %swap3A_164 = tpu.vector_load %arg6[%swap3A_162, %swap3A_163] {strides = array<i32>} : memref<40x128xi32, #tpu.memory_space<vmem>>, vector<1x16xi32>,
      %swap3A_165 = vector.shape_cast %swap3A_164 : vector<1x16xi32> to vector<16xi32>
      %swap3A_166 = vector.shape_cast %add3A_161 : vector<16xi32> to vector<1x16xi32>
      tpu.vector_store %arg6[%swap3A_162, %swap3A_163], %swap3A_166 {strides = array<i32>} : memref<40x128xi32, #tpu.memory_space<vmem>>, vector<1x16xi32>,
      %get3A_167 = arith.index_cast %scan3A_102 : i32 to index
      %get3A_168 = arith.constant 96 : index
      %get3A_169 = tpu.vector_load %arg6[%get3A_167, %get3A_168] {strides = array<i32>} : memref<40x128xi32, #tpu.memory_space<vmem>>, vector<1x16xi32>,
      %get3A_170 = vector.shape_cast %get3A_169 : vector<1x16xi32> to vector<16xi32>
      %add3A_171 = vector.broadcast %mul3A_0 : i32 to vector<16xi32>
      %add3A_172 = arith.addi %get3A_170, %add3A_171 : vector<16xi32>
      %swap3A_173 = arith.index_cast %scan3A_102 : i32 to index
      %swap3A_174 = arith.constant 96 : index
      %swap3A_175 = tpu.vector_load %arg6[%swap3A_173, %swap3A_174] {strides = array<i32>} : memref<40x128xi32, #tpu.memory_space<vmem>>, vector<1x16xi32>,
      %swap3A_176 = vector.shape_cast %swap3A_175 : vector<1x16xi32> to vector<16xi32>
      %swap3A_177 = vector.shape_cast %add3A_172 : vector<16xi32> to vector<1x16xi32>
      tpu.vector_store %arg6[%swap3A_173, %swap3A_174], %swap3A_177 {strides = array<i32>} : memref<40x128xi32, #tpu.memory_space<vmem>>, vector<1x16xi32>,
      %get3A_178 = arith.index_cast %scan3A_102 : i32 to index
      %get3A_179 = arith.constant 112 : index
      %get3A_180 = tpu.vector_load %arg6[%get3A_178, %get3A_179] {strides = array<i32>} : memref<40x128xi32, #tpu.memory_space<vmem>>, vector<1x16xi32>,
      %get3A_181 = vector.shape_cast %get3A_180 : vector<1x16xi32> to vector<16xi32>
      %add3A_182 = vector.broadcast %mul3A_0 : i32 to vector<16xi32>
      %add3A_183 = arith.addi %get3A_181, %add3A_182 : vector<16xi32>
      %swap3A_184 = arith.index_cast %scan3A_102 : i32 to index
      %swap3A_185 = arith.constant 112 : index
      %swap3A_186 = tpu.vector_load %arg6[%swap3A_184, %swap3A_185] {strides = array<i32>} : memref<40x128xi32, #tpu.memory_space<vmem>>, vector<1x16xi32>,
      %swap3A_187 = vector.shape_cast %swap3A_186 : vector<1x16xi32> to vector<16xi32>
      %swap3A_188 = vector.shape_cast %add3A_183 : vector<16xi32> to vector<1x16xi32>
      tpu.vector_store %arg6[%swap3A_184, %swap3A_185], %swap3A_188 {strides = array<i32>} : memref<40x128xi32, #tpu.memory_space<vmem>>, vector<1x16xi32>,
    }
    %scan3A_30 = arith.constant 40 : i32
    %dma_start3A = arith.constant 0 : i32
    %dma_start3A_31 = arith.constant 0 : i32
    %dma_start3A_32 = tpu.memref_slice %arg6[%dma_start3A, %dma_start3A_31] : memref<40x128xi32, #tpu.memory_space<vmem>> -> memref<1x128xi32, #tpu.memory_space<vmem>>
    %dma_start3A_33 = tpu.memref_squeeze %dma_start3A_32 : memref<1x128xi32, #tpu.memory_space<vmem>> -> memref<128xi32, #tpu.memory_space<vmem>>
    %dma_start3A_34 = arith.constant 0 : i32
    %dma_start3A_35 = arith.constant 0 : i32
    %dma_start3A_36 = tpu.memref_slice %arg2[%dma_start3A_34, %dma_start3A_35] : memref<20480x128xf32, #tpu.memory_space<hbm>> -> memref<20480x128xf32, #tpu.memory_space<hbm>>
    tpu.enqueue_indirect_dma source(%dma_start3A_36 : memref<20480x128xf32, #tpu.memory_space<hbm>>) target(%arg8 : memref<128x128xf32, #tpu.memory_space<vmem>>) offsets(%dma_start3A_33 : memref<128xi32, #tpu.memory_space<vmem>>) semaphore(%arg10 : memref<!tpu.dma_semaphore, #tpu.memory_space<semaphore_mem>>)
    %dma_start3A_37 = arith.constant 1 : i32
    %dma_start3A_38 = arith.constant 0 : i32
    %dma_start3A_39 = tpu.memref_slice %arg6[%dma_start3A_37, %dma_start3A_38] : memref<40x128xi32, #tpu.memory_space<vmem>> -> memref<1x128xi32, #tpu.memory_space<vmem>>
    %dma_start3A_40 = tpu.memref_squeeze %dma_start3A_39 : memref<1x128xi32, #tpu.memory_space<vmem>> -> memref<128xi32, #tpu.memory_space<vmem>>
    %dma_start3A_41 = arith.constant 0 : i32
    %dma_start3A_42 = arith.constant 0 : i32
    %dma_start3A_43 = tpu.memref_slice %arg2[%dma_start3A_41, %dma_start3A_42] : memref<20480x128xf32, #tpu.memory_space<hbm>> -> memref<20480x128xf32, #tpu.memory_space<hbm>>
    tpu.enqueue_indirect_dma source(%dma_start3A_43 : memref<20480x128xf32, #tpu.memory_space<hbm>>) target(%arg9 : memref<128x128xf32, #tpu.memory_space<vmem>>) offsets(%dma_start3A_40 : memref<128xi32, #tpu.memory_space<vmem>>) semaphore(%arg11 : memref<!tpu.dma_semaphore, #tpu.memory_space<semaphore_mem>>)
    %scan3A_44 = arith.constant 0 : i32
    %scan3A_45 = arith.constant 0 : i32
    %scan3A_46 = arith.constant 20 : i32
    %scan3A_47 = arith.addi %scan3A_45, %scan3A_46 : i32
    %scan3A_48 = arith.constant 1 : i32
    scf.for %scan3A_102 = %scan3A_45 to %scan3A_47 step %scan3A_48  : i32 {
      %mul3A_103 = arith.constant 2 : i32
      %mul3A_104 = arith.muli %mul3A_103, %scan3A_102 : i32
      %dma_wait3A = arith.constant 0 : i32
      %dma_wait3A_105 = tpu.memref_slice %arg6[%mul3A_104, %dma_wait3A] : memref<40x128xi32, #tpu.memory_space<vmem>> -> memref<1x128xi32, #tpu.memory_space<vmem>>
      %dma_wait3A_106 = tpu.memref_squeeze %dma_wait3A_105 : memref<1x128xi32, #tpu.memory_space<vmem>> -> memref<128xi32, #tpu.memory_space<vmem>>
      %dma_wait3A_107 = arith.constant 0 : i32
      %dma_wait3A_108 = arith.constant 0 : i32
      %dma_wait3A_109 = tpu.memref_slice %arg2[%dma_wait3A_107, %dma_wait3A_108] : memref<20480x128xf32, #tpu.memory_space<hbm>> -> memref<20480x128xf32, #tpu.memory_space<hbm>>
      tpu.wait_indirect_dma semaphore(%arg10 : memref<!tpu.dma_semaphore, #tpu.memory_space<semaphore_mem>>) src(%dma_wait3A_109 : memref<20480x128xf32, #tpu.memory_space<hbm>>) dst(%arg8 : memref<128x128xf32, #tpu.memory_space<vmem>>)
      "tpu.region"() ({
        %run_scoped3A = tpu.sem_alloc : memref<!tpu.dma_semaphore, #tpu.memory_space<semaphore_mem>>
        %dma_start3A_129 = arith.constant 0 : i32
        %dma_start3A_130 = tpu.memref_slice %arg7[%mul3A_104, %dma_start3A_129] : memref<40x128xi32, #tpu.memory_space<vmem>> -> memref<1x128xi32, #tpu.memory_space<vmem>>
        %dma_start3A_131 = tpu.memref_squeeze %dma_start3A_130 : memref<1x128xi32, #tpu.memory_space<vmem>> -> memref<128xi32, #tpu.memory_space<vmem>>
        %dma_start3A_132 = arith.constant 0 : i32
        %dma_start3A_133 = arith.constant 0 : i32
        %dma_start3A_134 = tpu.memref_slice %arg12[%dma_start3A_132, %dma_start3A_133] : memref<10240x128xf32, #tpu.memory_space<vmem_shared>> -> memref<10240x128xf32, #tpu.memory_space<vmem_shared>>
        tpu.enqueue_indirect_dma source(%arg8 : memref<128x128xf32, #tpu.memory_space<vmem>>) target(%dma_start3A_134 : memref<10240x128xf32, #tpu.memory_space<vmem_shared>>) offsets(%dma_start3A_131 : memref<128xi32, #tpu.memory_space<vmem>>) semaphore(%run_scoped3A : memref<!tpu.dma_semaphore, #tpu.memory_space<semaphore_mem>>) {add = true}
        %dma_wait3A_135 = arith.constant 0 : i32
        %dma_wait3A_136 = tpu.memref_slice %arg7[%mul3A_104, %dma_wait3A_135] : memref<40x128xi32, #tpu.memory_space<vmem>> -> memref<1x128xi32, #tpu.memory_space<vmem>>
        %dma_wait3A_137 = tpu.memref_squeeze %dma_wait3A_136 : memref<1x128xi32, #tpu.memory_space<vmem>> -> memref<128xi32, #tpu.memory_space<vmem>>
        %dma_wait3A_138 = arith.constant 0 : i32
        %dma_wait3A_139 = arith.constant 0 : i32
        %dma_wait3A_140 = tpu.memref_slice %arg12[%dma_wait3A_138, %dma_wait3A_139] : memref<10240x128xf32, #tpu.memory_space<vmem_shared>> -> memref<10240x128xf32, #tpu.memory_space<vmem_shared>>
        tpu.wait_indirect_dma semaphore(%run_scoped3A : memref<!tpu.dma_semaphore, #tpu.memory_space<semaphore_mem>>) src(%arg8 : memref<128x128xf32, #tpu.memory_space<vmem>>) dst(%dma_wait3A_140 : memref<10240x128xf32, #tpu.memory_space<vmem_shared>>)
        tpu.yield
      }) : () -> ()
      %add3A_110 = arith.constant 2 : i32
      %add3A_111 = arith.addi %mul3A_104, %add3A_110 : i32
      %lt3A = arith.constant 40 : i32
      %lt3A_112 = arith.cmpi slt, %add3A_111, %lt3A : i32
      %convert_element_type3A = arith.extui %lt3A_112 : i1 to i32
      %cond3A = arith.constant 0 : i32
      %cond3A_113 = arith.cmpi ne, %convert_element_type3A, %cond3A : i32
      scf.if %cond3A_113 {
        %add3A_129 = arith.constant 2 : i32
        %add3A_130 = arith.addi %mul3A_104, %add3A_129 : i32
        %dma_start3A_131 = arith.constant 0 : i32
        %dma_start3A_132 = tpu.memref_slice %arg6[%add3A_130, %dma_start3A_131] : memref<40x128xi32, #tpu.memory_space<vmem>> -> memref<1x128xi32, #tpu.memory_space<vmem>>
        %dma_start3A_133 = tpu.memref_squeeze %dma_start3A_132 : memref<1x128xi32, #tpu.memory_space<vmem>> -> memref<128xi32, #tpu.memory_space<vmem>>
        %dma_start3A_134 = arith.constant 0 : i32
        %dma_start3A_135 = arith.constant 0 : i32
        %dma_start3A_136 = tpu.memref_slice %arg2[%dma_start3A_134, %dma_start3A_135] : memref<20480x128xf32, #tpu.memory_space<hbm>> -> memref<20480x128xf32, #tpu.memory_space<hbm>>
        tpu.enqueue_indirect_dma source(%dma_start3A_136 : memref<20480x128xf32, #tpu.memory_space<hbm>>) target(%arg8 : memref<128x128xf32, #tpu.memory_space<vmem>>) offsets(%dma_start3A_133 : memref<128xi32, #tpu.memory_space<vmem>>) semaphore(%arg10 : memref<!tpu.dma_semaphore, #tpu.memory_space<semaphore_mem>>)
      } else {
      }
      %add3A_114 = arith.constant 1 : i32
      %add3A_115 = arith.addi %mul3A_104, %add3A_114 : i32
      %dma_wait3A_116 = arith.constant 0 : i32
      %dma_wait3A_117 = tpu.memref_slice %arg6[%add3A_115, %dma_wait3A_116] : memref<40x128xi32, #tpu.memory_space<vmem>> -> memref<1x128xi32, #tpu.memory_space<vmem>>
      %dma_wait3A_118 = tpu.memref_squeeze %dma_wait3A_117 : memref<1x128xi32, #tpu.memory_space<vmem>> -> memref<128xi32, #tpu.memory_space<vmem>>
      %dma_wait3A_119 = arith.constant 0 : i32
      %dma_wait3A_120 = arith.constant 0 : i32
      %dma_wait3A_121 = tpu.memref_slice %arg2[%dma_wait3A_119, %dma_wait3A_120] : memref<20480x128xf32, #tpu.memory_space<hbm>> -> memref<20480x128xf32, #tpu.memory_space<hbm>>
      tpu.wait_indirect_dma semaphore(%arg11 : memref<!tpu.dma_semaphore, #tpu.memory_space<semaphore_mem>>) src(%dma_wait3A_121 : memref<20480x128xf32, #tpu.memory_space<hbm>>) dst(%arg9 : memref<128x128xf32, #tpu.memory_space<vmem>>)
      "tpu.region"() ({
        %run_scoped3A = tpu.sem_alloc : memref<!tpu.dma_semaphore, #tpu.memory_space<semaphore_mem>>
        %dma_start3A_129 = arith.constant 0 : i32
        %dma_start3A_130 = tpu.memref_slice %arg7[%add3A_115, %dma_start3A_129] : memref<40x128xi32, #tpu.memory_space<vmem>> -> memref<1x128xi32, #tpu.memory_space<vmem>>
        %dma_start3A_131 = tpu.memref_squeeze %dma_start3A_130 : memref<1x128xi32, #tpu.memory_space<vmem>> -> memref<128xi32, #tpu.memory_space<vmem>>
        %dma_start3A_132 = arith.constant 0 : i32
        %dma_start3A_133 = arith.constant 0 : i32
        %dma_start3A_134 = tpu.memref_slice %arg12[%dma_start3A_132, %dma_start3A_133] : memref<10240x128xf32, #tpu.memory_space<vmem_shared>> -> memref<10240x128xf32, #tpu.memory_space<vmem_shared>>
        tpu.enqueue_indirect_dma source(%arg9 : memref<128x128xf32, #tpu.memory_space<vmem>>) target(%dma_start3A_134 : memref<10240x128xf32, #tpu.memory_space<vmem_shared>>) offsets(%dma_start3A_131 : memref<128xi32, #tpu.memory_space<vmem>>) semaphore(%run_scoped3A : memref<!tpu.dma_semaphore, #tpu.memory_space<semaphore_mem>>) {add = true}
        %dma_wait3A_135 = arith.constant 0 : i32
        %dma_wait3A_136 = tpu.memref_slice %arg7[%add3A_115, %dma_wait3A_135] : memref<40x128xi32, #tpu.memory_space<vmem>> -> memref<1x128xi32, #tpu.memory_space<vmem>>
        %dma_wait3A_137 = tpu.memref_squeeze %dma_wait3A_136 : memref<1x128xi32, #tpu.memory_space<vmem>> -> memref<128xi32, #tpu.memory_space<vmem>>
        %dma_wait3A_138 = arith.constant 0 : i32
        %dma_wait3A_139 = arith.constant 0 : i32
        %dma_wait3A_140 = tpu.memref_slice %arg12[%dma_wait3A_138, %dma_wait3A_139] : memref<10240x128xf32, #tpu.memory_space<vmem_shared>> -> memref<10240x128xf32, #tpu.memory_space<vmem_shared>>
        tpu.wait_indirect_dma semaphore(%run_scoped3A : memref<!tpu.dma_semaphore, #tpu.memory_space<semaphore_mem>>) src(%arg9 : memref<128x128xf32, #tpu.memory_space<vmem>>) dst(%dma_wait3A_140 : memref<10240x128xf32, #tpu.memory_space<vmem_shared>>)
        tpu.yield
      }) : () -> ()
      %add3A_122 = arith.constant 2 : i32
      %add3A_123 = arith.addi %add3A_115, %add3A_122 : i32
      %lt3A_124 = arith.constant 40 : i32
      %lt3A_125 = arith.cmpi slt, %add3A_123, %lt3A_124 : i32
      %convert_element_type3A_126 = arith.extui %lt3A_125 : i1 to i32
      %cond3A_127 = arith.constant 0 : i32
      %cond3A_128 = arith.cmpi ne, %convert_element_type3A_126, %cond3A_127 : i32
      scf.if %cond3A_128 {
        %add3A_129 = arith.constant 2 : i32
        %add3A_130 = arith.addi %add3A_115, %add3A_129 : i32
        %dma_start3A_131 = arith.constant 0 : i32
        %dma_start3A_132 = tpu.memref_slice %arg6[%add3A_130, %dma_start3A_131] : memref<40x128xi32, #tpu.memory_space<vmem>> -> memref<1x128xi32, #tpu.memory_space<vmem>>
        %dma_start3A_133 = tpu.memref_squeeze %dma_start3A_132 : memref<1x128xi32, #tpu.memory_space<vmem>> -> memref<128xi32, #tpu.memory_space<vmem>>
        %dma_start3A_134 = arith.constant 0 : i32
        %dma_start3A_135 = arith.constant 0 : i32
        %dma_start3A_136 = tpu.memref_slice %arg2[%dma_start3A_134, %dma_start3A_135] : memref<20480x128xf32, #tpu.memory_space<hbm>> -> memref<20480x128xf32, #tpu.memory_space<hbm>>
        tpu.enqueue_indirect_dma source(%dma_start3A_136 : memref<20480x128xf32, #tpu.memory_space<hbm>>) target(%arg9 : memref<128x128xf32, #tpu.memory_space<vmem>>) offsets(%dma_start3A_133 : memref<128xi32, #tpu.memory_space<vmem>>) semaphore(%arg11 : memref<!tpu.dma_semaphore, #tpu.memory_space<semaphore_mem>>)
      } else {
      }
    }
    %scan3A_49 = arith.constant 20 : i32
    "tpu.region"() ({
      %run_scoped3A = tpu.sem_alloc : memref<!tpu.dma_semaphore, #tpu.memory_space<semaphore_mem>>
      %dma_start3A_102 = arith.constant 40 : i32
      %dma_start3A_103 = arith.constant 0 : i32
      %dma_start3A_104 = tpu.memref_slice %arg3[%arg1, %dma_start3A_102, %dma_start3A_103] : memref<16x80x128xi32, #tpu.memory_space<hbm>> -> memref<1x40x128xi32, #tpu.memory_space<hbm>>
      %dma_start3A_105 = tpu.memref_squeeze %dma_start3A_104 : memref<1x40x128xi32, #tpu.memory_space<hbm>> -> memref<40x128xi32, #tpu.memory_space<hbm>>
      %dma_start3A_106 = arith.constant 40 : i32
      %dma_start3A_107 = arith.constant 0 : i32
      %dma_start3A_108 = tpu.memref_slice %arg3[%arg1, %dma_start3A_106, %dma_start3A_107] : memref<16x80x128xi32, #tpu.memory_space<hbm>> -> memref<1x40x128xi32, #tpu.memory_space<hbm>>
      %dma_start3A_109 = tpu.memref_squeeze %dma_start3A_108 : memref<1x40x128xi32, #tpu.memory_space<hbm>> -> memref<40x128xi32, #tpu.memory_space<hbm>>
      tpu.enqueue_dma source(%dma_start3A_109 : memref<40x128xi32, #tpu.memory_space<hbm>>) target(%arg6 : memref<40x128xi32, #tpu.memory_space<vmem>>) target_semaphore(%run_scoped3A : memref<!tpu.dma_semaphore, #tpu.memory_space<semaphore_mem>>)
      %dma_wait3A = arith.constant 40 : i32
      %dma_wait3A_110 = arith.constant 0 : i32
      %dma_wait3A_111 = tpu.memref_slice %arg3[%arg1, %dma_wait3A, %dma_wait3A_110] : memref<16x80x128xi32, #tpu.memory_space<hbm>> -> memref<1x40x128xi32, #tpu.memory_space<hbm>>
      %dma_wait3A_112 = tpu.memref_squeeze %dma_wait3A_111 : memref<1x40x128xi32, #tpu.memory_space<hbm>> -> memref<40x128xi32, #tpu.memory_space<hbm>>
      %dma_wait3A_113 = arith.constant 40 : i32
      %dma_wait3A_114 = arith.constant 0 : i32
      %dma_wait3A_115 = tpu.memref_slice %arg3[%arg1, %dma_wait3A_113, %dma_wait3A_114] : memref<16x80x128xi32, #tpu.memory_space<hbm>> -> memref<1x40x128xi32, #tpu.memory_space<hbm>>
      %dma_wait3A_116 = tpu.memref_squeeze %dma_wait3A_115 : memref<1x40x128xi32, #tpu.memory_space<hbm>> -> memref<40x128xi32, #tpu.memory_space<hbm>>
      tpu.wait_dma2 semaphore(%run_scoped3A : memref<!tpu.dma_semaphore, #tpu.memory_space<semaphore_mem>>) src(%dma_wait3A_116 : memref<40x128xi32, #tpu.memory_space<hbm>>) dst(%arg6 : memref<40x128xi32, #tpu.memory_space<vmem>>)
      tpu.yield
    }) : () -> ()
    "tpu.region"() ({
      %run_scoped3A = tpu.sem_alloc : memref<!tpu.dma_semaphore, #tpu.memory_space<semaphore_mem>>
      %dma_start3A_102 = arith.constant 40 : i32
      %dma_start3A_103 = arith.constant 0 : i32
      %dma_start3A_104 = tpu.memref_slice %arg4[%arg1, %dma_start3A_102, %dma_start3A_103] : memref<16x80x128xi32, #tpu.memory_space<hbm>> -> memref<1x40x128xi32, #tpu.memory_space<hbm>>
      %dma_start3A_105 = tpu.memref_squeeze %dma_start3A_104 : memref<1x40x128xi32, #tpu.memory_space<hbm>> -> memref<40x128xi32, #tpu.memory_space<hbm>>
      %dma_start3A_106 = arith.constant 40 : i32
      %dma_start3A_107 = arith.constant 0 : i32
      %dma_start3A_108 = tpu.memref_slice %arg4[%arg1, %dma_start3A_106, %dma_start3A_107] : memref<16x80x128xi32, #tpu.memory_space<hbm>> -> memref<1x40x128xi32, #tpu.memory_space<hbm>>
      %dma_start3A_109 = tpu.memref_squeeze %dma_start3A_108 : memref<1x40x128xi32, #tpu.memory_space<hbm>> -> memref<40x128xi32, #tpu.memory_space<hbm>>
      tpu.enqueue_dma source(%dma_start3A_109 : memref<40x128xi32, #tpu.memory_space<hbm>>) target(%arg7 : memref<40x128xi32, #tpu.memory_space<vmem>>) target_semaphore(%run_scoped3A : memref<!tpu.dma_semaphore, #tpu.memory_space<semaphore_mem>>)
      %dma_wait3A = arith.constant 40 : i32
      %dma_wait3A_110 = arith.constant 0 : i32
      %dma_wait3A_111 = tpu.memref_slice %arg4[%arg1, %dma_wait3A, %dma_wait3A_110] : memref<16x80x128xi32, #tpu.memory_space<hbm>> -> memref<1x40x128xi32, #tpu.memory_space<hbm>>
      %dma_wait3A_112 = tpu.memref_squeeze %dma_wait3A_111 : memref<1x40x128xi32, #tpu.memory_space<hbm>> -> memref<40x128xi32, #tpu.memory_space<hbm>>
      %dma_wait3A_113 = arith.constant 40 : i32
      %dma_wait3A_114 = arith.constant 0 : i32
      %dma_wait3A_115 = tpu.memref_slice %arg4[%arg1, %dma_wait3A_113, %dma_wait3A_114] : memref<16x80x128xi32, #tpu.memory_space<hbm>> -> memref<1x40x128xi32, #tpu.memory_space<hbm>>
      %dma_wait3A_116 = tpu.memref_squeeze %dma_wait3A_115 : memref<1x40x128xi32, #tpu.memory_space<hbm>> -> memref<40x128xi32, #tpu.memory_space<hbm>>
      tpu.wait_dma2 semaphore(%run_scoped3A : memref<!tpu.dma_semaphore, #tpu.memory_space<semaphore_mem>>) src(%dma_wait3A_116 : memref<40x128xi32, #tpu.memory_space<hbm>>) dst(%arg7 : memref<40x128xi32, #tpu.memory_space<vmem>>)
      tpu.yield
    }) : () -> ()
    %scan3A_50 = arith.constant 0 : i32
    %scan3A_51 = arith.constant 0 : i32
    %scan3A_52 = arith.constant 40 : i32
    %scan3A_53 = arith.addi %scan3A_51, %scan3A_52 : i32
    %scan3A_54 = arith.constant 1 : i32
    scf.for %scan3A_102 = %scan3A_51 to %scan3A_53 step %scan3A_54  : i32 {
      %get3A = arith.index_cast %scan3A_102 : i32 to index
      %get3A_103 = arith.constant 0 : index
      %get3A_104 = tpu.vector_load %arg6[%get3A, %get3A_103] {strides = array<i32>} : memref<40x128xi32, #tpu.memory_space<vmem>>, vector<1x16xi32>,
      %get3A_105 = vector.shape_cast %get3A_104 : vector<1x16xi32> to vector<16xi32>
      %add3A_106 = vector.broadcast %mul3A_0 : i32 to vector<16xi32>
      %add3A_107 = arith.addi %get3A_105, %add3A_106 : vector<16xi32>
      %swap3A = arith.index_cast %scan3A_102 : i32 to index
      %swap3A_108 = arith.constant 0 : index
      %swap3A_109 = tpu.vector_load %arg6[%swap3A, %swap3A_108] {strides = array<i32>} : memref<40x128xi32, #tpu.memory_space<vmem>>, vector<1x16xi32>,
      %swap3A_110 = vector.shape_cast %swap3A_109 : vector<1x16xi32> to vector<16xi32>
      %swap3A_111 = vector.shape_cast %add3A_107 : vector<16xi32> to vector<1x16xi32>
      tpu.vector_store %arg6[%swap3A, %swap3A_108], %swap3A_111 {strides = array<i32>} : memref<40x128xi32, #tpu.memory_space<vmem>>, vector<1x16xi32>,
      %get3A_112 = arith.index_cast %scan3A_102 : i32 to index
      %get3A_113 = arith.constant 16 : index
      %get3A_114 = tpu.vector_load %arg6[%get3A_112, %get3A_113] {strides = array<i32>} : memref<40x128xi32, #tpu.memory_space<vmem>>, vector<1x16xi32>,
      %get3A_115 = vector.shape_cast %get3A_114 : vector<1x16xi32> to vector<16xi32>
      %add3A_116 = vector.broadcast %mul3A_0 : i32 to vector<16xi32>
      %add3A_117 = arith.addi %get3A_115, %add3A_116 : vector<16xi32>
      %swap3A_118 = arith.index_cast %scan3A_102 : i32 to index
      %swap3A_119 = arith.constant 16 : index
      %swap3A_120 = tpu.vector_load %arg6[%swap3A_118, %swap3A_119] {strides = array<i32>} : memref<40x128xi32, #tpu.memory_space<vmem>>, vector<1x16xi32>,
      %swap3A_121 = vector.shape_cast %swap3A_120 : vector<1x16xi32> to vector<16xi32>
      %swap3A_122 = vector.shape_cast %add3A_117 : vector<16xi32> to vector<1x16xi32>
      tpu.vector_store %arg6[%swap3A_118, %swap3A_119], %swap3A_122 {strides = array<i32>} : memref<40x128xi32, #tpu.memory_space<vmem>>, vector<1x16xi32>,
      %get3A_123 = arith.index_cast %scan3A_102 : i32 to index
      %get3A_124 = arith.constant 32 : index
      %get3A_125 = tpu.vector_load %arg6[%get3A_123, %get3A_124] {strides = array<i32>} : memref<40x128xi32, #tpu.memory_space<vmem>>, vector<1x16xi32>,
      %get3A_126 = vector.shape_cast %get3A_125 : vector<1x16xi32> to vector<16xi32>
      %add3A_127 = vector.broadcast %mul3A_0 : i32 to vector<16xi32>
      %add3A_128 = arith.addi %get3A_126, %add3A_127 : vector<16xi32>
      %swap3A_129 = arith.index_cast %scan3A_102 : i32 to index
      %swap3A_130 = arith.constant 32 : index
      %swap3A_131 = tpu.vector_load %arg6[%swap3A_129, %swap3A_130] {strides = array<i32>} : memref<40x128xi32, #tpu.memory_space<vmem>>, vector<1x16xi32>,
      %swap3A_132 = vector.shape_cast %swap3A_131 : vector<1x16xi32> to vector<16xi32>
      %swap3A_133 = vector.shape_cast %add3A_128 : vector<16xi32> to vector<1x16xi32>
      tpu.vector_store %arg6[%swap3A_129, %swap3A_130], %swap3A_133 {strides = array<i32>} : memref<40x128xi32, #tpu.memory_space<vmem>>, vector<1x16xi32>,
      %get3A_134 = arith.index_cast %scan3A_102 : i32 to index
      %get3A_135 = arith.constant 48 : index
      %get3A_136 = tpu.vector_load %arg6[%get3A_134, %get3A_135] {strides = array<i32>} : memref<40x128xi32, #tpu.memory_space<vmem>>, vector<1x16xi32>,
      %get3A_137 = vector.shape_cast %get3A_136 : vector<1x16xi32> to vector<16xi32>
      %add3A_138 = vector.broadcast %mul3A_0 : i32 to vector<16xi32>
      %add3A_139 = arith.addi %get3A_137, %add3A_138 : vector<16xi32>
      %swap3A_140 = arith.index_cast %scan3A_102 : i32 to index
      %swap3A_141 = arith.constant 48 : index
      %swap3A_142 = tpu.vector_load %arg6[%swap3A_140, %swap3A_141] {strides = array<i32>} : memref<40x128xi32, #tpu.memory_space<vmem>>, vector<1x16xi32>,
      %swap3A_143 = vector.shape_cast %swap3A_142 : vector<1x16xi32> to vector<16xi32>
      %swap3A_144 = vector.shape_cast %add3A_139 : vector<16xi32> to vector<1x16xi32>
      tpu.vector_store %arg6[%swap3A_140, %swap3A_141], %swap3A_144 {strides = array<i32>} : memref<40x128xi32, #tpu.memory_space<vmem>>, vector<1x16xi32>,
      %get3A_145 = arith.index_cast %scan3A_102 : i32 to index
      %get3A_146 = arith.constant 64 : index
      %get3A_147 = tpu.vector_load %arg6[%get3A_145, %get3A_146] {strides = array<i32>} : memref<40x128xi32, #tpu.memory_space<vmem>>, vector<1x16xi32>,
      %get3A_148 = vector.shape_cast %get3A_147 : vector<1x16xi32> to vector<16xi32>
      %add3A_149 = vector.broadcast %mul3A_0 : i32 to vector<16xi32>
      %add3A_150 = arith.addi %get3A_148, %add3A_149 : vector<16xi32>
      %swap3A_151 = arith.index_cast %scan3A_102 : i32 to index
      %swap3A_152 = arith.constant 64 : index
      %swap3A_153 = tpu.vector_load %arg6[%swap3A_151, %swap3A_152] {strides = array<i32>} : memref<40x128xi32, #tpu.memory_space<vmem>>, vector<1x16xi32>,
      %swap3A_154 = vector.shape_cast %swap3A_153 : vector<1x16xi32> to vector<16xi32>
      %swap3A_155 = vector.shape_cast %add3A_150 : vector<16xi32> to vector<1x16xi32>
      tpu.vector_store %arg6[%swap3A_151, %swap3A_152], %swap3A_155 {strides = array<i32>} : memref<40x128xi32, #tpu.memory_space<vmem>>, vector<1x16xi32>,
      %get3A_156 = arith.index_cast %scan3A_102 : i32 to index
      %get3A_157 = arith.constant 80 : index
      %get3A_158 = tpu.vector_load %arg6[%get3A_156, %get3A_157] {strides = array<i32>} : memref<40x128xi32, #tpu.memory_space<vmem>>, vector<1x16xi32>,
      %get3A_159 = vector.shape_cast %get3A_158 : vector<1x16xi32> to vector<16xi32>
      %add3A_160 = vector.broadcast %mul3A_0 : i32 to vector<16xi32>
      %add3A_161 = arith.addi %get3A_159, %add3A_160 : vector<16xi32>
      %swap3A_162 = arith.index_cast %scan3A_102 : i32 to index
      %swap3A_163 = arith.constant 80 : index
      %swap3A_164 = tpu.vector_load %arg6[%swap3A_162, %swap3A_163] {strides = array<i32>} : memref<40x128xi32, #tpu.memory_space<vmem>>, vector<1x16xi32>,
      %swap3A_165 = vector.shape_cast %swap3A_164 : vector<1x16xi32> to vector<16xi32>
      %swap3A_166 = vector.shape_cast %add3A_161 : vector<16xi32> to vector<1x16xi32>
      tpu.vector_store %arg6[%swap3A_162, %swap3A_163], %swap3A_166 {strides = array<i32>} : memref<40x128xi32, #tpu.memory_space<vmem>>, vector<1x16xi32>,
      %get3A_167 = arith.index_cast %scan3A_102 : i32 to index
      %get3A_168 = arith.constant 96 : index
      %get3A_169 = tpu.vector_load %arg6[%get3A_167, %get3A_168] {strides = array<i32>} : memref<40x128xi32, #tpu.memory_space<vmem>>, vector<1x16xi32>,
      %get3A_170 = vector.shape_cast %get3A_169 : vector<1x16xi32> to vector<16xi32>
      %add3A_171 = vector.broadcast %mul3A_0 : i32 to vector<16xi32>
      %add3A_172 = arith.addi %get3A_170, %add3A_171 : vector<16xi32>
      %swap3A_173 = arith.index_cast %scan3A_102 : i32 to index
      %swap3A_174 = arith.constant 96 : index
      %swap3A_175 = tpu.vector_load %arg6[%swap3A_173, %swap3A_174] {strides = array<i32>} : memref<40x128xi32, #tpu.memory_space<vmem>>, vector<1x16xi32>,
      %swap3A_176 = vector.shape_cast %swap3A_175 : vector<1x16xi32> to vector<16xi32>
      %swap3A_177 = vector.shape_cast %add3A_172 : vector<16xi32> to vector<1x16xi32>
      tpu.vector_store %arg6[%swap3A_173, %swap3A_174], %swap3A_177 {strides = array<i32>} : memref<40x128xi32, #tpu.memory_space<vmem>>, vector<1x16xi32>,
      %get3A_178 = arith.index_cast %scan3A_102 : i32 to index
      %get3A_179 = arith.constant 112 : index
      %get3A_180 = tpu.vector_load %arg6[%get3A_178, %get3A_179] {strides = array<i32>} : memref<40x128xi32, #tpu.memory_space<vmem>>, vector<1x16xi32>,
      %get3A_181 = vector.shape_cast %get3A_180 : vector<1x16xi32> to vector<16xi32>
      %add3A_182 = vector.broadcast %mul3A_0 : i32 to vector<16xi32>
      %add3A_183 = arith.addi %get3A_181, %add3A_182 : vector<16xi32>
      %swap3A_184 = arith.index_cast %scan3A_102 : i32 to index
      %swap3A_185 = arith.constant 112 : index
      %swap3A_186 = tpu.vector_load %arg6[%swap3A_184, %swap3A_185] {strides = array<i32>} : memref<40x128xi32, #tpu.memory_space<vmem>>, vector<1x16xi32>,
      %swap3A_187 = vector.shape_cast %swap3A_186 : vector<1x16xi32> to vector<16xi32>
      %swap3A_188 = vector.shape_cast %add3A_183 : vector<16xi32> to vector<1x16xi32>
      tpu.vector_store %arg6[%swap3A_184, %swap3A_185], %swap3A_188 {strides = array<i32>} : memref<40x128xi32, #tpu.memory_space<vmem>>, vector<1x16xi32>,
    }
    %scan3A_55 = arith.constant 40 : i32
    %dma_start3A_56 = arith.constant 0 : i32
    %dma_start3A_57 = arith.constant 0 : i32
    %dma_start3A_58 = tpu.memref_slice %arg6[%dma_start3A_56, %dma_start3A_57] : memref<40x128xi32, #tpu.memory_space<vmem>> -> memref<1x128xi32, #tpu.memory_space<vmem>>
    %dma_start3A_59 = tpu.memref_squeeze %dma_start3A_58 : memref<1x128xi32, #tpu.memory_space<vmem>> -> memref<128xi32, #tpu.memory_space<vmem>>
    %dma_start3A_60 = arith.constant 0 : i32
    %dma_start3A_61 = arith.constant 0 : i32
    %dma_start3A_62 = tpu.memref_slice %arg2[%dma_start3A_60, %dma_start3A_61] : memref<20480x128xf32, #tpu.memory_space<hbm>> -> memref<20480x128xf32, #tpu.memory_space<hbm>>
    tpu.enqueue_indirect_dma source(%dma_start3A_62 : memref<20480x128xf32, #tpu.memory_space<hbm>>) target(%arg8 : memref<128x128xf32, #tpu.memory_space<vmem>>) offsets(%dma_start3A_59 : memref<128xi32, #tpu.memory_space<vmem>>) semaphore(%arg10 : memref<!tpu.dma_semaphore, #tpu.memory_space<semaphore_mem>>)
    %dma_start3A_63 = arith.constant 1 : i32
    %dma_start3A_64 = arith.constant 0 : i32
    %dma_start3A_65 = tpu.memref_slice %arg6[%dma_start3A_63, %dma_start3A_64] : memref<40x128xi32, #tpu.memory_space<vmem>> -> memref<1x128xi32, #tpu.memory_space<vmem>>
    %dma_start3A_66 = tpu.memref_squeeze %dma_start3A_65 : memref<1x128xi32, #tpu.memory_space<vmem>> -> memref<128xi32, #tpu.memory_space<vmem>>
    %dma_start3A_67 = arith.constant 0 : i32
    %dma_start3A_68 = arith.constant 0 : i32
    %dma_start3A_69 = tpu.memref_slice %arg2[%dma_start3A_67, %dma_start3A_68] : memref<20480x128xf32, #tpu.memory_space<hbm>> -> memref<20480x128xf32, #tpu.memory_space<hbm>>
    tpu.enqueue_indirect_dma source(%dma_start3A_69 : memref<20480x128xf32, #tpu.memory_space<hbm>>) target(%arg9 : memref<128x128xf32, #tpu.memory_space<vmem>>) offsets(%dma_start3A_66 : memref<128xi32, #tpu.memory_space<vmem>>) semaphore(%arg11 : memref<!tpu.dma_semaphore, #tpu.memory_space<semaphore_mem>>)
    %scan3A_70 = arith.constant 0 : i32
    %scan3A_71 = arith.constant 0 : i32
    %scan3A_72 = arith.constant 20 : i32
    %scan3A_73 = arith.addi %scan3A_71, %scan3A_72 : i32
    %scan3A_74 = arith.constant 1 : i32
    scf.for %scan3A_102 = %scan3A_71 to %scan3A_73 step %scan3A_74  : i32 {
      %mul3A_103 = arith.constant 2 : i32
      %mul3A_104 = arith.muli %mul3A_103, %scan3A_102 : i32
      %dma_wait3A = arith.constant 0 : i32
      %dma_wait3A_105 = tpu.memref_slice %arg6[%mul3A_104, %dma_wait3A] : memref<40x128xi32, #tpu.memory_space<vmem>> -> memref<1x128xi32, #tpu.memory_space<vmem>>
      %dma_wait3A_106 = tpu.memref_squeeze %dma_wait3A_105 : memref<1x128xi32, #tpu.memory_space<vmem>> -> memref<128xi32, #tpu.memory_space<vmem>>
      %dma_wait3A_107 = arith.constant 0 : i32
      %dma_wait3A_108 = arith.constant 0 : i32
      %dma_wait3A_109 = tpu.memref_slice %arg2[%dma_wait3A_107, %dma_wait3A_108] : memref<20480x128xf32, #tpu.memory_space<hbm>> -> memref<20480x128xf32, #tpu.memory_space<hbm>>
      tpu.wait_indirect_dma semaphore(%arg10 : memref<!tpu.dma_semaphore, #tpu.memory_space<semaphore_mem>>) src(%dma_wait3A_109 : memref<20480x128xf32, #tpu.memory_space<hbm>>) dst(%arg8 : memref<128x128xf32, #tpu.memory_space<vmem>>)
      "tpu.region"() ({
        %run_scoped3A = tpu.sem_alloc : memref<!tpu.dma_semaphore, #tpu.memory_space<semaphore_mem>>
        %dma_start3A_129 = arith.constant 0 : i32
        %dma_start3A_130 = tpu.memref_slice %arg7[%mul3A_104, %dma_start3A_129] : memref<40x128xi32, #tpu.memory_space<vmem>> -> memref<1x128xi32, #tpu.memory_space<vmem>>
        %dma_start3A_131 = tpu.memref_squeeze %dma_start3A_130 : memref<1x128xi32, #tpu.memory_space<vmem>> -> memref<128xi32, #tpu.memory_space<vmem>>
        %dma_start3A_132 = arith.constant 0 : i32
        %dma_start3A_133 = arith.constant 0 : i32
        %dma_start3A_134 = tpu.memref_slice %arg12[%dma_start3A_132, %dma_start3A_133] : memref<10240x128xf32, #tpu.memory_space<vmem_shared>> -> memref<10240x128xf32, #tpu.memory_space<vmem_shared>>
        tpu.enqueue_indirect_dma source(%arg8 : memref<128x128xf32, #tpu.memory_space<vmem>>) target(%dma_start3A_134 : memref<10240x128xf32, #tpu.memory_space<vmem_shared>>) offsets(%dma_start3A_131 : memref<128xi32, #tpu.memory_space<vmem>>) semaphore(%run_scoped3A : memref<!tpu.dma_semaphore, #tpu.memory_space<semaphore_mem>>) {add = true}
        %dma_wait3A_135 = arith.constant 0 : i32
        %dma_wait3A_136 = tpu.memref_slice %arg7[%mul3A_104, %dma_wait3A_135] : memref<40x128xi32, #tpu.memory_space<vmem>> -> memref<1x128xi32, #tpu.memory_space<vmem>>
        %dma_wait3A_137 = tpu.memref_squeeze %dma_wait3A_136 : memref<1x128xi32, #tpu.memory_space<vmem>> -> memref<128xi32, #tpu.memory_space<vmem>>
        %dma_wait3A_138 = arith.constant 0 : i32
        %dma_wait3A_139 = arith.constant 0 : i32
        %dma_wait3A_140 = tpu.memref_slice %arg12[%dma_wait3A_138, %dma_wait3A_139] : memref<10240x128xf32, #tpu.memory_space<vmem_shared>> -> memref<10240x128xf32, #tpu.memory_space<vmem_shared>>
        tpu.wait_indirect_dma semaphore(%run_scoped3A : memref<!tpu.dma_semaphore, #tpu.memory_space<semaphore_mem>>) src(%arg8 : memref<128x128xf32, #tpu.memory_space<vmem>>) dst(%dma_wait3A_140 : memref<10240x128xf32, #tpu.memory_space<vmem_shared>>)
        tpu.yield
      }) : () -> ()
      %add3A_110 = arith.constant 2 : i32
      %add3A_111 = arith.addi %mul3A_104, %add3A_110 : i32
      %lt3A = arith.constant 40 : i32
      %lt3A_112 = arith.cmpi slt, %add3A_111, %lt3A : i32
      %convert_element_type3A = arith.extui %lt3A_112 : i1 to i32
      %cond3A = arith.constant 0 : i32
      %cond3A_113 = arith.cmpi ne, %convert_element_type3A, %cond3A : i32
      scf.if %cond3A_113 {
        %add3A_129 = arith.constant 2 : i32
        %add3A_130 = arith.addi %mul3A_104, %add3A_129 : i32
        %dma_start3A_131 = arith.constant 0 : i32
        %dma_start3A_132 = tpu.memref_slice %arg6[%add3A_130, %dma_start3A_131] : memref<40x128xi32, #tpu.memory_space<vmem>> -> memref<1x128xi32, #tpu.memory_space<vmem>>
        %dma_start3A_133 = tpu.memref_squeeze %dma_start3A_132 : memref<1x128xi32, #tpu.memory_space<vmem>> -> memref<128xi32, #tpu.memory_space<vmem>>
        %dma_start3A_134 = arith.constant 0 : i32
        %dma_start3A_135 = arith.constant 0 : i32
        %dma_start3A_136 = tpu.memref_slice %arg2[%dma_start3A_134, %dma_start3A_135] : memref<20480x128xf32, #tpu.memory_space<hbm>> -> memref<20480x128xf32, #tpu.memory_space<hbm>>
        tpu.enqueue_indirect_dma source(%dma_start3A_136 : memref<20480x128xf32, #tpu.memory_space<hbm>>) target(%arg8 : memref<128x128xf32, #tpu.memory_space<vmem>>) offsets(%dma_start3A_133 : memref<128xi32, #tpu.memory_space<vmem>>) semaphore(%arg10 : memref<!tpu.dma_semaphore, #tpu.memory_space<semaphore_mem>>)
      } else {
      }
      %add3A_114 = arith.constant 1 : i32
      %add3A_115 = arith.addi %mul3A_104, %add3A_114 : i32
      %dma_wait3A_116 = arith.constant 0 : i32
      %dma_wait3A_117 = tpu.memref_slice %arg6[%add3A_115, %dma_wait3A_116] : memref<40x128xi32, #tpu.memory_space<vmem>> -> memref<1x128xi32, #tpu.memory_space<vmem>>
      %dma_wait3A_118 = tpu.memref_squeeze %dma_wait3A_117 : memref<1x128xi32, #tpu.memory_space<vmem>> -> memref<128xi32, #tpu.memory_space<vmem>>
      %dma_wait3A_119 = arith.constant 0 : i32
      %dma_wait3A_120 = arith.constant 0 : i32
      %dma_wait3A_121 = tpu.memref_slice %arg2[%dma_wait3A_119, %dma_wait3A_120] : memref<20480x128xf32, #tpu.memory_space<hbm>> -> memref<20480x128xf32, #tpu.memory_space<hbm>>
      tpu.wait_indirect_dma semaphore(%arg11 : memref<!tpu.dma_semaphore, #tpu.memory_space<semaphore_mem>>) src(%dma_wait3A_121 : memref<20480x128xf32, #tpu.memory_space<hbm>>) dst(%arg9 : memref<128x128xf32, #tpu.memory_space<vmem>>)
      "tpu.region"() ({
        %run_scoped3A = tpu.sem_alloc : memref<!tpu.dma_semaphore, #tpu.memory_space<semaphore_mem>>
        %dma_start3A_129 = arith.constant 0 : i32
        %dma_start3A_130 = tpu.memref_slice %arg7[%add3A_115, %dma_start3A_129] : memref<40x128xi32, #tpu.memory_space<vmem>> -> memref<1x128xi32, #tpu.memory_space<vmem>>
        %dma_start3A_131 = tpu.memref_squeeze %dma_start3A_130 : memref<1x128xi32, #tpu.memory_space<vmem>> -> memref<128xi32, #tpu.memory_space<vmem>>
        %dma_start3A_132 = arith.constant 0 : i32
        %dma_start3A_133 = arith.constant 0 : i32
        %dma_start3A_134 = tpu.memref_slice %arg12[%dma_start3A_132, %dma_start3A_133] : memref<10240x128xf32, #tpu.memory_space<vmem_shared>> -> memref<10240x128xf32, #tpu.memory_space<vmem_shared>>
        tpu.enqueue_indirect_dma source(%arg9 : memref<128x128xf32, #tpu.memory_space<vmem>>) target(%dma_start3A_134 : memref<10240x128xf32, #tpu.memory_space<vmem_shared>>) offsets(%dma_start3A_131 : memref<128xi32, #tpu.memory_space<vmem>>) semaphore(%run_scoped3A : memref<!tpu.dma_semaphore, #tpu.memory_space<semaphore_mem>>) {add = true}
        %dma_wait3A_135 = arith.constant 0 : i32
        %dma_wait3A_136 = tpu.memref_slice %arg7[%add3A_115, %dma_wait3A_135] : memref<40x128xi32, #tpu.memory_space<vmem>> -> memref<1x128xi32, #tpu.memory_space<vmem>>
        %dma_wait3A_137 = tpu.memref_squeeze %dma_wait3A_136 : memref<1x128xi32, #tpu.memory_space<vmem>> -> memref<128xi32, #tpu.memory_space<vmem>>
        %dma_wait3A_138 = arith.constant 0 : i32
        %dma_wait3A_139 = arith.constant 0 : i32
        %dma_wait3A_140 = tpu.memref_slice %arg12[%dma_wait3A_138, %dma_wait3A_139] : memref<10240x128xf32, #tpu.memory_space<vmem_shared>> -> memref<10240x128xf32, #tpu.memory_space<vmem_shared>>
        tpu.wait_indirect_dma semaphore(%run_scoped3A : memref<!tpu.dma_semaphore, #tpu.memory_space<semaphore_mem>>) src(%arg9 : memref<128x128xf32, #tpu.memory_space<vmem>>) dst(%dma_wait3A_140 : memref<10240x128xf32, #tpu.memory_space<vmem_shared>>)
        tpu.yield
      }) : () -> ()
      %add3A_122 = arith.constant 2 : i32
      %add3A_123 = arith.addi %add3A_115, %add3A_122 : i32
      %lt3A_124 = arith.constant 40 : i32
      %lt3A_125 = arith.cmpi slt, %add3A_123, %lt3A_124 : i32
      %convert_element_type3A_126 = arith.extui %lt3A_125 : i1 to i32
      %cond3A_127 = arith.constant 0 : i32
      %cond3A_128 = arith.cmpi ne, %convert_element_type3A_126, %cond3A_127 : i32
      scf.if %cond3A_128 {
        %add3A_129 = arith.constant 2 : i32
        %add3A_130 = arith.addi %add3A_115, %add3A_129 : i32
        %dma_start3A_131 = arith.constant 0 : i32
        %dma_start3A_132 = tpu.memref_slice %arg6[%add3A_130, %dma_start3A_131] : memref<40x128xi32, #tpu.memory_space<vmem>> -> memref<1x128xi32, #tpu.memory_space<vmem>>
        %dma_start3A_133 = tpu.memref_squeeze %dma_start3A_132 : memref<1x128xi32, #tpu.memory_space<vmem>> -> memref<128xi32, #tpu.memory_space<vmem>>
        %dma_start3A_134 = arith.constant 0 : i32
        %dma_start3A_135 = arith.constant 0 : i32
        %dma_start3A_136 = tpu.memref_slice %arg2[%dma_start3A_134, %dma_start3A_135] : memref<20480x128xf32, #tpu.memory_space<hbm>> -> memref<20480x128xf32, #tpu.memory_space<hbm>>
        tpu.enqueue_indirect_dma source(%dma_start3A_136 : memref<20480x128xf32, #tpu.memory_space<hbm>>) target(%arg9 : memref<128x128xf32, #tpu.memory_space<vmem>>) offsets(%dma_start3A_133 : memref<128xi32, #tpu.memory_space<vmem>>) semaphore(%arg11 : memref<!tpu.dma_semaphore, #tpu.memory_space<semaphore_mem>>)
      } else {
      }
    }
    %scan3A_75 = arith.constant 20 : i32
    %barrier3A_76 = arith.constant 0 : index
    tpu.barrier barrier_id(%barrier3A_76)
    %mul3A_77 = arith.constant 640 : i32
    %mul3A_78 = arith.muli %arg1, %mul3A_77 : i32
    %add3A_79 = arith.constant 0 : i32
    %add3A_80 = arith.addi %mul3A_78, %add3A_79 : i32
    %add3A_81 = arith.addi %mul3A_0, %add3A_80 : i32
    "tpu.region"() ({
      %run_scoped3A = tpu.sem_alloc : memref<!tpu.dma_semaphore, #tpu.memory_space<semaphore_mem>>
      %dma_start3A_102 = arith.constant 0 : i32
      %dma_start3A_103 = tpu.memref_slice %arg5[%add3A_81, %dma_start3A_102] : memref<20480x128xf32, #tpu.memory_space<hbm>> -> memref<128x128xf32, #tpu.memory_space<hbm>>
      %dma_start3A_104 = arith.constant 0 : i32
      %dma_start3A_105 = tpu.memref_slice %arg12[%add3A_80, %dma_start3A_104] : memref<10240x128xf32, #tpu.memory_space<vmem_shared>> -> memref<128x128xf32, #tpu.memory_space<vmem_shared>>
      tpu.enqueue_dma source(%dma_start3A_105 : memref<128x128xf32, #tpu.memory_space<vmem_shared>>) target(%dma_start3A_103 : memref<128x128xf32, #tpu.memory_space<hbm>>) target_semaphore(%run_scoped3A : memref<!tpu.dma_semaphore, #tpu.memory_space<semaphore_mem>>)
      %dma_wait3A = arith.constant 0 : i32
      %dma_wait3A_106 = tpu.memref_slice %arg5[%add3A_81, %dma_wait3A] : memref<20480x128xf32, #tpu.memory_space<hbm>> -> memref<128x128xf32, #tpu.memory_space<hbm>>
      %dma_wait3A_107 = arith.constant 0 : i32
      %dma_wait3A_108 = tpu.memref_slice %arg12[%add3A_80, %dma_wait3A_107] : memref<10240x128xf32, #tpu.memory_space<vmem_shared>> -> memref<128x128xf32, #tpu.memory_space<vmem_shared>>
      tpu.wait_dma2 semaphore(%run_scoped3A : memref<!tpu.dma_semaphore, #tpu.memory_space<semaphore_mem>>) src(%dma_wait3A_108 : memref<128x128xf32, #tpu.memory_space<vmem_shared>>) dst(%dma_wait3A_106 : memref<128x128xf32, #tpu.memory_space<hbm>>)
      tpu.yield
    }) : () -> ()
    %mul3A_82 = arith.constant 640 : i32
    %mul3A_83 = arith.muli %arg1, %mul3A_82 : i32
    %add3A_84 = arith.constant 128 : i32
    %add3A_85 = arith.addi %mul3A_83, %add3A_84 : i32
    %add3A_86 = arith.addi %mul3A_0, %add3A_85 : i32
    "tpu.region"() ({
      %run_scoped3A = tpu.sem_alloc : memref<!tpu.dma_semaphore, #tpu.memory_space<semaphore_mem>>
      %dma_start3A_102 = arith.constant 0 : i32
      %dma_start3A_103 = tpu.memref_slice %arg5[%add3A_86, %dma_start3A_102] : memref<20480x128xf32, #tpu.memory_space<hbm>> -> memref<128x128xf32, #tpu.memory_space<hbm>>
      %dma_start3A_104 = arith.constant 0 : i32
      %dma_start3A_105 = tpu.memref_slice %arg12[%add3A_85, %dma_start3A_104] : memref<10240x128xf32, #tpu.memory_space<vmem_shared>> -> memref<128x128xf32, #tpu.memory_space<vmem_shared>>
      tpu.enqueue_dma source(%dma_start3A_105 : memref<128x128xf32, #tpu.memory_space<vmem_shared>>) target(%dma_start3A_103 : memref<128x128xf32, #tpu.memory_space<hbm>>) target_semaphore(%run_scoped3A : memref<!tpu.dma_semaphore, #tpu.memory_space<semaphore_mem>>)
      %dma_wait3A = arith.constant 0 : i32
      %dma_wait3A_106 = tpu.memref_slice %arg5[%add3A_86, %dma_wait3A] : memref<20480x128xf32, #tpu.memory_space<hbm>> -> memref<128x128xf32, #tpu.memory_space<hbm>>
      %dma_wait3A_107 = arith.constant 0 : i32
      %dma_wait3A_108 = tpu.memref_slice %arg12[%add3A_85, %dma_wait3A_107] : memref<10240x128xf32, #tpu.memory_space<vmem_shared>> -> memref<128x128xf32, #tpu.memory_space<vmem_shared>>
      tpu.wait_dma2 semaphore(%run_scoped3A : memref<!tpu.dma_semaphore, #tpu.memory_space<semaphore_mem>>) src(%dma_wait3A_108 : memref<128x128xf32, #tpu.memory_space<vmem_shared>>) dst(%dma_wait3A_106 : memref<128x128xf32, #tpu.memory_space<hbm>>)
      tpu.yield
    }) : () -> ()
    %mul3A_87 = arith.constant 640 : i32
    %mul3A_88 = arith.muli %arg1, %mul3A_87 : i32
    %add3A_89 = arith.constant 256 : i32
    %add3A_90 = arith.addi %mul3A_88, %add3A_89 : i32
    %add3A_91 = arith.addi %mul3A_0, %add3A_90 : i32
    "tpu.region"() ({
      %run_scoped3A = tpu.sem_alloc : memref<!tpu.dma_semaphore, #tpu.memory_space<semaphore_mem>>
      %dma_start3A_102 = arith.constant 0 : i32
      %dma_start3A_103 = tpu.memref_slice %arg5[%add3A_91, %dma_start3A_102] : memref<20480x128xf32, #tpu.memory_space<hbm>> -> memref<128x128xf32, #tpu.memory_space<hbm>>
      %dma_start3A_104 = arith.constant 0 : i32
      %dma_start3A_105 = tpu.memref_slice %arg12[%add3A_90, %dma_start3A_104] : memref<10240x128xf32, #tpu.memory_space<vmem_shared>> -> memref<128x128xf32, #tpu.memory_space<vmem_shared>>
      tpu.enqueue_dma source(%dma_start3A_105 : memref<128x128xf32, #tpu.memory_space<vmem_shared>>) target(%dma_start3A_103 : memref<128x128xf32, #tpu.memory_space<hbm>>) target_semaphore(%run_scoped3A : memref<!tpu.dma_semaphore, #tpu.memory_space<semaphore_mem>>)
      %dma_wait3A = arith.constant 0 : i32
      %dma_wait3A_106 = tpu.memref_slice %arg5[%add3A_91, %dma_wait3A] : memref<20480x128xf32, #tpu.memory_space<hbm>> -> memref<128x128xf32, #tpu.memory_space<hbm>>
      %dma_wait3A_107 = arith.constant 0 : i32
      %dma_wait3A_108 = tpu.memref_slice %arg12[%add3A_90, %dma_wait3A_107] : memref<10240x128xf32, #tpu.memory_space<vmem_shared>> -> memref<128x128xf32, #tpu.memory_space<vmem_shared>>
      tpu.wait_dma2 semaphore(%run_scoped3A : memref<!tpu.dma_semaphore, #tpu.memory_space<semaphore_mem>>) src(%dma_wait3A_108 : memref<128x128xf32, #tpu.memory_space<vmem_shared>>) dst(%dma_wait3A_106 : memref<128x128xf32, #tpu.memory_space<hbm>>)
      tpu.yield
    }) : () -> ()
    %mul3A_92 = arith.constant 640 : i32
    %mul3A_93 = arith.muli %arg1, %mul3A_92 : i32
    %add3A_94 = arith.constant 384 : i32
    %add3A_95 = arith.addi %mul3A_93, %add3A_94 : i32
    %add3A_96 = arith.addi %mul3A_0, %add3A_95 : i32
    "tpu.region"() ({
      %run_scoped3A = tpu.sem_alloc : memref<!tpu.dma_semaphore, #tpu.memory_space<semaphore_mem>>
      %dma_start3A_102 = arith.constant 0 : i32
      %dma_start3A_103 = tpu.memref_slice %arg5[%add3A_96, %dma_start3A_102] : memref<20480x128xf32, #tpu.memory_space<hbm>> -> memref<128x128xf32, #tpu.memory_space<hbm>>
      %dma_start3A_104 = arith.constant 0 : i32
      %dma_start3A_105 = tpu.memref_slice %arg12[%add3A_95, %dma_start3A_104] : memref<10240x128xf32, #tpu.memory_space<vmem_shared>> -> memref<128x128xf32, #tpu.memory_space<vmem_shared>>
      tpu.enqueue_dma source(%dma_start3A_105 : memref<128x128xf32, #tpu.memory_space<vmem_shared>>) target(%dma_start3A_103 : memref<128x128xf32, #tpu.memory_space<hbm>>) target_semaphore(%run_scoped3A : memref<!tpu.dma_semaphore, #tpu.memory_space<semaphore_mem>>)
      %dma_wait3A = arith.constant 0 : i32
      %dma_wait3A_106 = tpu.memref_slice %arg5[%add3A_96, %dma_wait3A] : memref<20480x128xf32, #tpu.memory_space<hbm>> -> memref<128x128xf32, #tpu.memory_space<hbm>>
      %dma_wait3A_107 = arith.constant 0 : i32
      %dma_wait3A_108 = tpu.memref_slice %arg12[%add3A_95, %dma_wait3A_107] : memref<10240x128xf32, #tpu.memory_space<vmem_shared>> -> memref<128x128xf32, #tpu.memory_space<vmem_shared>>
      tpu.wait_dma2 semaphore(%run_scoped3A : memref<!tpu.dma_semaphore, #tpu.memory_space<semaphore_mem>>) src(%dma_wait3A_108 : memref<128x128xf32, #tpu.memory_space<vmem_shared>>) dst(%dma_wait3A_106 : memref<128x128xf32, #tpu.memory_space<hbm>>)
      tpu.yield
    }) : () -> ()
    %mul3A_97 = arith.constant 640 : i32
    %mul3A_98 = arith.muli %arg1, %mul3A_97 : i32
    %add3A_99 = arith.constant 512 : i32
    %add3A_100 = arith.addi %mul3A_98, %add3A_99 : i32
    %add3A_101 = arith.addi %mul3A_0, %add3A_100 : i32
    "tpu.region"() ({
      %run_scoped3A = tpu.sem_alloc : memref<!tpu.dma_semaphore, #tpu.memory_space<semaphore_mem>>
      %dma_start3A_102 = arith.constant 0 : i32
      %dma_start3A_103 = tpu.memref_slice %arg5[%add3A_101, %dma_start3A_102] : memref<20480x128xf32, #tpu.memory_space<hbm>> -> memref<128x128xf32, #tpu.memory_space<hbm>>
      %dma_start3A_104 = arith.constant 0 : i32
      %dma_start3A_105 = tpu.memref_slice %arg12[%add3A_100, %dma_start3A_104] : memref<10240x128xf32, #tpu.memory_space<vmem_shared>> -> memref<128x128xf32, #tpu.memory_space<vmem_shared>>
      tpu.enqueue_dma source(%dma_start3A_105 : memref<128x128xf32, #tpu.memory_space<vmem_shared>>) target(%dma_start3A_103 : memref<128x128xf32, #tpu.memory_space<hbm>>) target_semaphore(%run_scoped3A : memref<!tpu.dma_semaphore, #tpu.memory_space<semaphore_mem>>)
      %dma_wait3A = arith.constant 0 : i32
      %dma_wait3A_106 = tpu.memref_slice %arg5[%add3A_101, %dma_wait3A] : memref<20480x128xf32, #tpu.memory_space<hbm>> -> memref<128x128xf32, #tpu.memory_space<hbm>>
      %dma_wait3A_107 = arith.constant 0 : i32
      %dma_wait3A_108 = tpu.memref_slice %arg12[%add3A_100, %dma_wait3A_107] : memref<10240x128xf32, #tpu.memory_space<vmem_shared>> -> memref<128x128xf32, #tpu.memory_space<vmem_shared>>
      tpu.wait_dma2 semaphore(%run_scoped3A : memref<!tpu.dma_semaphore, #tpu.memory_space<semaphore_mem>>) src(%dma_wait3A_108 : memref<128x128xf32, #tpu.memory_space<vmem_shared>>) dst(%dma_wait3A_106 : memref<128x128xf32, #tpu.memory_space<hbm>>)
      tpu.yield
    }) : () -> ()
    return
  }
}

module attributes {stable_mosaic.version = 14 : i64} {
  func.func @_zw_body(%arg0: i32, %arg1: memref<512x256xf32, #tpu.memory_space<vmem>>, %arg2: memref<256x256xf32, #tpu.memory_space<vmem>>, %arg3: memref<2x512x128xf32, #tpu.memory_space<vmem>>, %arg4: memref<2x512x128xf32, #tpu.memory_space<vmem>>) attributes {dimension_semantics = [#tpu.dimension_semantics<arbitrary>], iteration_bounds = array<i64: 20>, scalar_prefetch = 0 : i64, scratch_operands = 0 : i64, tpu.core_type = #tpu.core_type<tc>, window_params = [{transform_indices = @transform_0, window_bounds = array<i64: 512, 256>}, {pipeline_mode = #tpu.pipeline_mode<synchronous>, transform_indices = @transform_1, window_bounds = array<i64: 256, 256>}, {transform_indices = @transform_2, window_bounds = array<i64: 2, 512, 128>}, {transform_indices = @transform_3, window_bounds = array<i64: 2, 512, 128>}]} {
    %get3A = arith.constant 0 : index
    %get3A_0 = arith.constant 0 : index
    %get3A_1 = vector.load %arg1[%get3A, %get3A_0] : memref<512x256xf32, #tpu.memory_space<vmem>>, vector<512x256xf32>
    %get3A_2 = arith.constant 0 : index
    %get3A_3 = arith.constant 0 : index
    %get3A_4 = vector.load %arg2[%get3A_2, %get3A_3] : memref<256x256xf32, #tpu.memory_space<vmem>>, vector<256x256xf32>
    %dot_general3A = arith.constant dense<0.000000e+00> : vector<512x256xf32>
    %dot_general3A_5 = tpu.matmul %get3A_1, %get3A_4, %dot_general3A {dimension_numbers = #tpu.dot_dimension_numbers<[1], [0], [0], [1], [0, 0, 1, 1], [], []>, transpose_lhs_hint = false} : vector<512x256xf32>, vector<256x256xf32>, vector<512x256xf32> -> vector<512x256xf32>
    %get3A_6 = arith.constant 0 : index
    %get3A_7 = arith.constant 0 : index
    %get3A_8 = arith.constant 0 : index
    %get3A_9 = vector.load %arg3[%get3A_6, %get3A_7, %get3A_8] : memref<2x512x128xf32, #tpu.memory_space<vmem>>, vector<1x512x1xf32>
    %get3A_10 = vector.shape_cast %get3A_9 : vector<1x512x1xf32> to vector<512x1xf32>
    %get3A_11 = arith.constant 1 : index
    %get3A_12 = arith.constant 0 : index
    %get3A_13 = arith.constant 0 : index
    %get3A_14 = vector.load %arg3[%get3A_11, %get3A_12, %get3A_13] : memref<2x512x128xf32, #tpu.memory_space<vmem>>, vector<1x512x1xf32>
    %get3A_15 = vector.shape_cast %get3A_14 : vector<1x512x1xf32> to vector<512x1xf32>
    %add3A = arith.addf %get3A_10, %get3A_15 : vector<512x1xf32>
    %add3A_16 = arith.constant 1.000000e+00 : f32
    %add3A_17 = vector.broadcast %add3A_16 : f32 to vector<512x1xf32>
    %add3A_18 = arith.addf %add3A, %add3A_17 : vector<512x1xf32>
    %rsqrt3A = math.rsqrt %add3A_18 : vector<512x1xf32>
    %mul3A = vector.broadcast %rsqrt3A : vector<512x1xf32> to vector<512x256xf32>
    %mul3A_19 = arith.mulf %dot_general3A_5, %mul3A : vector<512x256xf32>
    %slice3A = vector.extract_strided_slice %mul3A_19 {offsets = [0, 0], sizes = [512, 128], strides = [1, 1]} : vector<512x256xf32> to vector<512x128xf32>
    %swap3A = arith.constant 0 : index
    %swap3A_20 = arith.constant 0 : index
    %swap3A_21 = arith.constant 0 : index
    %swap3A_22 = vector.load %arg4[%swap3A, %swap3A_20, %swap3A_21] : memref<2x512x128xf32, #tpu.memory_space<vmem>>, vector<1x512x128xf32>
    %swap3A_23 = vector.shape_cast %swap3A_22 : vector<1x512x128xf32> to vector<512x128xf32>
    %swap3A_24 = vector.shape_cast %slice3A : vector<512x128xf32> to vector<1x512x128xf32>
    tpu.vector_store %arg4[%swap3A, %swap3A_20, %swap3A_21], %swap3A_24 {strides = array<i32>} : memref<2x512x128xf32, #tpu.memory_space<vmem>>, vector<1x512x128xf32>,
    %slice3A_25 = vector.extract_strided_slice %mul3A_19 {offsets = [0, 128], sizes = [512, 128], strides = [1, 1]} : vector<512x256xf32> to vector<512x128xf32>
    %swap3A_26 = arith.constant 1 : index
    %swap3A_27 = arith.constant 0 : index
    %swap3A_28 = arith.constant 0 : index
    %swap3A_29 = vector.load %arg4[%swap3A_26, %swap3A_27, %swap3A_28] : memref<2x512x128xf32, #tpu.memory_space<vmem>>, vector<1x512x128xf32>
    %swap3A_30 = vector.shape_cast %swap3A_29 : vector<1x512x128xf32> to vector<512x128xf32>
    %swap3A_31 = vector.shape_cast %slice3A_25 : vector<512x128xf32> to vector<1x512x128xf32>
    tpu.vector_store %arg4[%swap3A_26, %swap3A_27, %swap3A_28], %swap3A_31 {strides = array<i32>} : memref<2x512x128xf32, #tpu.memory_space<vmem>>, vector<1x512x128xf32>,
    return
  }
  func.func @transform_0(%arg0: i32) -> (i32, i32) {
    %c0_i32 = arith.constant 0 : i32
    %c0_i32_0 = arith.constant 0 : i32
    return %arg0, %c0_i32 : i32, i32
  }
  func.func @transform_1(%arg0: i32) -> (i32, i32) {
    %c0_i32 = arith.constant 0 : i32
    %c0_i32_0 = arith.constant 0 : i32
    %c0_i32_1 = arith.constant 0 : i32
    return %c0_i32, %c0_i32_0 : i32, i32
  }
  func.func @transform_2(%arg0: i32) -> (i32, i32, i32) {
    %c0_i32 = arith.constant 0 : i32
    %c0_i32_0 = arith.constant 0 : i32
    %c0_i32_1 = arith.constant 0 : i32
    return %c0_i32, %arg0, %c0_i32_0 : i32, i32, i32
  }
  func.func @transform_3(%arg0: i32) -> (i32, i32, i32) {
    %c0_i32 = arith.constant 0 : i32
    %c0_i32_0 = arith.constant 0 : i32
    %c0_i32_1 = arith.constant 0 : i32
    return %c0_i32, %arg0, %c0_i32_0 : i32, i32, i32
  }
}

module attributes {stable_mosaic.version = 14 : i64} {
  func.func @_h_body(%arg0: i32, %arg1: memref<2x512x128xf32, #tpu.memory_space<vmem>>, %arg2: memref<2x512x128xf32, #tpu.memory_space<vmem>>, %arg3: memref<2x512x128xf32, #tpu.memory_space<vmem>>, %arg4: memref<1x256xf32, #tpu.memory_space<vmem>>, %arg5: memref<256x256xf32, #tpu.memory_space<vmem>>, %arg6: memref<2x512x128xf32, #tpu.memory_space<vmem>>) attributes {dimension_semantics = [#tpu.dimension_semantics<arbitrary>], iteration_bounds = array<i64: 20>, scalar_prefetch = 0 : i64, scratch_operands = 0 : i64, tpu.core_type = #tpu.core_type<tc>, window_params = [{transform_indices = @transform_0, window_bounds = array<i64: 2, 512, 128>}, {transform_indices = @transform_1, window_bounds = array<i64: 2, 512, 128>}, {transform_indices = @transform_2, window_bounds = array<i64: 2, 512, 128>}, {pipeline_mode = #tpu.pipeline_mode<synchronous>, transform_indices = @transform_3, window_bounds = array<i64: 1, 256>}, {pipeline_mode = #tpu.pipeline_mode<synchronous>, transform_indices = @transform_4, window_bounds = array<i64: 256, 256>}, {transform_indices = @transform_5, window_bounds = array<i64: 2, 512, 128>}]} {
    %get3A = arith.constant 0 : index
    %get3A_0 = arith.constant 0 : index
    %get3A_1 = arith.constant 0 : index
    %get3A_2 = vector.load %arg3[%get3A, %get3A_0, %get3A_1] : memref<2x512x128xf32, #tpu.memory_space<vmem>>, vector<1x512x1xf32>
    %get3A_3 = vector.shape_cast %get3A_2 : vector<1x512x1xf32> to vector<512x1xf32>
    %get3A_4 = arith.constant 1 : index
    %get3A_5 = arith.constant 0 : index
    %get3A_6 = arith.constant 0 : index
    %get3A_7 = vector.load %arg3[%get3A_4, %get3A_5, %get3A_6] : memref<2x512x128xf32, #tpu.memory_space<vmem>>, vector<1x512x1xf32>
    %get3A_8 = vector.shape_cast %get3A_7 : vector<1x512x1xf32> to vector<512x1xf32>
    %add3A = arith.addf %get3A_3, %get3A_8 : vector<512x1xf32>
    %add3A_9 = arith.constant 1.000000e+00 : f32
    %add3A_10 = vector.broadcast %add3A_9 : f32 to vector<512x1xf32>
    %add3A_11 = arith.addf %add3A, %add3A_10 : vector<512x1xf32>
    %rsqrt3A = math.rsqrt %add3A_11 : vector<512x1xf32>
    %get3A_12 = arith.constant 0 : index
    %get3A_13 = arith.constant 0 : index
    %get3A_14 = arith.constant 0 : index
    %get3A_15 = vector.load %arg1[%get3A_12, %get3A_13, %get3A_14] : memref<2x512x128xf32, #tpu.memory_space<vmem>>, vector<1x512x128xf32>
    %get3A_16 = vector.shape_cast %get3A_15 : vector<1x512x128xf32> to vector<512x128xf32>
    %get3A_17 = arith.constant 0 : index
    %get3A_18 = arith.constant 0 : index
    %get3A_19 = arith.constant 0 : index
    %get3A_20 = vector.load %arg2[%get3A_17, %get3A_18, %get3A_19] : memref<2x512x128xf32, #tpu.memory_space<vmem>>, vector<1x512x128xf32>
    %get3A_21 = vector.shape_cast %get3A_20 : vector<1x512x128xf32> to vector<512x128xf32>
    %add3A_22 = arith.addf %get3A_16, %get3A_21 : vector<512x128xf32>
    %get3A_23 = arith.constant 1 : index
    %get3A_24 = arith.constant 0 : index
    %get3A_25 = arith.constant 0 : index
    %get3A_26 = vector.load %arg1[%get3A_23, %get3A_24, %get3A_25] : memref<2x512x128xf32, #tpu.memory_space<vmem>>, vector<1x512x128xf32>
    %get3A_27 = vector.shape_cast %get3A_26 : vector<1x512x128xf32> to vector<512x128xf32>
    %get3A_28 = arith.constant 1 : index
    %get3A_29 = arith.constant 0 : index
    %get3A_30 = arith.constant 0 : index
    %get3A_31 = vector.load %arg2[%get3A_28, %get3A_29, %get3A_30] : memref<2x512x128xf32, #tpu.memory_space<vmem>>, vector<1x512x128xf32>
    %get3A_32 = vector.shape_cast %get3A_31 : vector<1x512x128xf32> to vector<512x128xf32>
    %add3A_33 = arith.addf %get3A_27, %get3A_32 : vector<512x128xf32>
    %concatenate3A = tpu.concatenate %add3A_22, %add3A_33 in 1 : vector<512x128xf32>, vector<512x128xf32> -> vector<512x256xf32>
    %mul3A = vector.broadcast %rsqrt3A : vector<512x1xf32> to vector<512x256xf32>
    %mul3A_34 = arith.mulf %concatenate3A, %mul3A : vector<512x256xf32>
    %get3A_35 = arith.constant 0 : index
    %get3A_36 = arith.constant 0 : index
    %get3A_37 = vector.load %arg4[%get3A_35, %get3A_36] : memref<1x256xf32, #tpu.memory_space<vmem>>, vector<1x256xf32>
    %add3A_38 = vector.broadcast %get3A_37 : vector<1x256xf32> to vector<512x256xf32>
    %add3A_39 = arith.addf %mul3A_34, %add3A_38 : vector<512x256xf32>
    %max3A = arith.constant 0.000000e+00 : f32
    %max3A_40 = vector.broadcast %max3A : f32 to vector<512x256xf32>
    %max3A_41 = arith.maximumf %add3A_39, %max3A_40 : vector<512x256xf32>
    %get3A_42 = arith.constant 0 : index
    %get3A_43 = arith.constant 0 : index
    %get3A_44 = vector.load %arg5[%get3A_42, %get3A_43] : memref<256x256xf32, #tpu.memory_space<vmem>>, vector<256x256xf32>
    %dot_general3A = arith.constant dense<0.000000e+00> : vector<512x256xf32>
    %dot_general3A_45 = tpu.matmul %max3A_41, %get3A_44, %dot_general3A {dimension_numbers = #tpu.dot_dimension_numbers<[1], [0], [0], [1], [0, 0, 1, 1], [], []>, transpose_lhs_hint = false} : vector<512x256xf32>, vector<256x256xf32>, vector<512x256xf32> -> vector<512x256xf32>
    %mul3A_46 = vector.broadcast %rsqrt3A : vector<512x1xf32> to vector<512x256xf32>
    %mul3A_47 = arith.mulf %dot_general3A_45, %mul3A_46 : vector<512x256xf32>
    %slice3A = vector.extract_strided_slice %mul3A_47 {offsets = [0, 0], sizes = [512, 128], strides = [1, 1]} : vector<512x256xf32> to vector<512x128xf32>
    %swap3A = arith.constant 0 : index
    %swap3A_48 = arith.constant 0 : index
    %swap3A_49 = arith.constant 0 : index
    %swap3A_50 = vector.load %arg6[%swap3A, %swap3A_48, %swap3A_49] : memref<2x512x128xf32, #tpu.memory_space<vmem>>, vector<1x512x128xf32>
    %swap3A_51 = vector.shape_cast %swap3A_50 : vector<1x512x128xf32> to vector<512x128xf32>
    %swap3A_52 = vector.shape_cast %slice3A : vector<512x128xf32> to vector<1x512x128xf32>
    tpu.vector_store %arg6[%swap3A, %swap3A_48, %swap3A_49], %swap3A_52 {strides = array<i32>} : memref<2x512x128xf32, #tpu.memory_space<vmem>>, vector<1x512x128xf32>,
    %slice3A_53 = vector.extract_strided_slice %mul3A_47 {offsets = [0, 128], sizes = [512, 128], strides = [1, 1]} : vector<512x256xf32> to vector<512x128xf32>
    %swap3A_54 = arith.constant 1 : index
    %swap3A_55 = arith.constant 0 : index
    %swap3A_56 = arith.constant 0 : index
    %swap3A_57 = vector.load %arg6[%swap3A_54, %swap3A_55, %swap3A_56] : memref<2x512x128xf32, #tpu.memory_space<vmem>>, vector<1x512x128xf32>
    %swap3A_58 = vector.shape_cast %swap3A_57 : vector<1x512x128xf32> to vector<512x128xf32>
    %swap3A_59 = vector.shape_cast %slice3A_53 : vector<512x128xf32> to vector<1x512x128xf32>
    tpu.vector_store %arg6[%swap3A_54, %swap3A_55, %swap3A_56], %swap3A_59 {strides = array<i32>} : memref<2x512x128xf32, #tpu.memory_space<vmem>>, vector<1x512x128xf32>,
    return
  }
  func.func @transform_0(%arg0: i32) -> (i32, i32, i32) {
    %c0_i32 = arith.constant 0 : i32
    %c0_i32_0 = arith.constant 0 : i32
    %c0_i32_1 = arith.constant 0 : i32
    return %c0_i32, %arg0, %c0_i32_0 : i32, i32, i32
  }
  func.func @transform_1(%arg0: i32) -> (i32, i32, i32) {
    %c0_i32 = arith.constant 0 : i32
    %c0_i32_0 = arith.constant 0 : i32
    %c0_i32_1 = arith.constant 0 : i32
    return %c0_i32, %arg0, %c0_i32_0 : i32, i32, i32
  }
  func.func @transform_2(%arg0: i32) -> (i32, i32, i32) {
    %c0_i32 = arith.constant 0 : i32
    %c0_i32_0 = arith.constant 0 : i32
    %c0_i32_1 = arith.constant 0 : i32
    return %c0_i32, %arg0, %c0_i32_0 : i32, i32, i32
  }
  func.func @transform_3(%arg0: i32) -> (i32, i32) {
    %c0_i32 = arith.constant 0 : i32
    %c0_i32_0 = arith.constant 0 : i32
    %c0_i32_1 = arith.constant 0 : i32
    return %c0_i32, %c0_i32_0 : i32, i32
  }
  func.func @transform_4(%arg0: i32) -> (i32, i32) {
    %c0_i32 = arith.constant 0 : i32
    %c0_i32_0 = arith.constant 0 : i32
    %c0_i32_1 = arith.constant 0 : i32
    return %c0_i32, %c0_i32_0 : i32, i32
  }
  func.func @transform_5(%arg0: i32) -> (i32, i32, i32) {
    %c0_i32 = arith.constant 0 : i32
    %c0_i32_0 = arith.constant 0 : i32
    %c0_i32_1 = arith.constant 0 : i32
    return %c0_i32, %arg0, %c0_i32_0 : i32, i32, i32
  }
}

module attributes {stable_mosaic.version = 14 : i64} {
  func.func @_fin_body(%arg0: i32, %arg1: memref<2x512x128xf32, #tpu.memory_space<vmem>>, %arg2: memref<2x512x128xf32, #tpu.memory_space<vmem>>, %arg3: memref<2x512x128xf32, #tpu.memory_space<vmem>>, %arg4: memref<1x256xf32, #tpu.memory_space<vmem>>, %arg5: memref<1x512xi32, #tpu.memory_space<vmem>>, %arg6: memref<256x16xf32, #tpu.memory_space<vmem>>, %arg7: memref<1x16xf32, #tpu.memory_space<vmem>>, %arg8: memref<64x16xf32, #tpu.memory_space<vmem>>, %arg9: memref<64x384xf32, #tpu.memory_space<vmem>>) attributes {dimension_semantics = [#tpu.dimension_semantics<arbitrary>], iteration_bounds = array<i64: 20>, scalar_prefetch = 0 : i64, scratch_operands = 1 : i64, tpu.core_type = #tpu.core_type<tc>, window_params = [{transform_indices = @transform_0, window_bounds = array<i64: 2, 512, 128>}, {transform_indices = @transform_1, window_bounds = array<i64: 2, 512, 128>}, {transform_indices = @transform_2, window_bounds = array<i64: 2, 512, 128>}, {pipeline_mode = #tpu.pipeline_mode<synchronous>, transform_indices = @transform_3, window_bounds = array<i64: 1, 256>}, {transform_indices = @transform_4, window_bounds = array<i64: 1, 512>}, {pipeline_mode = #tpu.pipeline_mode<synchronous>, transform_indices = @transform_5, window_bounds = array<i64: 256, 16>}, {pipeline_mode = #tpu.pipeline_mode<synchronous>, transform_indices = @transform_6, window_bounds = array<i64: 1, 16>}, {pipeline_mode = #tpu.pipeline_mode<synchronous>, transform_indices = @transform_7, window_bounds = array<i64: 64, 16>}]} {
    %get3A = arith.constant 0 : index
    %get3A_0 = arith.constant 0 : index
    %get3A_1 = arith.constant 0 : index
    %get3A_2 = vector.load %arg3[%get3A, %get3A_0, %get3A_1] : memref<2x512x128xf32, #tpu.memory_space<vmem>>, vector<1x512x1xf32>
    %get3A_3 = vector.shape_cast %get3A_2 : vector<1x512x1xf32> to vector<512x1xf32>
    %get3A_4 = arith.constant 1 : index
    %get3A_5 = arith.constant 0 : index
    %get3A_6 = arith.constant 0 : index
    %get3A_7 = vector.load %arg3[%get3A_4, %get3A_5, %get3A_6] : memref<2x512x128xf32, #tpu.memory_space<vmem>>, vector<1x512x1xf32>
    %get3A_8 = vector.shape_cast %get3A_7 : vector<1x512x1xf32> to vector<512x1xf32>
    %add3A = arith.addf %get3A_3, %get3A_8 : vector<512x1xf32>
    %add3A_9 = arith.constant 1.000000e+00 : f32
    %add3A_10 = vector.broadcast %add3A_9 : f32 to vector<512x1xf32>
    %add3A_11 = arith.addf %add3A, %add3A_10 : vector<512x1xf32>
    %rsqrt3A = math.rsqrt %add3A_11 : vector<512x1xf32>
    %get3A_12 = arith.constant 0 : index
    %get3A_13 = arith.constant 0 : index
    %get3A_14 = arith.constant 0 : index
    %get3A_15 = vector.load %arg1[%get3A_12, %get3A_13, %get3A_14] : memref<2x512x128xf32, #tpu.memory_space<vmem>>, vector<1x512x128xf32>
    %get3A_16 = vector.shape_cast %get3A_15 : vector<1x512x128xf32> to vector<512x128xf32>
    %get3A_17 = arith.constant 0 : index
    %get3A_18 = arith.constant 0 : index
    %get3A_19 = arith.constant 0 : index
    %get3A_20 = vector.load %arg2[%get3A_17, %get3A_18, %get3A_19] : memref<2x512x128xf32, #tpu.memory_space<vmem>>, vector<1x512x128xf32>
    %get3A_21 = vector.shape_cast %get3A_20 : vector<1x512x128xf32> to vector<512x128xf32>
    %add3A_22 = arith.addf %get3A_16, %get3A_21 : vector<512x128xf32>
    %get3A_23 = arith.constant 1 : index
    %get3A_24 = arith.constant 0 : index
    %get3A_25 = arith.constant 0 : index
    %get3A_26 = vector.load %arg1[%get3A_23, %get3A_24, %get3A_25] : memref<2x512x128xf32, #tpu.memory_space<vmem>>, vector<1x512x128xf32>
    %get3A_27 = vector.shape_cast %get3A_26 : vector<1x512x128xf32> to vector<512x128xf32>
    %get3A_28 = arith.constant 1 : index
    %get3A_29 = arith.constant 0 : index
    %get3A_30 = arith.constant 0 : index
    %get3A_31 = vector.load %arg2[%get3A_28, %get3A_29, %get3A_30] : memref<2x512x128xf32, #tpu.memory_space<vmem>>, vector<1x512x128xf32>
    %get3A_32 = vector.shape_cast %get3A_31 : vector<1x512x128xf32> to vector<512x128xf32>
    %add3A_33 = arith.addf %get3A_27, %get3A_32 : vector<512x128xf32>
    %concatenate3A = tpu.concatenate %add3A_22, %add3A_33 in 1 : vector<512x128xf32>, vector<512x128xf32> -> vector<512x256xf32>
    %mul3A = vector.broadcast %rsqrt3A : vector<512x1xf32> to vector<512x256xf32>
    %mul3A_34 = arith.mulf %concatenate3A, %mul3A : vector<512x256xf32>
    %get3A_35 = arith.constant 0 : index
    %get3A_36 = arith.constant 0 : index
    %get3A_37 = vector.load %arg4[%get3A_35, %get3A_36] : memref<1x256xf32, #tpu.memory_space<vmem>>, vector<1x256xf32>
    %add3A_38 = vector.broadcast %get3A_37 : vector<1x256xf32> to vector<512x256xf32>
    %add3A_39 = arith.addf %mul3A_34, %add3A_38 : vector<512x256xf32>
    %max3A = arith.constant 0.000000e+00 : f32
    %max3A_40 = vector.broadcast %max3A : f32 to vector<512x256xf32>
    %max3A_41 = arith.maximumf %add3A_39, %max3A_40 : vector<512x256xf32>
    %broadcast_in_dim3A = arith.constant 1.000000e+00 : f32
    %broadcast_in_dim3A_42 = vector.broadcast %broadcast_in_dim3A : f32 to vector<512x128xf32>
    %concatenate3A_43 = tpu.concatenate %max3A_41, %broadcast_in_dim3A_42 in 1 : vector<512x256xf32>, vector<512x128xf32> -> vector<512x384xf32>
    %iota3A = tpu.iota {dimensions = array<i32: 0>} : vector<64x512xi32>
    %get3A_44 = arith.constant 0 : index
    %get3A_45 = arith.constant 0 : index
    %get3A_46 = vector.load %arg5[%get3A_44, %get3A_45] : memref<1x512xi32, #tpu.memory_space<vmem>>, vector<1x512xi32>
    %eq3A = vector.broadcast %get3A_46 : vector<1x512xi32> to vector<64x512xi32>
    %eq3A_47 = arith.cmpi eq, %eq3A, %iota3A : vector<64x512xi32>
    %convert_element_type3A = arith.extui %eq3A_47 : vector<64x512xi1> to vector<64x512xi32>
    %convert_element_type3A_48 = arith.sitofp %convert_element_type3A : vector<64x512xi32> to vector<64x512xf32>
    %eq3A_49 = arith.constant 0 : i32
    %eq3A_50 = arith.cmpi eq, %arg0, %eq3A_49 : i32
    %convert_element_type3A_51 = arith.extui %eq3A_50 : i1 to i32
    %cond3A = arith.constant 0 : i32
    %cond3A_52 = arith.cmpi ne, %convert_element_type3A_51, %cond3A : i32
    scf.if %cond3A_52 {
      %broadcast_in_dim3A_65 = arith.constant 0.000000e+00 : f32
      %broadcast_in_dim3A_66 = vector.broadcast %broadcast_in_dim3A_65 : f32 to vector<64x384xf32>
      %swap3A_67 = arith.constant 0 : index
      %swap3A_68 = arith.constant 0 : index
      %swap3A_69 = vector.load %arg9[%swap3A_67, %swap3A_68] : memref<64x384xf32, #tpu.memory_space<vmem>>, vector<64x384xf32>
      tpu.vector_store %arg9[%swap3A_67, %swap3A_68], %broadcast_in_dim3A_66 {strides = array<i32>} : memref<64x384xf32, #tpu.memory_space<vmem>>, vector<64x384xf32>,
    } else {
    }
    %get3A_53 = arith.constant 0 : index
    %get3A_54 = arith.constant 0 : index
    %get3A_55 = vector.load %arg9[%get3A_53, %get3A_54] : memref<64x384xf32, #tpu.memory_space<vmem>>, vector<64x384xf32>
    %dot_general3A = arith.constant dense<0.000000e+00> : vector<64x384xf32>
    %dot_general3A_56 = tpu.matmul %convert_element_type3A_48, %concatenate3A_43, %dot_general3A {dimension_numbers = #tpu.dot_dimension_numbers<[1], [0], [0], [1], [0, 0, 1, 1], [], []>, transpose_lhs_hint = false} : vector<64x512xf32>, vector<512x384xf32>, vector<64x384xf32> -> vector<64x384xf32>
    %add3A_57 = arith.addf %get3A_55, %dot_general3A_56 : vector<64x384xf32>
    %swap3A = arith.constant 0 : index
    %swap3A_58 = arith.constant 0 : index
    %swap3A_59 = vector.load %arg9[%swap3A, %swap3A_58] : memref<64x384xf32, #tpu.memory_space<vmem>>, vector<64x384xf32>
    tpu.vector_store %arg9[%swap3A, %swap3A_58], %add3A_57 {strides = array<i32>} : memref<64x384xf32, #tpu.memory_space<vmem>>, vector<64x384xf32>,
    %eq3A_60 = arith.constant 19 : i32
    %eq3A_61 = arith.cmpi eq, %arg0, %eq3A_60 : i32
    %convert_element_type3A_62 = arith.extui %eq3A_61 : i1 to i32
    %cond3A_63 = arith.constant 0 : i32
    %cond3A_64 = arith.cmpi ne, %convert_element_type3A_62, %cond3A_63 : i32
    scf.if %cond3A_64 {
      %get3A_65 = arith.constant 0 : index
      %get3A_66 = arith.constant 256 : index
      %get3A_67 = vector.load %arg9[%get3A_65, %get3A_66] : memref<64x384xf32, #tpu.memory_space<vmem>>, vector<64x1xf32>
      %max3A_68 = arith.constant 1.000000e+00 : f32
      %max3A_69 = vector.broadcast %max3A_68 : f32 to vector<64x1xf32>
      %max3A_70 = arith.maximumf %get3A_67, %max3A_69 : vector<64x1xf32>
      %get3A_71 = arith.constant 0 : index
      %get3A_72 = arith.constant 0 : index
      %get3A_73 = vector.load %arg9[%get3A_71, %get3A_72] : memref<64x384xf32, #tpu.memory_space<vmem>>, vector<64x256xf32>
      %div3A = vector.broadcast %max3A_70 : vector<64x1xf32> to vector<64x256xf32>
      %div3A_74 = arith.divf %get3A_73, %div3A : vector<64x256xf32>
      %get3A_75 = arith.constant 0 : index
      %get3A_76 = arith.constant 0 : index
      %get3A_77 = vector.load %arg6[%get3A_75, %get3A_76] : memref<256x16xf32, #tpu.memory_space<vmem>>, vector<256x16xf32>
      %dot_general3A_78 = arith.constant dense<0.000000e+00> : vector<64x16xf32>
      %dot_general3A_79 = tpu.matmul %div3A_74, %get3A_77, %dot_general3A_78 {dimension_numbers = #tpu.dot_dimension_numbers<[1], [0], [0], [1], [0, 0, 1, 1], [], []>, transpose_lhs_hint = false} : vector<64x256xf32>, vector<256x16xf32>, vector<64x16xf32> -> vector<64x16xf32>
      %get3A_80 = arith.constant 0 : index
      %get3A_81 = arith.constant 0 : index
      %get3A_82 = vector.load %arg7[%get3A_80, %get3A_81] : memref<1x16xf32, #tpu.memory_space<vmem>>, vector<1x16xf32>
      %add3A_83 = vector.broadcast %get3A_82 : vector<1x16xf32> to vector<64x16xf32>
      %add3A_84 = arith.addf %dot_general3A_79, %add3A_83 : vector<64x16xf32>
      %swap3A_85 = arith.constant 0 : index
      %swap3A_86 = arith.constant 0 : index
      %swap3A_87 = vector.load %arg8[%swap3A_85, %swap3A_86] : memref<64x16xf32, #tpu.memory_space<vmem>>, vector<64x16xf32>
      tpu.vector_store %arg8[%swap3A_85, %swap3A_86], %add3A_84 {strides = array<i32>} : memref<64x16xf32, #tpu.memory_space<vmem>>, vector<64x16xf32>,
    } else {
    }
    return
  }
  func.func @transform_0(%arg0: i32) -> (i32, i32, i32) {
    %c0_i32 = arith.constant 0 : i32
    %c0_i32_0 = arith.constant 0 : i32
    %c0_i32_1 = arith.constant 0 : i32
    return %c0_i32, %arg0, %c0_i32_0 : i32, i32, i32
  }
  func.func @transform_1(%arg0: i32) -> (i32, i32, i32) {
    %c0_i32 = arith.constant 0 : i32
    %c0_i32_0 = arith.constant 0 : i32
    %c0_i32_1 = arith.constant 0 : i32
    return %c0_i32, %arg0, %c0_i32_0 : i32, i32, i32
  }
  func.func @transform_2(%arg0: i32) -> (i32, i32, i32) {
    %c0_i32 = arith.constant 0 : i32
    %c0_i32_0 = arith.constant 0 : i32
    %c0_i32_1 = arith.constant 0 : i32
    return %c0_i32, %arg0, %c0_i32_0 : i32, i32, i32
  }
  func.func @transform_3(%arg0: i32) -> (i32, i32) {
    %c0_i32 = arith.constant 0 : i32
    %c0_i32_0 = arith.constant 0 : i32
    %c0_i32_1 = arith.constant 0 : i32
    return %c0_i32, %c0_i32_0 : i32, i32
  }
  func.func @transform_4(%arg0: i32) -> (i32, i32) {
    %c0_i32 = arith.constant 0 : i32
    %c0_i32_0 = arith.constant 0 : i32
    return %c0_i32, %arg0 : i32, i32
  }
  func.func @transform_5(%arg0: i32) -> (i32, i32) {
    %c0_i32 = arith.constant 0 : i32
    %c0_i32_0 = arith.constant 0 : i32
    %c0_i32_1 = arith.constant 0 : i32
    return %c0_i32, %c0_i32_0 : i32, i32
  }
  func.func @transform_6(%arg0: i32) -> (i32, i32) {
    %c0_i32 = arith.constant 0 : i32
    %c0_i32_0 = arith.constant 0 : i32
    %c0_i32_1 = arith.constant 0 : i32
    return %c0_i32, %c0_i32_0 : i32, i32
  }
  func.func @transform_7(%arg0: i32) -> (i32, i32) {
    %c0_i32 = arith.constant 0 : i32
    %c0_i32_0 = arith.constant 0 : i32
    %c0_i32_1 = arith.constant 0 : i32
    return %c0_i32, %c0_i32_0 : i32, i32
  }
}

</mosaic_0001>

<sc_bundles>
// kernel: kernel.11.cloned.1.call-start
scs
__scs_entry_jumppad:
0x0: {  	(pc) =	sbr.rel $0x88, $3  }
0x1: {  	(tag) =	ssettag $0x0;
	lr =	simm.s32 $0x1  }
0x2: {  	[smem:$0x3F98] =	sst lr;
	_ =	strace $0xD0000000  }
0x3: {  	_ = 	snop  }
0x4: {  	_ = 	snop  }
0x5: {  	_ = 	snop  }
0x6: {  	_ = 	snop  }
0x7: {  	_ = 	snop  }
__scs_overlays_trampoline_lowered:
0x8: {  	[smem:$0x3FA7] =	sst s0  }
0x9: {  	[smem:$0x3FA8] =	sst s1  }
0xa: {  	[smem:$0x3FA9] =	sst s2  }
0xb: {  	[smem:$0x3FAA] =	sst s3  }
0xc: {  	[smem:$0x3FAB] =	sst s4  }
0xd: {  	[smem:$0x3FAC] =	sst s5  }
0xe: {  	[smem:$0x3FAD] =	sst s6  }
0xf: {  	[smem:$0x3FAE] =	sst s7  }
0x10: {  	[smem:$0x3FAF] =	sst s8  }
0x11: {  	[smem:$0x3FB0] =	sst s9;
	s0 =	simm.s32 @!p0 $0x0  }
0x12: {  	s1 =	sld [smem:$0x3F96];
	s0 =	simm.s32 @p0 $0x1  }
0x13: {  	[smem:$0x3FB1] =	sst s0;
	s0 =	simm.s32 @!p1 $0x0  }
0x14: {  	s2 =	sld [smem:$0x3F95];
	s0 =	simm.s32 @p1 $0x1  }
0x15: {  	[smem:$0x3FB2] =	sst s0;
	s0 =	simm.s32 @!p2 $0x0  }
0x16: {  	s3 =	sld [smem:$0x3FDB];
	s0 =	simm.s32 @p2 $0x1  }
0x17: {  	s4 =	simm.s32 $0x1BF5;
	[smem:$0x3FB4] =	sst s0  }
0x18: {  	s0 =	sld [smem:$0x3F97];
	_ =	swait.ge [sflag:s4], $0x0  }
0x19: {  	s7 =	sld [smem:$0x3F98]  }
0x1a: {  	s8 =	sadd.s32 $0xFFFFE003, lr  }
0x1b: {  	s9 =	sadd.s32 $0xFFFFFEF7, lr;
	s5 =	simm.s32 $0xFFFFFFFF;
	p2 =	slt.u32 s8, $0xFFFFF086  }
0x1c: {  	p1 =	slt.u32 s9, $0xF7A;
	s5 =	simm.s32 @!p2 $0x0  }
0x1d: {  	s5 =	simm.s32 @p1 $0x1;
	p0 =	seq.s32 s7, s2  }
0x1e: {  	s7 =	smul.u32 @!p0 $0xF7A, s2;
	p2 =	seq.s32 @!p0 s5, $0x0  }
0x1f: {  	s9 =	smul.u32 $0xF7A, s1;
	s8 =	simm.s32 @!p0 $0x1BF5;
	p2 =	por !p2, p0  }
0x20: {  	[sflag:s8] =	ssyncset.s32 @!p0 $0xFFFFF086;
	s6 =	sadd.s32 @!p0 s3, s7;
	s7 =	simm.s32 @!p0 $0x108  }
0x21: {  	s3 =	sadd.s32 s3, s9;
	s6 =	sadd.s32 @!p0 $0x88, s6;
	s7 =	simm.s32 @p2 $0x1082  }
0x22: {  	[simem:s7], [sflag:s8] =	dma.local @!p0 [hbm:s6], $0xF7A  }
0x23: {  	s9 =	sor.u32 $0xD0000000, s2;
	s6 =	simm.s32 $0x108;
	_ =	swait.ge @!p0 [sflag:s8], $0x0  }
0x24: {  	s3 =	sadd.s32 $0x88, s3;
	s6 =	simm.s32 @!p1 $0x1082;
	[sflag:s4] =	ssyncset.s32 $0xFFFFF086  }
0x25: {  	[simem:s6], [sflag:s4] =	dma.local [hbm:s3], $0xF7A  }
0x26: {  	[smem:$0x3F98] =	sst s1;
	(tag) =	ssettag s2;
	_ =	strace s9  }
0x27: {  	s1 =	sld [smem:$0x3FA8]  }
0x28: {  	s2 =	sld [smem:$0x3FA9]  }
0x29: {  	s4 =	sld [smem:$0x3FAB]  }
0x2a: {  	p0 =	seq.s32 s5, $0x0;
	s5 =	sld [smem:$0x3FAC]  }
0x2b: {  	s6 =	sld [smem:$0x3FAD]  }
0x2c: {  	s7 =	sld [smem:$0x3FAE]  }
0x2d: {  	s3 =	simm.s32 $0x108;
	s8 =	sld [smem:$0x3FAF]  }
0x2e: {  	s3 =	simm.s32 @!p0 $0x1082;
	s9 =	sld [smem:$0x3FB0]  }
0x2f: {  	lr =	sadd.s32 s0, s3;
	s0 =	sld [smem:$0x3FA7]  }
0x30: {  	s3 =	sld [smem:$0x3FAA]  }
0x31: {  	[smem:$0x3FB3] =	sst s10  }
0x32: {  	s10 =	sld [smem:$0x3FB1];
	_ =	sdelay $0x3  }
0x33: {  	p0 =	seq.s32 s10, $0x1;
	s10 =	sld [smem:$0x3FB3];
	_ =	sdelay $0x3  }
0x34: {  	[smem:$0x3FB3] =	sst s10  }
0x35: {  	s10 =	sld [smem:$0x3FB2];
	_ =	sdelay $0x3  }
0x36: {  	p1 =	seq.s32 s10, $0x1;
	s10 =	sld [smem:$0x3FB3];
	_ =	sdelay $0x3  }
0x37: {  	[smem:$0x3FB3] =	sst s10  }
0x38: {  	s10 =	sld [smem:$0x3FB4]  }
0x39: {  	_ = 	snop;
	(pc) =	sbr.ind lr, $3  }
0x3a: {  	_ = 	snop  }
0x3b: {  	_ = 	snop  }
0x3c: {  	p2 =	seq.s32 s10, $0x1;
	s10 =	sld [smem:$0x3FB3]  }
0x3d: {  	_ =	shalt  }
0x3e: {  	_ =	shalt  }
0x3f: {  	_ =	shalt  }
0x40: {  	_ =	shalt  }
0x41: {  	_ =	shalt  }
0x42: {  	_ =	shalt  }
0x43: {  	_ =	shalt  }
0x44: {  	_ =	shalt  }
0x45: {  	_ =	shalt  }
0x46: {  	_ =	shalt  }
0x47: {  	_ =	shalt  }
0x48: {  	_ =	shalt  }
0x49: {  	_ =	shalt  }
0x4a: {  	_ =	shalt  }
0x4b: {  	_ =	shalt  }
0x4c: {  	_ =	shalt  }
0x4d: {  	_ =	shalt  }
0x4e: {  	_ =	shalt  }
0x4f: {  	_ =	shalt  }
0x50: {  	_ =	shalt  }
0x51: {  	_ =	shalt  }
0x52: {  	_ =	shalt  }
0x53: {  	_ =	shalt  }
0x54: {  	_ =	shalt  }
0x55: {  	_ =	shalt  }
0x56: {  	_ =	shalt  }
0x57: {  	_ =	shalt  }
0x58: {  	_ =	shalt  }
0x59: {  	_ =	shalt  }
0x5a: {  	_ =	shalt  }
0x5b: {  	_ =	shalt  }
0x5c: {  	_ =	shalt  }
0x5d: {  	_ =	shalt  }
0x5e: {  	_ =	shalt  }
0x5f: {  	_ =	shalt  }
0x60: {  	_ =	shalt  }
0x61: {  	_ =	shalt  }
0x62: {  	_ =	shalt  }
0x63: {  	_ =	shalt  }
0x64: {  	_ =	shalt  }
0x65: {  	_ =	shalt  }
0x66: {  	_ =	shalt  }
0x67: {  	_ =	shalt  }
0x68: {  	_ =	shalt  }
0x69: {  	_ =	shalt  }
0x6a: {  	_ =	shalt  }
0x6b: {  	_ =	shalt  }
0x6c: {  	_ =	shalt  }
0x6d: {  	_ =	shalt  }
0x6e: {  	_ =	shalt  }
0x6f: {  	_ =	shalt  }
0x70: {  	_ =	shalt  }
0x71: {  	_ =	shalt  }
0x72: {  	_ =	shalt  }
0x73: {  	_ =	shalt  }
0x74: {  	_ =	shalt  }
0x75: {  	_ =	shalt  }
0x76: {  	_ =	shalt  }
0x77: {  	_ =	shalt  }
0x78: {  	_ =	shalt  }
0x79: {  	_ =	shalt  }
0x7a: {  	_ =	shalt  }
0x7b: {  	_ =	shalt  }
0x7c: {  	_ =	shalt  }
0x7d: {  	_ =	shalt  }
0x7e: {  	_ =	shalt  }
0x7f: {  	_ =	shalt  }
0x80: {  	_ =	shalt  }
0x81: {  	_ =	shalt  }
0x82: {  	_ =	shalt  }
0x83: {  	_ =	shalt  }
0x84: {  	_ =	shalt  }
0x85: {  	_ =	shalt  }
0x86: {  	_ =	shalt  }
0x87: {  	_ =	shalt  }
.Lfunc_end0:
.L_simem_size_0:
called_computation.1_lowered:
.L_overlay_start_0:
0x88: {  	s2 =	sld [smem:$0x3FD9]  }
0x89: {  	s3 =	sld [smem:$0x3FFE];
	_ =	sdelay $0x1  }
0x8a: {  	s1 =	srdreg.scid  }
0x8b: {  	s0 =	sand.u32 $0x1, s1  }
0x8c: {  	s16 =	sshll.u32 s0, $0xA;
	s2 =	sadd.s32 s3, s2  }
0x8d: {  	s2 =	sadd.s32 s2, s16  }
0x8e: {  	[smem:$0x3FBF] =	sst s2  }
0x8f: {  	_ = 	snop  }
0x90: {  	(tm) =	ssettm $0x1  }
0x91: {  	s17 =	sld [smem:$0x3FFB];
	_ =	sdelay $0x3  }
0x92: {  	_ =	strace s17  }
0x93: {  	s2 =	sld [smem:$0x3FFC];
	_ =	sdelay $0x3  }
0x94: {  	_ =	strace s2  }
0x95: {  	s2 =	sld [smem:$0x3FFD];
	_ =	sdelay $0x3  }
0x96: {  	_ =	strace s2  }
0x97: {  	_ =	strace $0x8FFFFFFF  }
0x98: {  	s18 =	sld [smem:$0x3FDB];
	_ =	sdelay $0x1  }
0x99: {  	s19 =	simm.s32 $_scs_section_size  }
0x9a: {  	s4 =	simm.s32 $_size__tile_overlayer_lowered;
	s5 =	simm.s32 $_tile_overlayer_lowered  }
0x9b: {  	s22 =	simm.s32 $0x1BFF;
	s21 =	sshll.u32 s5, $0x1;
	s2 =	sadd.s32 s19, s18  }
0x9c: {  	s6 =	simm.s32 $0x0;
	s20 =	sshll.u32 s4, $0x1;
	s4 =	sadd.s32 s21, s2  }
0x9d: {  	[timem:s6], [sflag:s22] =	dma.local [hbm:s4], s20  }
0x9e: {  	_ =	swait.ge [sflag:s22], s20  }
0x9f: {  	s3 =	ssub.s32 $0x0, s20;
	[sflag:s22] =	ssyncset.done $0x0  }
0xa0: {  	[sflag:s22] =	ssyncadd.s32 s3;
	_ =	sdelay $0x1  }
0xa1: {  	s23 =	simm.s32 $0x1B8B  }
0xa2: {  	_ =	swait.ge [sflag:s23], $0x1  }
0xa3: {  	[sflag:s23] =	ssyncset.done $0x0  }
0xa4: {  	s25 =	simm.s32 $0x1B8E;
	s24 =	sld [smem:$0x3FFE];
	[sflag:s23] =	ssyncadd.s32 $0xFFFFFFFF  }
0xa5: {  	s26 =	simm.s32 $execute0_lowered;
	[smem:$0x3FD2] =	sst s25  }
0xa6: {  	s4 =	sshll.u32 s26, $0x1;
	_ =	strace $0x80000049;
	[dreg:$0x1] =	wrdreg $0xFFFFFFFF  }
0xa7: {  	s28 =	simm.s32 $_size_execute0_lowered;
	s2 =	sadd.s32 s2, s4;
	[dreg:$0x0] =	wrdreg $0x0  }
0xa8: {  	s4 =	sshll.u32 s28, $0x1;
	[dreg:$0x2] =	wrdreg s2  }
0xa9: {  	[dreg:$0x3] =	wrdreg s4  }
0xaa: {  	[dreg:$0x4] =	wrdreg $0xC0  }
0xab: {  	_ =	task [dreg:s6], $0x5FFFF  }
0xac: {  	[dreg:$0x1] =	wrdreg $0xFFFFFFFF  }
0xad: {  	[dreg:$0x0] =	wrdreg $0x60  }
0xae: {  	[dreg:$0x2] =	wrdreg s24  }
0xaf: {  	[dreg:$0x3] =	wrdreg $0xA8000  }
0xb0: {  	[dreg:$0x4] =	wrdreg $0x9  }
0xb1: {  	_ =	task.clear_ibuf [dreg:s6], $0x5FFFF;
	_ =	strace $0x90000049  }
0xb2: {  	s29 =	simm.s32 $0x9;
	_ =	strace $0x8000004B  }
0xb3: {  	_ =	swait.ge [sflag:s29], $0x1  }
0xb4: {  	[sflag:s29] =	ssyncadd.s32 $0xFFFFFFFF  }
0xb5: {  	_ =	strace $0x9000004B  }
0xb6: {  	_ =	sfence  }
0xb7: {  	s30 =	sld [smem:$0x0];
	_ =	sdelay $0x2  }
0xb8: {  	s31 =	sshll.u32 s1, $0xD;
	s1 =	sshrl.u32 s1, $0x2  }
0xb9: {  	s3 =	sand.u32 $0x4000, s31;
	s1 =	sadd.s32 s1, s30  }
0xba: {  	s0 =	sor.u32 s3, s0;
	s1 =	sshll.u32 s1, $0x11  }
0xbb: {  	s0 =	sor.u32 s1, s0  }
0xbc: {  	s0 =	sadd.s32 $0x8F2B, s0  }
0xbd: {  	[sflag:s0] =	ssyncadd.remote.s32 $0x1  }
0xbe: {  	_ =	sfence.sel $0xFFFF  }
0xbf: {  	[dreg:$0x0] =	wrdreg $0xFFFFFFFF;
	(pc) =	sbr.abs _section_cstart, $3  }
0xc0: {  	[dreg:$0x1] =	wrdreg $0xFFFFFFFF  }
0xc1: {  	_ =	task.clear_ibuf [dreg:s6], $0x2FFFF;
	_ =	strace $0x9FFFFFFF  }
0xc2: {  	(tm) =	ssettm $0x7FFFFFFF  }
0xc3: {  	_ =	shalt  }
tec
execute0_lowered:
.L_overlay_start_1:
0x0: {  	(tag) =	ssettag $0x1  }
0x1: {  	s5 =	rddreg [dreg:$0x0]  }
0x2: {  	s1 =	rddreg [dreg:$0x1];
	s2 =	simm.s32 $0x0;
	s6 =	srdreg.scid  }
0x3: {  	s3 =	stileid.u32;
	s22 =	simm.s32 $0x1400;
	s28 =	simm.s32 $0x2700  }
0x4: {  	s29 =	simm.s32 $0x2780;
	[smem:$0x7FF] =	sst s2;
	s4 =	sadd.s32 $0x5C800, s5  }
0x5: {  	s12 =	sadd.s32 $0x57800, s5;
	s6 =	sand.u32 $0x1, s6;
	s14 =	smul.u32 $0x280, s3  }
0x6: {  	s13 =	sadd.s32 $0x2800, s5;
	s18 =	sadd.s32 $0xAC800, s5;
	s8 =	smul.u32 $0x50000, s3  }
0x7: {  	s10 =	smul.u32 $0x2800, s3;
	_ =	strace $0x8000004A;
	s7 =	ssub.s32 $0x2, s6  }
0x8: {  	s26 =	smul.u32 $0x2800, s6;
	s23 =	sshrl.u32 s7, $0x1;
	s15 =	sadd.s32 $0x80, s14  }
0x9: {  	s24 =	sshrl.u32 s8, $0x2;
	s16 =	sadd.s32 $0x100, s14;
	s17 =	sadd.s32 $0x180, s14  }
0xa: {  	s20 =	sadd.s32 $0x200, s14;
	s21 =	sshrl.u32 s10, $0x3;
	s19 =	ssub.s32 s7, s23  }
0xb: {  	s25 =	sshll.u32 s15, $0x7;
	s5 =	sadd.s32 s24, s1;
	s30 =	sshll.u32 s16, $0x7  }
0xc: {  	s31 =	sshll.u32 s17, $0x7;
	s9 =	sshll.u32 s20, $0x7;
	s10 =	sadd.s32 s12, s21  }
0xd: {  	s11 =	sadd.s32 s13, s21;
	s21 =	sadd.s32 $0x280, s21;
	s14 =	sadd.s32 s14, s26  }
0xe: {  	s15 =	sadd.s32 s26, s15;
	s16 =	sadd.s32 s26, s16;
	s17 =	sadd.s32 s26, s17  }
0xf: {  	s20 =	sadd.s32 s26, s20;
	s23 =	simm.s32 $0x80;
	s24 =	simm.s32 $0x6800  }
0x10: {  	v0 =	vmov s26;
	s26 =	simm.s32 $0x2;
	s6 =	sadd.s32 s25, s1;
	s7 =	sadd.s32 s30, s1  }
0x11: {  	s8 =	sadd.s32 s31, s1;
	s9 =	sadd.s32 s9, s1;
	s12 =	sadd.s32 s12, s21  }
0x12: {  	s13 =	sadd.s32 s13, s21;
	s14 =	sshll.u32 s14, $0x4;
	s15 =	sshll.u32 s15, $0x4  }
0x13: {  	s16 =	sshll.u32 s16, $0x4;
	s17 =	sshll.u32 s17, $0x4;
	s20 =	sshll.u32 s20, $0x4  }
0x14: {  	s19 =	smax.u32 s19, $0x1;
	s21 =	simm.s32 $0x3;
	s25 =	simm.s32 $0x1  }
0x15: {  	s14 =	sadd.s32 s18, s14;
	s15 =	sadd.s32 s18, s15;
	s16 =	sadd.s32 s18, s16  }
0x16: {  	v1 =	vimm.f32 $0.0e+00;
	s17 =	sadd.s32 s18, s17;
	s18 =	sadd.s32 s18, s20;
	s20 =	simm.s32 $0x2800  }
.LBB2_1:
0x17: {  	s30 =	simm.s32 $0x0;
	s31 =	simm.s32 $0x200  }
.LBB2_2:
0x18: {  	p0 =	sne.s32 s31, $0xFE00;
	[tilespmem:s30+$0x2870] =	vst v1  }
0x19: {  	[tilespmem:s30+$0x2800] =	vst v1  }
0x1a: {  	[tilespmem:s30+$0x2810] =	vst v1  }
.Ltmp0:
0x1b: {  	[tilespmem:s30+$0x2820] =	vst v1;
	(pc) =	sbr.rel @p0 .LBB2_2-.Ltmp0, $4  }
0x1c: {  	[tilespmem:s30+$0x2830] =	vst v1  }
0x1d: {  	[tilespmem:s30+$0x2840] =	vst v1  }
0x1e: {  	[tilespmem:s30+$0x2850] =	vst v1  }
0x1f: {  	[tilespmem:s30+$0x2860] =	vst v1;
	s30 =	sshra.s32 s31, $0x2;
	s31 =	sadd.s32 $0x200, s31  }
0x20: {  	[tilespmem:s30+$0x2870] =	vst v1  }
0x21: {  	[tilespmem:s30+$0x2800] =	vst v1  }
0x22: {  	[tilespmem:s30+$0x2810] =	vst v1  }
0x23: {  	[tilespmem:s30+$0x2820] =	vst v1  }
0x24: {  	[tilespmem:s30+$0x2830] =	vst v1  }
0x25: {  	[tilespmem:s30+$0x2840] =	vst v1  }
0x26: {  	[tilespmem:s30+$0x2850] =	vst v1  }
0x27: {  	[tilespmem:s30+$0x2860] =	vst v1  }
0x28: {  	[spmem:s5] =	stream.linear.scatter [tilespmem:s20], [sflag:$0x3], $0x4000, $0x38;
	[tilespmem:$0x1E800] =	vst v63  }
0x29: {  	_ =	swait.ge [sflag:s21], $0x4000  }
0x2a: {  	[sflag:s21] =	ssyncset.done $0x0  }
0x2b: {  	[sflag:s21] =	ssyncadd.s32 $0xFFFFC000  }
0x2c: {  	[spmem:s6] =	stream.linear.scatter [tilespmem:s20], [sflag:$0x3], $0x4000, $0x38;
	[tilespmem:$0x1E800] =	vst v63  }
0x2d: {  	_ =	swait.ge [sflag:s21], $0x4000  }
0x2e: {  	[sflag:s21] =	ssyncset.done $0x0  }
0x2f: {  	[sflag:s21] =	ssyncadd.s32 $0xFFFFC000  }
0x30: {  	[spmem:s7] =	stream.linear.scatter [tilespmem:s20], [sflag:$0x3], $0x4000, $0x38;
	[tilespmem:$0x1E800] =	vst v63  }
0x31: {  	_ =	swait.ge [sflag:s21], $0x4000  }
0x32: {  	[sflag:s21] =	ssyncset.done $0x0  }
0x33: {  	[sflag:s21] =	ssyncadd.s32 $0xFFFFC000  }
0x34: {  	[spmem:s8] =	stream.linear.scatter [tilespmem:s20], [sflag:$0x3], $0x4000, $0x38;
	[tilespmem:$0x1E800] =	vst v63  }
0x35: {  	_ =	swait.ge [sflag:s21], $0x4000  }
0x36: {  	[sflag:s21] =	ssyncset.done $0x0  }
0x37: {  	[sflag:s21] =	ssyncadd.s32 $0xFFFFC000  }
0x38: {  	[spmem:s9] =	stream.linear.scatter [tilespmem:s20], [sflag:$0x3], $0x4000, $0x38;
	[tilespmem:$0x1E800] =	vst v63  }
0x39: {  	_ =	swait.ge [sflag:s21], $0x4000  }
0x3a: {  	[sflag:s21] =	ssyncset.done $0x0  }
0x3b: {  	[sflag:s21] =	ssyncadd.s32 $0xFFFFC000  }
0x3c: {  	s30 =	simm.s32 $0x0;
	[bflag:$0x0] =	sbarrier.arrive $0xFFFF  }
0x3d: {  	[tilespmem:s30], [sflag:$0x3] =	stream.linear.gather [hbm4b:s10+s30], $0x1400, $0x38;
	[tilespmem:$0x1E800] =	vst v63  }
0x3e: {  	_ =	swait.ge [sflag:s21], $0x1400  }
0x3f: {  	[sflag:s21] =	ssyncset.done $0x0  }
0x40: {  	[sflag:s21] =	ssyncadd.s32 $0xFFFFEC00  }
0x41: {  	[tilespmem:s22], [sflag:$0x3] =	stream.linear.gather [hbm4b:s11+s30], $0x1400, $0x38;
	[tilespmem:$0x1E800] =	vst v63  }
0x42: {  	_ =	swait.ge [sflag:s21], $0x1400  }
0x43: {  	[sflag:s21] =	ssyncset.done $0x0  }
0x44: {  	s30 =	simm.s32 $0x0;
	[sflag:s21] =	ssyncadd.s32 $0xFFFFEC00  }
0x45: {  	v4 =	vld [tilespmem:s30+$0x0]  }
0x46: {  	v6 =	vld [tilespmem:s30+$0x10]  }
0x47: {  	v5 =	vld [tilespmem:s30+$0x20]  }
0x48: {  	v3 =	vld [tilespmem:s30+$0x30]  }
0x49: {  	v2 =	vld [tilespmem:s30+$0x40]  }
0x4a: {  	v7 =	vadd.s32 v0, v4;
	v4 =	vld [tilespmem:s30+$0x50]  }
0x4b: {  	s31 =	simm.s32 $0x200;
	[tilespmem:s30+$0x0] =	vst v7;
	v7 =	vadd.s32 v0, v6;
	v6 =	vld [tilespmem:s30+$0x60]  }
.LBB2_4:
0x4c: {  	s0 =	sshra.s32 s31, $0x2;
	p0 =	sne.s32 s31, $0x4E00;
	[tilespmem:s30+$0x10] =	vst v7;
	v5 =	vadd.s32 v0, v5;
	v7 =	vld [tilespmem:s30+$0x70]  }
0x4d: {  	v8 =	vld [tilespmem:s0+$0x0];
	[tilespmem:s30+$0x20] =	vst v5;
	v3 =	vadd.s32 v0, v3  }
0x4e: {  	v9 =	vld [tilespmem:s0+$0x10];
	[tilespmem:s30+$0x30] =	vst v3;
	v2 =	vadd.s32 v0, v2  }
.Ltmp1:
0x4f: {  	v5 =	vld [tilespmem:s0+$0x20];
	[tilespmem:s30+$0x40] =	vst v2;
	v2 =	vadd.s32 v0, v4;
	(pc) =	sbr.rel @p0 .LBB2_4-.Ltmp1, $4  }
0x50: {  	v3 =	vld [tilespmem:s0+$0x30];
	[tilespmem:s30+$0x50] =	vst v2;
	v4 =	vadd.s32 v0, v6  }
0x51: {  	v2 =	vld [tilespmem:s0+$0x40];
	[tilespmem:s30+$0x60] =	vst v4;
	v6 =	vadd.s32 v0, v7  }
0x52: {  	v7 =	vadd.s32 v0, v8;
	v4 =	vld [tilespmem:s0+$0x50];
	[tilespmem:s30+$0x70] =	vst v6;
	s30 =	smov.u32 s0  }
0x53: {  	s31 =	sadd.s32 $0x200, s31;
	[tilespmem:s30+$0x0] =	vst v7;
	v7 =	vadd.s32 v0, v9;
	v6 =	vld [tilespmem:s30+$0x60]  }
0x54: {  	[tilespmem:s30+$0x10] =	vst v7;
	v5 =	vadd.s32 v0, v5;
	v63 =	vld [tilespmem:s30+$0x70]  }
0x55: {  	[tilespmem:s30+$0x20] =	vst v5;
	v3 =	vadd.s32 v0, v3  }
0x56: {  	[tilespmem:s30+$0x30] =	vst v3;
	v2 =	vadd.s32 v0, v2  }
0x57: {  	[tilespmem:s30+$0x40] =	vst v2;
	v2 =	vadd.s32 v0, v4  }
0x58: {  	[tilespmem:s30+$0x50] =	vst v2;
	v2 =	vadd.s32 v0, v6  }
0x59: {  	[tilespmem:s30+$0x60] =	vst v2;
	v2 =	vadd.s32 v0, v63  }
0x5a: {  	s0 =	simm.s32 $0x0;
	[tilespmem:s30+$0x70] =	vst v2  }
0x5b: {  	[tilespmem:s20], [sflag:$0x1] =	stream.indirect.gather [hbm4b:s4+s23], $0x80, s0, s23, $0xb8;
	[tilespmem:$0x1E800] =	vst v63  }
0x5c: {  	_ = 	snop  }
0x5d: {  	[tilespmem:s24], [sflag:$0x2] =	stream.indirect.gather [hbm4b:s4+s23], $0x80, s23, s23, $0xb8;
	[tilespmem:$0x1E800] =	vst v63  }
0x5e: {  	_ =	swait.ge [sflag:s25], $0x4000  }
0x5f: {  	[sflag:s25] =	ssyncset.done $0x0  }
0x60: {  	s0 =	simm.s32 $0x1400;
	[sflag:s25] =	ssyncadd.s32 $0xFFFFC000  }
0x61: {  	[spmem:s1] =	stream.indirect.scatter.add.f32 [tilespmem:s20], [sflag:$0x3], $0x80, s0, s23, $0xb8;
	[tilespmem:$0x1E800] =	vst v63  }
0x62: {  	_ =	swait.ge [sflag:s21], $0x4000  }
0x63: {  	[sflag:s21] =	ssyncset.done $0x0  }
0x64: {  	s0 =	simm.s32 $0x100;
	[sflag:s21] =	ssyncadd.s32 $0xFFFFC000  }
0x65: {  	[tilespmem:s20], [sflag:$0x1] =	stream.indirect.gather [hbm4b:s4+s23], $0x80, s0, s23, $0xb8;
	[tilespmem:$0x1E800] =	vst v63  }
0x66: {  	_ =	swait.ge [sflag:s26], $0x4000  }
0x67: {  	[sflag:s26] =	ssyncset.done $0x0  }
0x68: {  	s0 =	simm.s32 $0x1480;
	[sflag:s26] =	ssyncadd.s32 $0xFFFFC000  }
0x69: {  	[spmem:s1] =	stream.indirect.scatter.add.f32 [tilespmem:s24], [sflag:$0x3], $0x80, s0, s23, $0xb8;
	[tilespmem:$0x1E800] =	vst v63  }
0x6a: {  	_ =	swait.ge [sflag:s21], $0x4000  }
0x6b: {  	[sflag:s21] =	ssyncset.done $0x0  }
0x6c: {  	s31 =	simm.s32 $0x180;
	s30 =	simm.s32 $0x400;
	[sflag:s21] =	ssyncadd.s32 $0xFFFFC000  }
.LBB2_6:
0x6d: {  	[tilespmem:s24], [sflag:$0x2] =	stream.indirect.gather [hbm4b:s4+s23], $0x80, s31, s23, $0xb8;
	[tilespmem:$0x1E800] =	vst v63  }
0x6e: {  	s0 =	smov.u32 s30  }
0x6f: {  	p0 =	sne.s32 s30, $0x4800;
	s30 =	sadd.s32 $0x400, s30;
	_ =	swait.ge [sflag:s25], $0x4000  }
0x70: {  	s0 =	sshra.s32 s0, $0x2;
	[sflag:s25] =	ssyncset.done $0x0  }
0x71: {  	s31 =	sadd.s32 $0x1400, s0;
	[sflag:s25] =	ssyncadd.s32 $0xFFFFC000  }
0x72: {  	[spmem:s1] =	stream.indirect.scatter.add.f32 [tilespmem:s20], [sflag:$0x3], $0x80, s31, s23, $0xb8;
	[tilespmem:$0x1E800] =	vst v63  }
0x73: {  	_ =	swait.ge [sflag:s21], $0x4000  }
0x74: {  	[sflag:s21] =	ssyncset.done $0x0  }
0x75: {  	s31 =	sadd.s32 $0x100, s0;
	[sflag:s21] =	ssyncadd.s32 $0xFFFFC000  }
0x76: {  	[tilespmem:s20], [sflag:$0x1] =	stream.indirect.gather [hbm4b:s4+s23], $0x80, s31, s23, $0xb8;
	[tilespmem:$0x1E800] =	vst v63  }
0x77: {  	_ =	swait.ge [sflag:s26], $0x4000  }
0x78: {  	[sflag:s26] =	ssyncset.done $0x0  }
.Ltmp2:
0x79: {  	s31 =	sadd.s32 $0x1480, s0;
	[sflag:s26] =	ssyncadd.s32 $0xFFFFC000;
	(pc) =	sbr.rel @p0 .LBB2_6-.Ltmp2, $4  }
0x7a: {  	[spmem:s1] =	stream.indirect.scatter.add.f32 [tilespmem:s24], [sflag:$0x3], $0x80, s31, s23, $0xb8;
	[tilespmem:$0x1E800] =	vst v63  }
0x7b: {  	_ =	swait.ge [sflag:s21], $0x4000  }
0x7c: {  	[sflag:s21] =	ssyncset.done $0x0  }
0x7d: {  	s31 =	sadd.s32 $0x180, s0;
	[sflag:s21] =	ssyncadd.s32 $0xFFFFC000  }
0x7e: {  	[tilespmem:s24], [sflag:$0x2] =	stream.indirect.gather [hbm4b:s4+s23], $0x80, s31, s23, $0xb8;
	[tilespmem:$0x1E800] =	vst v63  }
0x7f: {  	_ =	swait.ge [sflag:s25], $0x4000  }
0x80: {  	[sflag:s25] =	ssyncset.done $0x0  }
0x81: {  	[sflag:s25] =	ssyncadd.s32 $0xFFFFC000  }
0x82: {  	[spmem:s1] =	stream.indirect.scatter.add.f32 [tilespmem:s20], [sflag:$0x3], $0x80, s28, s23, $0xb8;
	[tilespmem:$0x1E800] =	vst v63  }
0x83: {  	_ =	swait.ge [sflag:s21], $0x4000  }
0x84: {  	[sflag:s21] =	ssyncset.done $0x0  }
0x85: {  	[sflag:s21] =	ssyncadd.s32 $0xFFFFC000  }
0x86: {  	_ =	swait.ge [sflag:s26], $0x4000  }
0x87: {  	[sflag:s26] =	ssyncset.done $0x0  }
0x88: {  	[sflag:s26] =	ssyncadd.s32 $0xFFFFC000  }
0x89: {  	[spmem:s1] =	stream.indirect.scatter.add.f32 [tilespmem:s24], [sflag:$0x3], $0x80, s29, s23, $0xb8;
	[tilespmem:$0x1E800] =	vst v63  }
0x8a: {  	_ =	swait.ge [sflag:s21], $0x4000  }
0x8b: {  	[sflag:s21] =	ssyncset.done $0x0  }
0x8c: {  	s0 =	simm.s32 $0x0;
	[sflag:s21] =	ssyncadd.s32 $0xFFFFC000  }
0x8d: {  	[tilespmem:s0], [sflag:$0x3] =	stream.linear.gather [hbm4b:s12+s0], $0x1400, $0x38;
	[tilespmem:$0x1E800] =	vst v63  }
0x8e: {  	_ =	swait.ge [sflag:s21], $0x1400  }
0x8f: {  	[sflag:s21] =	ssyncset.done $0x0  }
0x90: {  	[sflag:s21] =	ssyncadd.s32 $0xFFFFEC00  }
0x91: {  	[tilespmem:s22], [sflag:$0x3] =	stream.linear.gather [hbm4b:s13+s0], $0x1400, $0x38;
	[tilespmem:$0x1E800] =	vst v63  }
0x92: {  	_ =	swait.ge [sflag:s21], $0x1400  }
0x93: {  	[sflag:s21] =	ssyncset.done $0x0  }
0x94: {  	s30 =	simm.s32 $0x0;
	[sflag:s21] =	ssyncadd.s32 $0xFFFFEC00  }
0x95: {  	v4 =	vld [tilespmem:s30+$0x0]  }
0x96: {  	v6 =	vld [tilespmem:s30+$0x10]  }
0x97: {  	v5 =	vld [tilespmem:s30+$0x20]  }
0x98: {  	v3 =	vld [tilespmem:s30+$0x30]  }
0x99: {  	v2 =	vld [tilespmem:s30+$0x40]  }
0x9a: {  	v7 =	vadd.s32 v0, v4;
	v4 =	vld [tilespmem:s30+$0x50]  }
0x9b: {  	s31 =	simm.s32 $0x200;
	[tilespmem:s30+$0x0] =	vst v7;
	v7 =	vadd.s32 v0, v6;
	v6 =	vld [tilespmem:s30+$0x60]  }
.LBB2_8:
0x9c: {  	s0 =	sshra.s32 s31, $0x2;
	p0 =	sne.s32 s31, $0x4E00;
	[tilespmem:s30+$0x10] =	vst v7;
	v5 =	vadd.s32 v0, v5;
	v7 =	vld [tilespmem:s30+$0x70]  }
0x9d: {  	v8 =	vld [tilespmem:s0+$0x0];
	[tilespmem:s30+$0x20] =	vst v5;
	v3 =	vadd.s32 v0, v3  }
0x9e: {  	v9 =	vld [tilespmem:s0+$0x10];
	[tilespmem:s30+$0x30] =	vst v3;
	v2 =	vadd.s32 v0, v2  }
.Ltmp3:
0x9f: {  	v5 =	vld [tilespmem:s0+$0x20];
	[tilespmem:s30+$0x40] =	vst v2;
	v2 =	vadd.s32 v0, v4;
	(pc) =	sbr.rel @p0 .LBB2_8-.Ltmp3, $4  }
0xa0: {  	v3 =	vld [tilespmem:s0+$0x30];
	[tilespmem:s30+$0x50] =	vst v2;
	v4 =	vadd.s32 v0, v6  }
0xa1: {  	v2 =	vld [tilespmem:s0+$0x40];
	[tilespmem:s30+$0x60] =	vst v4;
	v6 =	vadd.s32 v0, v7  }
0xa2: {  	v7 =	vadd.s32 v0, v8;
	v4 =	vld [tilespmem:s0+$0x50];
	[tilespmem:s30+$0x70] =	vst v6;
	s30 =	smov.u32 s0  }
0xa3: {  	s31 =	sadd.s32 $0x200, s31;
	[tilespmem:s30+$0x0] =	vst v7;
	v7 =	vadd.s32 v0, v9;
	v6 =	vld [tilespmem:s30+$0x60]  }
0xa4: {  	[tilespmem:s30+$0x10] =	vst v7;
	v5 =	vadd.s32 v0, v5;
	v63 =	vld [tilespmem:s30+$0x70]  }
0xa5: {  	[tilespmem:s30+$0x20] =	vst v5;
	v3 =	vadd.s32 v0, v3  }
0xa6: {  	[tilespmem:s30+$0x30] =	vst v3;
	v2 =	vadd.s32 v0, v2  }
0xa7: {  	[tilespmem:s30+$0x40] =	vst v2;
	v2 =	vadd.s32 v0, v4  }
0xa8: {  	[tilespmem:s30+$0x50] =	vst v2;
	v2 =	vadd.s32 v0, v6  }
0xa9: {  	[tilespmem:s30+$0x60] =	vst v2;
	v2 =	vadd.s32 v0, v63  }
0xaa: {  	s0 =	simm.s32 $0x0;
	[tilespmem:s30+$0x70] =	vst v2  }
0xab: {  	[tilespmem:s20], [sflag:$0x1] =	stream.indirect.gather [hbm4b:s4+s23], $0x80, s0, s23, $0xb8;
	[tilespmem:$0x1E800] =	vst v63  }
0xac: {  	_ = 	snop  }
0xad: {  	[tilespmem:s24], [sflag:$0x2] =	stream.indirect.gather [hbm4b:s4+s23], $0x80, s23, s23, $0xb8;
	[tilespmem:$0x1E800] =	vst v63  }
0xae: {  	_ =	swait.ge [sflag:s25], $0x4000  }
0xaf: {  	[sflag:s25] =	ssyncset.done $0x0  }
0xb0: {  	s0 =	simm.s32 $0x1400;
	[sflag:s25] =	ssyncadd.s32 $0xFFFFC000  }
0xb1: {  	[spmem:s1] =	stream.indirect.scatter.add.f32 [tilespmem:s20], [sflag:$0x3], $0x80, s0, s23, $0xb8;
	[tilespmem:$0x1E800] =	vst v63  }
0xb2: {  	_ =	swait.ge [sflag:s21], $0x4000  }
0xb3: {  	[sflag:s21] =	ssyncset.done $0x0  }
0xb4: {  	s0 =	simm.s32 $0x100;
	[sflag:s21] =	ssyncadd.s32 $0xFFFFC000  }
0xb5: {  	[tilespmem:s20], [sflag:$0x1] =	stream.indirect.gather [hbm4b:s4+s23], $0x80, s0, s23, $0xb8;
	[tilespmem:$0x1E800] =	vst v63  }
0xb6: {  	_ =	swait.ge [sflag:s26], $0x4000  }
0xb7: {  	[sflag:s26] =	ssyncset.done $0x0  }
0xb8: {  	s0 =	simm.s32 $0x1480;
	[sflag:s26] =	ssyncadd.s32 $0xFFFFC000  }
0xb9: {  	[spmem:s1] =	stream.indirect.scatter.add.f32 [tilespmem:s24], [sflag:$0x3], $0x80, s0, s23, $0xb8;
	[tilespmem:$0x1E800] =	vst v63  }
0xba: {  	_ =	swait.ge [sflag:s21], $0x4000  }
0xbb: {  	[sflag:s21] =	ssyncset.done $0x0  }
0xbc: {  	s31 =	simm.s32 $0x180;
	s30 =	simm.s32 $0x400;
	[sflag:s21] =	ssyncadd.s32 $0xFFFFC000  }
.LBB2_10:
0xbd: {  	[tilespmem:s24], [sflag:$0x2] =	stream.indirect.gather [hbm4b:s4+s23], $0x80, s31, s23, $0xb8;
	[tilespmem:$0x1E800] =	vst v63  }
0xbe: {  	s0 =	smov.u32 s30  }
0xbf: {  	p0 =	sne.s32 s30, $0x4800;
	s30 =	sadd.s32 $0x400, s30;
	_ =	swait.ge [sflag:s25], $0x4000  }
0xc0: {  	s0 =	sshra.s32 s0, $0x2;
	[sflag:s25] =	ssyncset.done $0x0  }
0xc1: {  	s31 =	sadd.s32 $0x1400, s0;
	[sflag:s25] =	ssyncadd.s32 $0xFFFFC000  }
0xc2: {  	[spmem:s1] =	stream.indirect.scatter.add.f32 [tilespmem:s20], [sflag:$0x3], $0x80, s31, s23, $0xb8;
	[tilespmem:$0x1E800] =	vst v63  }
0xc3: {  	_ =	swait.ge [sflag:s21], $0x4000  }
0xc4: {  	[sflag:s21] =	ssyncset.done $0x0  }
0xc5: {  	s31 =	sadd.s32 $0x100, s0;
	[sflag:s21] =	ssyncadd.s32 $0xFFFFC000  }
0xc6: {  	[tilespmem:s20], [sflag:$0x1] =	stream.indirect.gather [hbm4b:s4+s23], $0x80, s31, s23, $0xb8;
	[tilespmem:$0x1E800] =	vst v63  }
0xc7: {  	_ =	swait.ge [sflag:s26], $0x4000  }
0xc8: {  	[sflag:s26] =	ssyncset.done $0x0  }
.Ltmp4:
0xc9: {  	s31 =	sadd.s32 $0x1480, s0;
	[sflag:s26] =	ssyncadd.s32 $0xFFFFC000;
	(pc) =	sbr.rel @p0 .LBB2_10-.Ltmp4, $4  }
0xca: {  	[spmem:s1] =	stream.indirect.scatter.add.f32 [tilespmem:s24], [sflag:$0x3], $0x80, s31, s23, $0xb8;
	[tilespmem:$0x1E800] =	vst v63  }
0xcb: {  	_ =	swait.ge [sflag:s21], $0x4000  }
0xcc: {  	[sflag:s21] =	ssyncset.done $0x0  }
0xcd: {  	s31 =	sadd.s32 $0x180, s0;
	[sflag:s21] =	ssyncadd.s32 $0xFFFFC000  }
0xce: {  	[tilespmem:s24], [sflag:$0x2] =	stream.indirect.gather [hbm4b:s4+s23], $0x80, s31, s23, $0xb8;
	[tilespmem:$0x1E800] =	vst v63  }
0xcf: {  	_ =	swait.ge [sflag:s25], $0x4000  }
0xd0: {  	[sflag:s25] =	ssyncset.done $0x0  }
0xd1: {  	[sflag:s25] =	ssyncadd.s32 $0xFFFFC000  }
0xd2: {  	[spmem:s1] =	stream.indirect.scatter.add.f32 [tilespmem:s20], [sflag:$0x3], $0x80, s28, s23, $0xb8;
	[tilespmem:$0x1E800] =	vst v63  }
0xd3: {  	_ =	swait.ge [sflag:s21], $0x4000  }
0xd4: {  	[sflag:s21] =	ssyncset.done $0x0  }
0xd5: {  	[sflag:s21] =	ssyncadd.s32 $0xFFFFC000  }
0xd6: {  	_ =	swait.ge [sflag:s26], $0x4000  }
0xd7: {  	[sflag:s26] =	ssyncset.done $0x0  }
0xd8: {  	[sflag:s26] =	ssyncadd.s32 $0xFFFFC000  }
0xd9: {  	[spmem:s1] =	stream.indirect.scatter.add.f32 [tilespmem:s24], [sflag:$0x3], $0x80, s29, s23, $0xb8;
	[tilespmem:$0x1E800] =	vst v63  }
0xda: {  	_ =	swait.ge [sflag:s21], $0x4000  }
0xdb: {  	[sflag:s21] =	ssyncset.done $0x0  }
0xdc: {  	s0 =	sshll.u32 s3, $0x6;
	[sflag:s21] =	ssyncadd.s32 $0xFFFFC000  }
0xdd: {  	s30 =	sshrl.u32 s5, $0x3;
	s0 =	sor.u32 $0x1C03, s0;
	[bflag:$0x0] =	sbarrier.arrive $0xFFFF  }
0xde: {  	[hbm:s14], [sflag:s0] =	dma.local [spmem:s30], $0x800  }
0xdf: {  	_ =	swait.ge [sflag:s21], $0x800  }
0xe0: {  	[sflag:s21] =	ssyncset.done $0x0  }
0xe1: {  	s31 =	sshrl.u32 s6, $0x3;
	[sflag:s21] =	ssyncadd.s32 $0xFFFFF800  }
0xe2: {  	[hbm:s15], [sflag:s0] =	dma.local [spmem:s31], $0x800  }
0xe3: {  	_ =	swait.ge [sflag:s21], $0x800  }
0xe4: {  	[sflag:s21] =	ssyncset.done $0x0  }
0xe5: {  	s31 =	sshrl.u32 s7, $0x3;
	[sflag:s21] =	ssyncadd.s32 $0xFFFFF800  }
0xe6: {  	[hbm:s16], [sflag:s0] =	dma.local [spmem:s31], $0x800  }
0xe7: {  	_ =	swait.ge [sflag:s21], $0x800  }
0xe8: {  	[sflag:s21] =	ssyncset.done $0x0  }
0xe9: {  	s31 =	sshrl.u32 s8, $0x3;
	[sflag:s21] =	ssyncadd.s32 $0xFFFFF800  }
0xea: {  	[hbm:s17], [sflag:s0] =	dma.local [spmem:s31], $0x800  }
0xeb: {  	s2 =	sadd.s32 $0x1, s2;
	_ =	swait.ge [sflag:s21], $0x800  }
0xec: {  	p0 =	sne.s32 s2, s19;
	[sflag:s21] =	ssyncset.done $0x0  }
.Ltmp5:
0xed: {  	s31 =	sshrl.u32 s9, $0x3;
	[sflag:s21] =	ssyncadd.s32 $0xFFFFF800;
	(pc) =	sbr.rel @p0 .LBB2_1-.Ltmp5, $4  }
0xee: {  	[hbm:s18], [sflag:s0] =	dma.local [spmem:s31], $0x800  }
0xef: {  	_ =	swait.ge [sflag:s21], $0x800  }
0xf0: {  	[sflag:s21] =	ssyncset.done $0x0  }
0xf1: {  	[sflag:s21] =	ssyncadd.s32 $0xFFFFF800  }
0xf2: {  	_ =	sfence.sel $0x180000  }
0xf3: {  	[bflag:$0x0] =	sbarrier.arrive $0xFFFF  }
0xf4: {  	_ =	strace $0x9000004A  }
0xf5: {  	[bflag:$0x2] =	sbarrier.arrive $0xFFFF  }
0xf6: {  	p0 =	sne.s32 s3, $0x0;
	s0 =	rddreg [dreg:$0x2]  }
0xf7: {  	s0 =	sadd.s32 @!p0 $0x100000, s0  }
0xf8: {  	[sflag:s0] =	ssyncadd.tile.s32 @!p0 $0x1;
	_ =	shalt  }
.Lfunc_end2:
_tile_overlayer_lowered:
.L_overlay_start_2:
0xf9: {  	(tag) =	ssettag $0x2  }
0xfa: {  	s0 =	rddreg [dreg:$0x0];
	s2 =	stileid.u32  }
0xfb: {  	s1 =	rddreg [dreg:$0x1];
	p0 =	sne.s32 s2, $0x0  }
0xfc: {  	s3 =	rddreg [dreg:$0x2];
	[bflag:$0x3] =	sbarrier.arrive $0xFFFF;
	s2 =	simm.s32 @!p0 $0x1C03  }
0xfd: {  	[timem:s3], [sflag:s2] =	dma.local @!p0 [hbm:s0], s1  }
0xfe: {  	s0 =	simm.s32 @!p0 $0x3  }
0xff: {  	_ =	swait.ge @!p0 [sflag:s0], s1  }
0x100: {  	s1 =	ssub.s32 @!p0 $0x0, s1;
	[sflag:s0] =	ssyncset.done @!p0 $0x0  }
0x101: {  	[sflag:s0] =	ssyncadd.s32 @!p0 s1  }
0x102: {  	[bflag:$0x3] =	sbarrier.arrive $0xFFFF  }
0x103: {  	_ =	shalt  }

// kernel: kernel.14.cloned.1.call-start
scs
__scs_entry_jumppad:
0x0: {  	(pc) =	sbr.rel $0x88, $3  }
0x1: {  	(tag) =	ssettag $0x0;
	lr =	simm.s32 $0x1  }
0x2: {  	[smem:$0x3F98] =	sst lr;
	_ =	strace $0xD0000000  }
0x3: {  	_ = 	snop  }
0x4: {  	_ = 	snop  }
0x5: {  	_ = 	snop  }
0x6: {  	_ = 	snop  }
0x7: {  	_ = 	snop  }
__scs_overlays_trampoline_lowered:
0x8: {  	[smem:$0x3FA7] =	sst s0  }
0x9: {  	[smem:$0x3FA8] =	sst s1  }
0xa: {  	[smem:$0x3FA9] =	sst s2  }
0xb: {  	[smem:$0x3FAA] =	sst s3  }
0xc: {  	[smem:$0x3FAB] =	sst s4  }
0xd: {  	[smem:$0x3FAC] =	sst s5  }
0xe: {  	[smem:$0x3FAD] =	sst s6  }
0xf: {  	[smem:$0x3FAE] =	sst s7  }
0x10: {  	[smem:$0x3FAF] =	sst s8  }
0x11: {  	[smem:$0x3FB0] =	sst s9;
	s0 =	simm.s32 @!p0 $0x0  }
0x12: {  	s1 =	sld [smem:$0x3F96];
	s0 =	simm.s32 @p0 $0x1  }
0x13: {  	[smem:$0x3FB1] =	sst s0;
	s0 =	simm.s32 @!p1 $0x0  }
0x14: {  	s2 =	sld [smem:$0x3F95];
	s0 =	simm.s32 @p1 $0x1  }
0x15: {  	[smem:$0x3FB2] =	sst s0;
	s0 =	simm.s32 @!p2 $0x0  }
0x16: {  	s3 =	sld [smem:$0x3FDB];
	s0 =	simm.s32 @p2 $0x1  }
0x17: {  	s4 =	simm.s32 $0x1BF5;
	[smem:$0x3FB4] =	sst s0  }
0x18: {  	s0 =	sld [smem:$0x3F97];
	_ =	swait.ge [sflag:s4], $0x0  }
0x19: {  	s7 =	sld [smem:$0x3F98]  }
0x1a: {  	s8 =	sadd.s32 $0xFFFFE003, lr  }
0x1b: {  	s9 =	sadd.s32 $0xFFFFFEF7, lr;
	s5 =	simm.s32 $0xFFFFFFFF;
	p2 =	slt.u32 s8, $0xFFFFF086  }
0x1c: {  	p1 =	slt.u32 s9, $0xF7A;
	s5 =	simm.s32 @!p2 $0x0  }
0x1d: {  	s5 =	simm.s32 @p1 $0x1;
	p0 =	seq.s32 s7, s2  }
0x1e: {  	s7 =	smul.u32 @!p0 $0xF7A, s2;
	p2 =	seq.s32 @!p0 s5, $0x0  }
0x1f: {  	s9 =	smul.u32 $0xF7A, s1;
	s8 =	simm.s32 @!p0 $0x1BF5;
	p2 =	por !p2, p0  }
0x20: {  	[sflag:s8] =	ssyncset.s32 @!p0 $0xFFFFF086;
	s6 =	sadd.s32 @!p0 s3, s7;
	s7 =	simm.s32 @!p0 $0x108  }
0x21: {  	s3 =	sadd.s32 s3, s9;
	s6 =	sadd.s32 @!p0 $0x88, s6;
	s7 =	simm.s32 @p2 $0x1082  }
0x22: {  	[simem:s7], [sflag:s8] =	dma.local @!p0 [hbm:s6], $0xF7A  }
0x23: {  	s9 =	sor.u32 $0xD0000000, s2;
	s6 =	simm.s32 $0x108;
	_ =	swait.ge @!p0 [sflag:s8], $0x0  }
0x24: {  	s3 =	sadd.s32 $0x88, s3;
	s6 =	simm.s32 @!p1 $0x1082;
	[sflag:s4] =	ssyncset.s32 $0xFFFFF086  }
0x25: {  	[simem:s6], [sflag:s4] =	dma.local [hbm:s3], $0xF7A  }
0x26: {  	[smem:$0x3F98] =	sst s1;
	(tag) =	ssettag s2;
	_ =	strace s9  }
0x27: {  	s1 =	sld [smem:$0x3FA8]  }
0x28: {  	s2 =	sld [smem:$0x3FA9]  }
0x29: {  	s4 =	sld [smem:$0x3FAB]  }
0x2a: {  	p0 =	seq.s32 s5, $0x0;
	s5 =	sld [smem:$0x3FAC]  }
0x2b: {  	s6 =	sld [smem:$0x3FAD]  }
0x2c: {  	s7 =	sld [smem:$0x3FAE]  }
0x2d: {  	s3 =	simm.s32 $0x108;
	s8 =	sld [smem:$0x3FAF]  }
0x2e: {  	s3 =	simm.s32 @!p0 $0x1082;
	s9 =	sld [smem:$0x3FB0]  }
0x2f: {  	lr =	sadd.s32 s0, s3;
	s0 =	sld [smem:$0x3FA7]  }
0x30: {  	s3 =	sld [smem:$0x3FAA]  }
0x31: {  	[smem:$0x3FB3] =	sst s10  }
0x32: {  	s10 =	sld [smem:$0x3FB1];
	_ =	sdelay $0x3  }
0x33: {  	p0 =	seq.s32 s10, $0x1;
	s10 =	sld [smem:$0x3FB3];
	_ =	sdelay $0x3  }
0x34: {  	[smem:$0x3FB3] =	sst s10  }
0x35: {  	s10 =	sld [smem:$0x3FB2];
	_ =	sdelay $0x3  }
0x36: {  	p1 =	seq.s32 s10, $0x1;
	s10 =	sld [smem:$0x3FB3];
	_ =	sdelay $0x3  }
0x37: {  	[smem:$0x3FB3] =	sst s10  }
0x38: {  	s10 =	sld [smem:$0x3FB4]  }
0x39: {  	_ = 	snop;
	(pc) =	sbr.ind lr, $3  }
0x3a: {  	_ = 	snop  }
0x3b: {  	_ = 	snop  }
0x3c: {  	p2 =	seq.s32 s10, $0x1;
	s10 =	sld [smem:$0x3FB3]  }
0x3d: {  	_ =	shalt  }
0x3e: {  	_ =	shalt  }
0x3f: {  	_ =	shalt  }
0x40: {  	_ =	shalt  }
0x41: {  	_ =	shalt  }
0x42: {  	_ =	shalt  }
0x43: {  	_ =	shalt  }
0x44: {  	_ =	shalt  }
0x45: {  	_ =	shalt  }
0x46: {  	_ =	shalt  }
0x47: {  	_ =	shalt  }
0x48: {  	_ =	shalt  }
0x49: {  	_ =	shalt  }
0x4a: {  	_ =	shalt  }
0x4b: {  	_ =	shalt  }
0x4c: {  	_ =	shalt  }
0x4d: {  	_ =	shalt  }
0x4e: {  	_ =	shalt  }
0x4f: {  	_ =	shalt  }
0x50: {  	_ =	shalt  }
0x51: {  	_ =	shalt  }
0x52: {  	_ =	shalt  }
0x53: {  	_ =	shalt  }
0x54: {  	_ =	shalt  }
0x55: {  	_ =	shalt  }
0x56: {  	_ =	shalt  }
0x57: {  	_ =	shalt  }
0x58: {  	_ =	shalt  }
0x59: {  	_ =	shalt  }
0x5a: {  	_ =	shalt  }
0x5b: {  	_ =	shalt  }
0x5c: {  	_ =	shalt  }
0x5d: {  	_ =	shalt  }
0x5e: {  	_ =	shalt  }
0x5f: {  	_ =	shalt  }
0x60: {  	_ =	shalt  }
0x61: {  	_ =	shalt  }
0x62: {  	_ =	shalt  }
0x63: {  	_ =	shalt  }
0x64: {  	_ =	shalt  }
0x65: {  	_ =	shalt  }
0x66: {  	_ =	shalt  }
0x67: {  	_ =	shalt  }
0x68: {  	_ =	shalt  }
0x69: {  	_ =	shalt  }
0x6a: {  	_ =	shalt  }
0x6b: {  	_ =	shalt  }
0x6c: {  	_ =	shalt  }
0x6d: {  	_ =	shalt  }
0x6e: {  	_ =	shalt  }
0x6f: {  	_ =	shalt  }
0x70: {  	_ =	shalt  }
0x71: {  	_ =	shalt  }
0x72: {  	_ =	shalt  }
0x73: {  	_ =	shalt  }
0x74: {  	_ =	shalt  }
0x75: {  	_ =	shalt  }
0x76: {  	_ =	shalt  }
0x77: {  	_ =	shalt  }
0x78: {  	_ =	shalt  }
0x79: {  	_ =	shalt  }
0x7a: {  	_ =	shalt  }
0x7b: {  	_ =	shalt  }
0x7c: {  	_ =	shalt  }
0x7d: {  	_ =	shalt  }
0x7e: {  	_ =	shalt  }
0x7f: {  	_ =	shalt  }
0x80: {  	_ =	shalt  }
0x81: {  	_ =	shalt  }
0x82: {  	_ =	shalt  }
0x83: {  	_ =	shalt  }
0x84: {  	_ =	shalt  }
0x85: {  	_ =	shalt  }
0x86: {  	_ =	shalt  }
0x87: {  	_ =	shalt  }
.Lfunc_end0:
.L_simem_size_0:
called_computation.2_lowered:
.L_overlay_start_0:
0x88: {  	s2 =	sld [smem:$0x3FD9]  }
0x89: {  	s3 =	sld [smem:$0x3FFE];
	_ =	sdelay $0x1  }
0x8a: {  	s1 =	srdreg.scid  }
0x8b: {  	s0 =	sand.u32 $0x1, s1  }
0x8c: {  	s16 =	sshll.u32 s0, $0xA;
	s2 =	sadd.s32 s3, s2  }
0x8d: {  	s2 =	sadd.s32 s2, s16  }
0x8e: {  	[smem:$0x3FBF] =	sst s2  }
0x8f: {  	_ = 	snop  }
0x90: {  	(tm) =	ssettm $0x1  }
0x91: {  	s17 =	sld [smem:$0x3FFB];
	_ =	sdelay $0x3  }
0x92: {  	_ =	strace s17  }
0x93: {  	s2 =	sld [smem:$0x3FFC];
	_ =	sdelay $0x3  }
0x94: {  	_ =	strace s2  }
0x95: {  	s2 =	sld [smem:$0x3FFD];
	_ =	sdelay $0x3  }
0x96: {  	_ =	strace s2  }
0x97: {  	_ =	strace $0x8FFFFFFF  }
0x98: {  	s18 =	sld [smem:$0x3FDB];
	_ =	sdelay $0x1  }
0x99: {  	s19 =	simm.s32 $_scs_section_size  }
0x9a: {  	s4 =	simm.s32 $_size__tile_overlayer_lowered;
	s5 =	simm.s32 $_tile_overlayer_lowered  }
0x9b: {  	s22 =	simm.s32 $0x1BFF;
	s21 =	sshll.u32 s5, $0x1;
	s2 =	sadd.s32 s19, s18  }
0x9c: {  	s6 =	simm.s32 $0x0;
	s20 =	sshll.u32 s4, $0x1;
	s4 =	sadd.s32 s21, s2  }
0x9d: {  	[timem:s6], [sflag:s22] =	dma.local [hbm:s4], s20  }
0x9e: {  	_ =	swait.ge [sflag:s22], s20  }
0x9f: {  	s3 =	ssub.s32 $0x0, s20;
	[sflag:s22] =	ssyncset.done $0x0  }
0xa0: {  	[sflag:s22] =	ssyncadd.s32 s3;
	_ =	sdelay $0x1  }
0xa1: {  	s23 =	simm.s32 $0x1B8B  }
0xa2: {  	_ =	swait.ge [sflag:s23], $0x1  }
0xa3: {  	[sflag:s23] =	ssyncset.done $0x0  }
0xa4: {  	s25 =	simm.s32 $0x1B8E;
	s24 =	sld [smem:$0x3FFE];
	[sflag:s23] =	ssyncadd.s32 $0xFFFFFFFF  }
0xa5: {  	s26 =	simm.s32 $execute0_lowered;
	[smem:$0x3FD2] =	sst s25  }
0xa6: {  	s4 =	sshll.u32 s26, $0x1;
	_ =	strace $0x8000004C;
	[dreg:$0x1] =	wrdreg $0xFFFFFFFF  }
0xa7: {  	s28 =	simm.s32 $_size_execute0_lowered;
	s2 =	sadd.s32 s2, s4;
	[dreg:$0x0] =	wrdreg $0x0  }
0xa8: {  	s4 =	sshll.u32 s28, $0x1;
	[dreg:$0x2] =	wrdreg s2  }
0xa9: {  	[dreg:$0x3] =	wrdreg s4  }
0xaa: {  	[dreg:$0x4] =	wrdreg $0xC0  }
0xab: {  	_ =	task [dreg:s6], $0x5FFFF  }
0xac: {  	[dreg:$0x1] =	wrdreg $0xFFFFFFFF  }
0xad: {  	[dreg:$0x0] =	wrdreg $0x60  }
0xae: {  	[dreg:$0x2] =	wrdreg s24  }
0xaf: {  	[dreg:$0x3] =	wrdreg $0xA8000  }
0xb0: {  	[dreg:$0x4] =	wrdreg $0x9  }
0xb1: {  	_ =	task.clear_ibuf [dreg:s6], $0x5FFFF;
	_ =	strace $0x9000004C  }
0xb2: {  	s29 =	simm.s32 $0x9;
	_ =	strace $0x8000004E  }
0xb3: {  	_ =	swait.ge [sflag:s29], $0x1  }
0xb4: {  	[sflag:s29] =	ssyncadd.s32 $0xFFFFFFFF  }
0xb5: {  	_ =	strace $0x9000004E  }
0xb6: {  	_ =	sfence  }
0xb7: {  	s30 =	sld [smem:$0x0];
	_ =	sdelay $0x2  }
0xb8: {  	s31 =	sshll.u32 s1, $0xD;
	s1 =	sshrl.u32 s1, $0x2  }
0xb9: {  	s3 =	sand.u32 $0x4000, s31;
	s1 =	sadd.s32 s1, s30  }
0xba: {  	s0 =	sor.u32 s3, s0;
	s1 =	sshll.u32 s1, $0x11  }
0xbb: {  	s0 =	sor.u32 s1, s0  }
0xbc: {  	s0 =	sadd.s32 $0x8F2B, s0  }
0xbd: {  	[sflag:s0] =	ssyncadd.remote.s32 $0x1  }
0xbe: {  	_ =	sfence.sel $0xFFFF  }
0xbf: {  	[dreg:$0x0] =	wrdreg $0xFFFFFFFF;
	(pc) =	sbr.abs _section_cstart, $3  }
0xc0: {  	[dreg:$0x1] =	wrdreg $0xFFFFFFFF  }
0xc1: {  	_ =	task.clear_ibuf [dreg:s6], $0x2FFFF;
	_ =	strace $0x9FFFFFFF  }
0xc2: {  	(tm) =	ssettm $0x7FFFFFFF  }
0xc3: {  	_ =	shalt  }
tec
execute0_lowered:
.L_overlay_start_1:
0x0: {  	(tag) =	ssettag $0x1  }
0x1: {  	s5 =	rddreg [dreg:$0x0]  }
0x2: {  	s1 =	rddreg [dreg:$0x1];
	s2 =	simm.s32 $0x0;
	s6 =	srdreg.scid  }
0x3: {  	s3 =	stileid.u32;
	s22 =	simm.s32 $0x1400;
	s28 =	simm.s32 $0x2700  }
0x4: {  	s29 =	simm.s32 $0x2780;
	[smem:$0x7FF] =	sst s2;
	s4 =	sadd.s32 $0x5C800, s5  }
0x5: {  	s12 =	sadd.s32 $0x57800, s5;
	s6 =	sand.u32 $0x1, s6;
	s14 =	smul.u32 $0x280, s3  }
0x6: {  	s13 =	sadd.s32 $0x2800, s5;
	s18 =	sadd.s32 $0xAC800, s5;
	s8 =	smul.u32 $0x50000, s3  }
0x7: {  	s10 =	smul.u32 $0x2800, s3;
	_ =	strace $0x8000004D;
	s7 =	ssub.s32 $0x2, s6  }
0x8: {  	s26 =	smul.u32 $0x2800, s6;
	s23 =	sshrl.u32 s7, $0x1;
	s15 =	sadd.s32 $0x80, s14  }
0x9: {  	s24 =	sshrl.u32 s8, $0x2;
	s16 =	sadd.s32 $0x100, s14;
	s17 =	sadd.s32 $0x180, s14  }
0xa: {  	s20 =	sadd.s32 $0x200, s14;
	s21 =	sshrl.u32 s10, $0x3;
	s19 =	ssub.s32 s7, s23  }
0xb: {  	s25 =	sshll.u32 s15, $0x7;
	s5 =	sadd.s32 s24, s1;
	s30 =	sshll.u32 s16, $0x7  }
0xc: {  	s31 =	sshll.u32 s17, $0x7;
	s9 =	sshll.u32 s20, $0x7;
	s10 =	sadd.s32 s12, s21  }
0xd: {  	s11 =	sadd.s32 s13, s21;
	s21 =	sadd.s32 $0x280, s21;
	s14 =	sadd.s32 s14, s26  }
0xe: {  	s15 =	sadd.s32 s26, s15;
	s16 =	sadd.s32 s26, s16;
	s17 =	sadd.s32 s26, s17  }
0xf: {  	s20 =	sadd.s32 s26, s20;
	s23 =	simm.s32 $0x80;
	s24 =	simm.s32 $0x6800  }
0x10: {  	v0 =	vmov s26;
	s26 =	simm.s32 $0x2;
	s6 =	sadd.s32 s25, s1;
	s7 =	sadd.s32 s30, s1  }
0x11: {  	s8 =	sadd.s32 s31, s1;
	s9 =	sadd.s32 s9, s1;
	s12 =	sadd.s32 s12, s21  }
0x12: {  	s13 =	sadd.s32 s13, s21;
	s14 =	sshll.u32 s14, $0x4;
	s15 =	sshll.u32 s15, $0x4  }
0x13: {  	s16 =	sshll.u32 s16, $0x4;
	s17 =	sshll.u32 s17, $0x4;
	s20 =	sshll.u32 s20, $0x4  }
0x14: {  	s19 =	smax.u32 s19, $0x1;
	s21 =	simm.s32 $0x3;
	s25 =	simm.s32 $0x1  }
0x15: {  	s14 =	sadd.s32 s18, s14;
	s15 =	sadd.s32 s18, s15;
	s16 =	sadd.s32 s18, s16  }
0x16: {  	v1 =	vimm.f32 $0.0e+00;
	s17 =	sadd.s32 s18, s17;
	s18 =	sadd.s32 s18, s20;
	s20 =	simm.s32 $0x2800  }
.LBB2_1:
0x17: {  	s30 =	simm.s32 $0x0;
	s31 =	simm.s32 $0x200  }
.LBB2_2:
0x18: {  	p0 =	sne.s32 s31, $0xFE00;
	[tilespmem:s30+$0x2870] =	vst v1  }
0x19: {  	[tilespmem:s30+$0x2800] =	vst v1  }
0x1a: {  	[tilespmem:s30+$0x2810] =	vst v1  }
.Ltmp0:
0x1b: {  	[tilespmem:s30+$0x2820] =	vst v1;
	(pc) =	sbr.rel @p0 .LBB2_2-.Ltmp0, $4  }
0x1c: {  	[tilespmem:s30+$0x2830] =	vst v1  }
0x1d: {  	[tilespmem:s30+$0x2840] =	vst v1  }
0x1e: {  	[tilespmem:s30+$0x2850] =	vst v1  }
0x1f: {  	[tilespmem:s30+$0x2860] =	vst v1;
	s30 =	sshra.s32 s31, $0x2;
	s31 =	sadd.s32 $0x200, s31  }
0x20: {  	[tilespmem:s30+$0x2870] =	vst v1  }
0x21: {  	[tilespmem:s30+$0x2800] =	vst v1  }
0x22: {  	[tilespmem:s30+$0x2810] =	vst v1  }
0x23: {  	[tilespmem:s30+$0x2820] =	vst v1  }
0x24: {  	[tilespmem:s30+$0x2830] =	vst v1  }
0x25: {  	[tilespmem:s30+$0x2840] =	vst v1  }
0x26: {  	[tilespmem:s30+$0x2850] =	vst v1  }
0x27: {  	[tilespmem:s30+$0x2860] =	vst v1  }
0x28: {  	[spmem:s5] =	stream.linear.scatter [tilespmem:s20], [sflag:$0x3], $0x4000, $0x38;
	[tilespmem:$0x1E800] =	vst v63  }
0x29: {  	_ =	swait.ge [sflag:s21], $0x4000  }
0x2a: {  	[sflag:s21] =	ssyncset.done $0x0  }
0x2b: {  	[sflag:s21] =	ssyncadd.s32 $0xFFFFC000  }
0x2c: {  	[spmem:s6] =	stream.linear.scatter [tilespmem:s20], [sflag:$0x3], $0x4000, $0x38;
	[tilespmem:$0x1E800] =	vst v63  }
0x2d: {  	_ =	swait.ge [sflag:s21], $0x4000  }
0x2e: {  	[sflag:s21] =	ssyncset.done $0x0  }
0x2f: {  	[sflag:s21] =	ssyncadd.s32 $0xFFFFC000  }
0x30: {  	[spmem:s7] =	stream.linear.scatter [tilespmem:s20], [sflag:$0x3], $0x4000, $0x38;
	[tilespmem:$0x1E800] =	vst v63  }
0x31: {  	_ =	swait.ge [sflag:s21], $0x4000  }
0x32: {  	[sflag:s21] =	ssyncset.done $0x0  }
0x33: {  	[sflag:s21] =	ssyncadd.s32 $0xFFFFC000  }
0x34: {  	[spmem:s8] =	stream.linear.scatter [tilespmem:s20], [sflag:$0x3], $0x4000, $0x38;
	[tilespmem:$0x1E800] =	vst v63  }
0x35: {  	_ =	swait.ge [sflag:s21], $0x4000  }
0x36: {  	[sflag:s21] =	ssyncset.done $0x0  }
0x37: {  	[sflag:s21] =	ssyncadd.s32 $0xFFFFC000  }
0x38: {  	[spmem:s9] =	stream.linear.scatter [tilespmem:s20], [sflag:$0x3], $0x4000, $0x38;
	[tilespmem:$0x1E800] =	vst v63  }
0x39: {  	_ =	swait.ge [sflag:s21], $0x4000  }
0x3a: {  	[sflag:s21] =	ssyncset.done $0x0  }
0x3b: {  	[sflag:s21] =	ssyncadd.s32 $0xFFFFC000  }
0x3c: {  	s30 =	simm.s32 $0x0;
	[bflag:$0x0] =	sbarrier.arrive $0xFFFF  }
0x3d: {  	[tilespmem:s30], [sflag:$0x3] =	stream.linear.gather [hbm4b:s10+s30], $0x1400, $0x38;
	[tilespmem:$0x1E800] =	vst v63  }
0x3e: {  	_ =	swait.ge [sflag:s21], $0x1400  }
0x3f: {  	[sflag:s21] =	ssyncset.done $0x0  }
0x40: {  	[sflag:s21] =	ssyncadd.s32 $0xFFFFEC00  }
0x41: {  	[tilespmem:s22], [sflag:$0x3] =	stream.linear.gather [hbm4b:s11+s30], $0x1400, $0x38;
	[tilespmem:$0x1E800] =	vst v63  }
0x42: {  	_ =	swait.ge [sflag:s21], $0x1400  }
0x43: {  	[sflag:s21] =	ssyncset.done $0x0  }
0x44: {  	s30 =	simm.s32 $0x0;
	[sflag:s21] =	ssyncadd.s32 $0xFFFFEC00  }
0x45: {  	v4 =	vld [tilespmem:s30+$0x0]  }
0x46: {  	v6 =	vld [tilespmem:s30+$0x10]  }
0x47: {  	v5 =	vld [tilespmem:s30+$0x20]  }
0x48: {  	v3 =	vld [tilespmem:s30+$0x30]  }
0x49: {  	v2 =	vld [tilespmem:s30+$0x40]  }
0x4a: {  	v7 =	vadd.s32 v0, v4;
	v4 =	vld [tilespmem:s30+$0x50]  }
0x4b: {  	s31 =	simm.s32 $0x200;
	[tilespmem:s30+$0x0] =	vst v7;
	v7 =	vadd.s32 v0, v6;
	v6 =	vld [tilespmem:s30+$0x60]  }
.LBB2_4:
0x4c: {  	s0 =	sshra.s32 s31, $0x2;
	p0 =	sne.s32 s31, $0x4E00;
	[tilespmem:s30+$0x10] =	vst v7;
	v5 =	vadd.s32 v0, v5;
	v7 =	vld [tilespmem:s30+$0x70]  }
0x4d: {  	v8 =	vld [tilespmem:s0+$0x0];
	[tilespmem:s30+$0x20] =	vst v5;
	v3 =	vadd.s32 v0, v3  }
0x4e: {  	v9 =	vld [tilespmem:s0+$0x10];
	[tilespmem:s30+$0x30] =	vst v3;
	v2 =	vadd.s32 v0, v2  }
.Ltmp1:
0x4f: {  	v5 =	vld [tilespmem:s0+$0x20];
	[tilespmem:s30+$0x40] =	vst v2;
	v2 =	vadd.s32 v0, v4;
	(pc) =	sbr.rel @p0 .LBB2_4-.Ltmp1, $4  }
0x50: {  	v3 =	vld [tilespmem:s0+$0x30];
	[tilespmem:s30+$0x50] =	vst v2;
	v4 =	vadd.s32 v0, v6  }
0x51: {  	v2 =	vld [tilespmem:s0+$0x40];
	[tilespmem:s30+$0x60] =	vst v4;
	v6 =	vadd.s32 v0, v7  }
0x52: {  	v7 =	vadd.s32 v0, v8;
	v4 =	vld [tilespmem:s0+$0x50];
	[tilespmem:s30+$0x70] =	vst v6;
	s30 =	smov.u32 s0  }
0x53: {  	s31 =	sadd.s32 $0x200, s31;
	[tilespmem:s30+$0x0] =	vst v7;
	v7 =	vadd.s32 v0, v9;
	v6 =	vld [tilespmem:s30+$0x60]  }
0x54: {  	[tilespmem:s30+$0x10] =	vst v7;
	v5 =	vadd.s32 v0, v5;
	v63 =	vld [tilespmem:s30+$0x70]  }
0x55: {  	[tilespmem:s30+$0x20] =	vst v5;
	v3 =	vadd.s32 v0, v3  }
0x56: {  	[tilespmem:s30+$0x30] =	vst v3;
	v2 =	vadd.s32 v0, v2  }
0x57: {  	[tilespmem:s30+$0x40] =	vst v2;
	v2 =	vadd.s32 v0, v4  }
0x58: {  	[tilespmem:s30+$0x50] =	vst v2;
	v2 =	vadd.s32 v0, v6  }
0x59: {  	[tilespmem:s30+$0x60] =	vst v2;
	v2 =	vadd.s32 v0, v63  }
0x5a: {  	s0 =	simm.s32 $0x0;
	[tilespmem:s30+$0x70] =	vst v2  }
0x5b: {  	[tilespmem:s20], [sflag:$0x1] =	stream.indirect.gather [hbm4b:s4+s23], $0x80, s0, s23, $0xb8;
	[tilespmem:$0x1E800] =	vst v63  }
0x5c: {  	_ = 	snop  }
0x5d: {  	[tilespmem:s24], [sflag:$0x2] =	stream.indirect.gather [hbm4b:s4+s23], $0x80, s23, s23, $0xb8;
	[tilespmem:$0x1E800] =	vst v63  }
0x5e: {  	_ =	swait.ge [sflag:s25], $0x4000  }
0x5f: {  	[sflag:s25] =	ssyncset.done $0x0  }
0x60: {  	s0 =	simm.s32 $0x1400;
	[sflag:s25] =	ssyncadd.s32 $0xFFFFC000  }
0x61: {  	[spmem:s1] =	stream.indirect.scatter.add.f32 [tilespmem:s20], [sflag:$0x3], $0x80, s0, s23, $0xb8;
	[tilespmem:$0x1E800] =	vst v63  }
0x62: {  	_ =	swait.ge [sflag:s21], $0x4000  }
0x63: {  	[sflag:s21] =	ssyncset.done $0x0  }
0x64: {  	s0 =	simm.s32 $0x100;
	[sflag:s21] =	ssyncadd.s32 $0xFFFFC000  }
0x65: {  	[tilespmem:s20], [sflag:$0x1] =	stream.indirect.gather [hbm4b:s4+s23], $0x80, s0, s23, $0xb8;
	[tilespmem:$0x1E800] =	vst v63  }
0x66: {  	_ =	swait.ge [sflag:s26], $0x4000  }
0x67: {  	[sflag:s26] =	ssyncset.done $0x0  }
0x68: {  	s0 =	simm.s32 $0x1480;
	[sflag:s26] =	ssyncadd.s32 $0xFFFFC000  }
0x69: {  	[spmem:s1] =	stream.indirect.scatter.add.f32 [tilespmem:s24], [sflag:$0x3], $0x80, s0, s23, $0xb8;
	[tilespmem:$0x1E800] =	vst v63  }
0x6a: {  	_ =	swait.ge [sflag:s21], $0x4000  }
0x6b: {  	[sflag:s21] =	ssyncset.done $0x0  }
0x6c: {  	s31 =	simm.s32 $0x180;
	s30 =	simm.s32 $0x400;
	[sflag:s21] =	ssyncadd.s32 $0xFFFFC000  }
.LBB2_6:
0x6d: {  	[tilespmem:s24], [sflag:$0x2] =	stream.indirect.gather [hbm4b:s4+s23], $0x80, s31, s23, $0xb8;
	[tilespmem:$0x1E800] =	vst v63  }
0x6e: {  	s0 =	smov.u32 s30  }
0x6f: {  	p0 =	sne.s32 s30, $0x4800;
	s30 =	sadd.s32 $0x400, s30;
	_ =	swait.ge [sflag:s25], $0x4000  }
0x70: {  	s0 =	sshra.s32 s0, $0x2;
	[sflag:s25] =	ssyncset.done $0x0  }
0x71: {  	s31 =	sadd.s32 $0x1400, s0;
	[sflag:s25] =	ssyncadd.s32 $0xFFFFC000  }
0x72: {  	[spmem:s1] =	stream.indirect.scatter.add.f32 [tilespmem:s20], [sflag:$0x3], $0x80, s31, s23, $0xb8;
	[tilespmem:$0x1E800] =	vst v63  }
0x73: {  	_ =	swait.ge [sflag:s21], $0x4000  }
0x74: {  	[sflag:s21] =	ssyncset.done $0x0  }
0x75: {  	s31 =	sadd.s32 $0x100, s0;
	[sflag:s21] =	ssyncadd.s32 $0xFFFFC000  }
0x76: {  	[tilespmem:s20], [sflag:$0x1] =	stream.indirect.gather [hbm4b:s4+s23], $0x80, s31, s23, $0xb8;
	[tilespmem:$0x1E800] =	vst v63  }
0x77: {  	_ =	swait.ge [sflag:s26], $0x4000  }
0x78: {  	[sflag:s26] =	ssyncset.done $0x0  }
.Ltmp2:
0x79: {  	s31 =	sadd.s32 $0x1480, s0;
	[sflag:s26] =	ssyncadd.s32 $0xFFFFC000;
	(pc) =	sbr.rel @p0 .LBB2_6-.Ltmp2, $4  }
0x7a: {  	[spmem:s1] =	stream.indirect.scatter.add.f32 [tilespmem:s24], [sflag:$0x3], $0x80, s31, s23, $0xb8;
	[tilespmem:$0x1E800] =	vst v63  }
0x7b: {  	_ =	swait.ge [sflag:s21], $0x4000  }
0x7c: {  	[sflag:s21] =	ssyncset.done $0x0  }
0x7d: {  	s31 =	sadd.s32 $0x180, s0;
	[sflag:s21] =	ssyncadd.s32 $0xFFFFC000  }
0x7e: {  	[tilespmem:s24], [sflag:$0x2] =	stream.indirect.gather [hbm4b:s4+s23], $0x80, s31, s23, $0xb8;
	[tilespmem:$0x1E800] =	vst v63  }
0x7f: {  	_ =	swait.ge [sflag:s25], $0x4000  }
0x80: {  	[sflag:s25] =	ssyncset.done $0x0  }
0x81: {  	[sflag:s25] =	ssyncadd.s32 $0xFFFFC000  }
0x82: {  	[spmem:s1] =	stream.indirect.scatter.add.f32 [tilespmem:s20], [sflag:$0x3], $0x80, s28, s23, $0xb8;
	[tilespmem:$0x1E800] =	vst v63  }
0x83: {  	_ =	swait.ge [sflag:s21], $0x4000  }
0x84: {  	[sflag:s21] =	ssyncset.done $0x0  }
0x85: {  	[sflag:s21] =	ssyncadd.s32 $0xFFFFC000  }
0x86: {  	_ =	swait.ge [sflag:s26], $0x4000  }
0x87: {  	[sflag:s26] =	ssyncset.done $0x0  }
0x88: {  	[sflag:s26] =	ssyncadd.s32 $0xFFFFC000  }
0x89: {  	[spmem:s1] =	stream.indirect.scatter.add.f32 [tilespmem:s24], [sflag:$0x3], $0x80, s29, s23, $0xb8;
	[tilespmem:$0x1E800] =	vst v63  }
0x8a: {  	_ =	swait.ge [sflag:s21], $0x4000  }
0x8b: {  	[sflag:s21] =	ssyncset.done $0x0  }
0x8c: {  	s0 =	simm.s32 $0x0;
	[sflag:s21] =	ssyncadd.s32 $0xFFFFC000  }
0x8d: {  	[tilespmem:s0], [sflag:$0x3] =	stream.linear.gather [hbm4b:s12+s0], $0x1400, $0x38;
	[tilespmem:$0x1E800] =	vst v63  }
0x8e: {  	_ =	swait.ge [sflag:s21], $0x1400  }
0x8f: {  	[sflag:s21] =	ssyncset.done $0x0  }
0x90: {  	[sflag:s21] =	ssyncadd.s32 $0xFFFFEC00  }
0x91: {  	[tilespmem:s22], [sflag:$0x3] =	stream.linear.gather [hbm4b:s13+s0], $0x1400, $0x38;
	[tilespmem:$0x1E800] =	vst v63  }
0x92: {  	_ =	swait.ge [sflag:s21], $0x1400  }
0x93: {  	[sflag:s21] =	ssyncset.done $0x0  }
0x94: {  	s30 =	simm.s32 $0x0;
	[sflag:s21] =	ssyncadd.s32 $0xFFFFEC00  }
0x95: {  	v4 =	vld [tilespmem:s30+$0x0]  }
0x96: {  	v6 =	vld [tilespmem:s30+$0x10]  }
0x97: {  	v5 =	vld [tilespmem:s30+$0x20]  }
0x98: {  	v3 =	vld [tilespmem:s30+$0x30]  }
0x99: {  	v2 =	vld [tilespmem:s30+$0x40]  }
0x9a: {  	v7 =	vadd.s32 v0, v4;
	v4 =	vld [tilespmem:s30+$0x50]  }
0x9b: {  	s31 =	simm.s32 $0x200;
	[tilespmem:s30+$0x0] =	vst v7;
	v7 =	vadd.s32 v0, v6;
	v6 =	vld [tilespmem:s30+$0x60]  }
.LBB2_8:
0x9c: {  	s0 =	sshra.s32 s31, $0x2;
	p0 =	sne.s32 s31, $0x4E00;
	[tilespmem:s30+$0x10] =	vst v7;
	v5 =	vadd.s32 v0, v5;
	v7 =	vld [tilespmem:s30+$0x70]  }
0x9d: {  	v8 =	vld [tilespmem:s0+$0x0];
	[tilespmem:s30+$0x20] =	vst v5;
	v3 =	vadd.s32 v0, v3  }
0x9e: {  	v9 =	vld [tilespmem:s0+$0x10];
	[tilespmem:s30+$0x30] =	vst v3;
	v2 =	vadd.s32 v0, v2  }
.Ltmp3:
0x9f: {  	v5 =	vld [tilespmem:s0+$0x20];
	[tilespmem:s30+$0x40] =	vst v2;
	v2 =	vadd.s32 v0, v4;
	(pc) =	sbr.rel @p0 .LBB2_8-.Ltmp3, $4  }
0xa0: {  	v3 =	vld [tilespmem:s0+$0x30];
	[tilespmem:s30+$0x50] =	vst v2;
	v4 =	vadd.s32 v0, v6  }
0xa1: {  	v2 =	vld [tilespmem:s0+$0x40];
	[tilespmem:s30+$0x60] =	vst v4;
	v6 =	vadd.s32 v0, v7  }
0xa2: {  	v7 =	vadd.s32 v0, v8;
	v4 =	vld [tilespmem:s0+$0x50];
	[tilespmem:s30+$0x70] =	vst v6;
	s30 =	smov.u32 s0  }
0xa3: {  	s31 =	sadd.s32 $0x200, s31;
	[tilespmem:s30+$0x0] =	vst v7;
	v7 =	vadd.s32 v0, v9;
	v6 =	vld [tilespmem:s30+$0x60]  }
0xa4: {  	[tilespmem:s30+$0x10] =	vst v7;
	v5 =	vadd.s32 v0, v5;
	v63 =	vld [tilespmem:s30+$0x70]  }
0xa5: {  	[tilespmem:s30+$0x20] =	vst v5;
	v3 =	vadd.s32 v0, v3  }
0xa6: {  	[tilespmem:s30+$0x30] =	vst v3;
	v2 =	vadd.s32 v0, v2  }
0xa7: {  	[tilespmem:s30+$0x40] =	vst v2;
	v2 =	vadd.s32 v0, v4  }
0xa8: {  	[tilespmem:s30+$0x50] =	vst v2;
	v2 =	vadd.s32 v0, v6  }
0xa9: {  	[tilespmem:s30+$0x60] =	vst v2;
	v2 =	vadd.s32 v0, v63  }
0xaa: {  	s0 =	simm.s32 $0x0;
	[tilespmem:s30+$0x70] =	vst v2  }
0xab: {  	[tilespmem:s20], [sflag:$0x1] =	stream.indirect.gather [hbm4b:s4+s23], $0x80, s0, s23, $0xb8;
	[tilespmem:$0x1E800] =	vst v63  }
0xac: {  	_ = 	snop  }
0xad: {  	[tilespmem:s24], [sflag:$0x2] =	stream.indirect.gather [hbm4b:s4+s23], $0x80, s23, s23, $0xb8;
	[tilespmem:$0x1E800] =	vst v63  }
0xae: {  	_ =	swait.ge [sflag:s25], $0x4000  }
0xaf: {  	[sflag:s25] =	ssyncset.done $0x0  }
0xb0: {  	s0 =	simm.s32 $0x1400;
	[sflag:s25] =	ssyncadd.s32 $0xFFFFC000  }
0xb1: {  	[spmem:s1] =	stream.indirect.scatter.add.f32 [tilespmem:s20], [sflag:$0x3], $0x80, s0, s23, $0xb8;
	[tilespmem:$0x1E800] =	vst v63  }
0xb2: {  	_ =	swait.ge [sflag:s21], $0x4000  }
0xb3: {  	[sflag:s21] =	ssyncset.done $0x0  }
0xb4: {  	s0 =	simm.s32 $0x100;
	[sflag:s21] =	ssyncadd.s32 $0xFFFFC000  }
0xb5: {  	[tilespmem:s20], [sflag:$0x1] =	stream.indirect.gather [hbm4b:s4+s23], $0x80, s0, s23, $0xb8;
	[tilespmem:$0x1E800] =	vst v63  }
0xb6: {  	_ =	swait.ge [sflag:s26], $0x4000  }
0xb7: {  	[sflag:s26] =	ssyncset.done $0x0  }
0xb8: {  	s0 =	simm.s32 $0x1480;
	[sflag:s26] =	ssyncadd.s32 $0xFFFFC000  }
0xb9: {  	[spmem:s1] =	stream.indirect.scatter.add.f32 [tilespmem:s24], [sflag:$0x3], $0x80, s0, s23, $0xb8;
	[tilespmem:$0x1E800] =	vst v63  }
0xba: {  	_ =	swait.ge [sflag:s21], $0x4000  }
0xbb: {  	[sflag:s21] =	ssyncset.done $0x0  }
0xbc: {  	s31 =	simm.s32 $0x180;
	s30 =	simm.s32 $0x400;
	[sflag:s21] =	ssyncadd.s32 $0xFFFFC000  }
.LBB2_10:
0xbd: {  	[tilespmem:s24], [sflag:$0x2] =	stream.indirect.gather [hbm4b:s4+s23], $0x80, s31, s23, $0xb8;
	[tilespmem:$0x1E800] =	vst v63  }
0xbe: {  	s0 =	smov.u32 s30  }
0xbf: {  	p0 =	sne.s32 s30, $0x4800;
	s30 =	sadd.s32 $0x400, s30;
	_ =	swait.ge [sflag:s25], $0x4000  }
0xc0: {  	s0 =	sshra.s32 s0, $0x2;
	[sflag:s25] =	ssyncset.done $0x0  }
0xc1: {  	s31 =	sadd.s32 $0x1400, s0;
	[sflag:s25] =	ssyncadd.s32 $0xFFFFC000  }
0xc2: {  	[spmem:s1] =	stream.indirect.scatter.add.f32 [tilespmem:s20], [sflag:$0x3], $0x80, s31, s23, $0xb8;
	[tilespmem:$0x1E800] =	vst v63  }
0xc3: {  	_ =	swait.ge [sflag:s21], $0x4000  }
0xc4: {  	[sflag:s21] =	ssyncset.done $0x0  }
0xc5: {  	s31 =	sadd.s32 $0x100, s0;
	[sflag:s21] =	ssyncadd.s32 $0xFFFFC000  }
0xc6: {  	[tilespmem:s20], [sflag:$0x1] =	stream.indirect.gather [hbm4b:s4+s23], $0x80, s31, s23, $0xb8;
	[tilespmem:$0x1E800] =	vst v63  }
0xc7: {  	_ =	swait.ge [sflag:s26], $0x4000  }
0xc8: {  	[sflag:s26] =	ssyncset.done $0x0  }
.Ltmp4:
0xc9: {  	s31 =	sadd.s32 $0x1480, s0;
	[sflag:s26] =	ssyncadd.s32 $0xFFFFC000;
	(pc) =	sbr.rel @p0 .LBB2_10-.Ltmp4, $4  }
0xca: {  	[spmem:s1] =	stream.indirect.scatter.add.f32 [tilespmem:s24], [sflag:$0x3], $0x80, s31, s23, $0xb8;
	[tilespmem:$0x1E800] =	vst v63  }
0xcb: {  	_ =	swait.ge [sflag:s21], $0x4000  }
0xcc: {  	[sflag:s21] =	ssyncset.done $0x0  }
0xcd: {  	s31 =	sadd.s32 $0x180, s0;
	[sflag:s21] =	ssyncadd.s32 $0xFFFFC000  }
0xce: {  	[tilespmem:s24], [sflag:$0x2] =	stream.indirect.gather [hbm4b:s4+s23], $0x80, s31, s23, $0xb8;
	[tilespmem:$0x1E800] =	vst v63  }
0xcf: {  	_ =	swait.ge [sflag:s25], $0x4000  }
0xd0: {  	[sflag:s25] =	ssyncset.done $0x0  }
0xd1: {  	[sflag:s25] =	ssyncadd.s32 $0xFFFFC000  }
0xd2: {  	[spmem:s1] =	stream.indirect.scatter.add.f32 [tilespmem:s20], [sflag:$0x3], $0x80, s28, s23, $0xb8;
	[tilespmem:$0x1E800] =	vst v63  }
0xd3: {  	_ =	swait.ge [sflag:s21], $0x4000  }
0xd4: {  	[sflag:s21] =	ssyncset.done $0x0  }
0xd5: {  	[sflag:s21] =	ssyncadd.s32 $0xFFFFC000  }
0xd6: {  	_ =	swait.ge [sflag:s26], $0x4000  }
0xd7: {  	[sflag:s26] =	ssyncset.done $0x0  }
0xd8: {  	[sflag:s26] =	ssyncadd.s32 $0xFFFFC000  }
0xd9: {  	[spmem:s1] =	stream.indirect.scatter.add.f32 [tilespmem:s24], [sflag:$0x3], $0x80, s29, s23, $0xb8;
	[tilespmem:$0x1E800] =	vst v63  }
0xda: {  	_ =	swait.ge [sflag:s21], $0x4000  }
0xdb: {  	[sflag:s21] =	ssyncset.done $0x0  }
0xdc: {  	s0 =	sshll.u32 s3, $0x6;
	[sflag:s21] =	ssyncadd.s32 $0xFFFFC000  }
0xdd: {  	s30 =	sshrl.u32 s5, $0x3;
	s0 =	sor.u32 $0x1C03, s0;
	[bflag:$0x0] =	sbarrier.arrive $0xFFFF  }
0xde: {  	[hbm:s14], [sflag:s0] =	dma.local [spmem:s30], $0x800  }
0xdf: {  	_ =	swait.ge [sflag:s21], $0x800  }
0xe0: {  	[sflag:s21] =	ssyncset.done $0x0  }
0xe1: {  	s31 =	sshrl.u32 s6, $0x3;
	[sflag:s21] =	ssyncadd.s32 $0xFFFFF800  }
0xe2: {  	[hbm:s15], [sflag:s0] =	dma.local [spmem:s31], $0x800  }
0xe3: {  	_ =	swait.ge [sflag:s21], $0x800  }
0xe4: {  	[sflag:s21] =	ssyncset.done $0x0  }
0xe5: {  	s31 =	sshrl.u32 s7, $0x3;
	[sflag:s21] =	ssyncadd.s32 $0xFFFFF800  }
0xe6: {  	[hbm:s16], [sflag:s0] =	dma.local [spmem:s31], $0x800  }
0xe7: {  	_ =	swait.ge [sflag:s21], $0x800  }
0xe8: {  	[sflag:s21] =	ssyncset.done $0x0  }
0xe9: {  	s31 =	sshrl.u32 s8, $0x3;
	[sflag:s21] =	ssyncadd.s32 $0xFFFFF800  }
0xea: {  	[hbm:s17], [sflag:s0] =	dma.local [spmem:s31], $0x800  }
0xeb: {  	s2 =	sadd.s32 $0x1, s2;
	_ =	swait.ge [sflag:s21], $0x800  }
0xec: {  	p0 =	sne.s32 s2, s19;
	[sflag:s21] =	ssyncset.done $0x0  }
.Ltmp5:
0xed: {  	s31 =	sshrl.u32 s9, $0x3;
	[sflag:s21] =	ssyncadd.s32 $0xFFFFF800;
	(pc) =	sbr.rel @p0 .LBB2_1-.Ltmp5, $4  }
0xee: {  	[hbm:s18], [sflag:s0] =	dma.local [spmem:s31], $0x800  }
0xef: {  	_ =	swait.ge [sflag:s21], $0x800  }
0xf0: {  	[sflag:s21] =	ssyncset.done $0x0  }
0xf1: {  	[sflag:s21] =	ssyncadd.s32 $0xFFFFF800  }
0xf2: {  	_ =	sfence.sel $0x180000  }
0xf3: {  	[bflag:$0x0] =	sbarrier.arrive $0xFFFF  }
0xf4: {  	_ =	strace $0x9000004D  }
0xf5: {  	[bflag:$0x2] =	sbarrier.arrive $0xFFFF  }
0xf6: {  	p0 =	sne.s32 s3, $0x0;
	s0 =	rddreg [dreg:$0x2]  }
0xf7: {  	s0 =	sadd.s32 @!p0 $0x100000, s0  }
0xf8: {  	[sflag:s0] =	ssyncadd.tile.s32 @!p0 $0x1;
	_ =	shalt  }
.Lfunc_end2:
_tile_overlayer_lowered:
.L_overlay_start_2:
0xf9: {  	(tag) =	ssettag $0x2  }
0xfa: {  	s0 =	rddreg [dreg:$0x0];
	s2 =	stileid.u32  }
0xfb: {  	s1 =	rddreg [dreg:$0x1];
	p0 =	sne.s32 s2, $0x0  }
0xfc: {  	s3 =	rddreg [dreg:$0x2];
	[bflag:$0x3] =	sbarrier.arrive $0xFFFF;
	s2 =	simm.s32 @!p0 $0x1C03  }
0xfd: {  	[timem:s3], [sflag:s2] =	dma.local @!p0 [hbm:s0], s1  }
0xfe: {  	s0 =	simm.s32 @!p0 $0x3  }
0xff: {  	_ =	swait.ge @!p0 [sflag:s0], s1  }
0x100: {  	s1 =	ssub.s32 @!p0 $0x0, s1;
	[sflag:s0] =	ssyncset.done @!p0 $0x0  }
0x101: {  	[sflag:s0] =	ssyncadd.s32 @!p0 s1  }
0x102: {  	[bflag:$0x3] =	sbarrier.arrive $0xFFFF  }
0x103: {  	_ =	shalt  }

// kernel: kernel.8.cloned.1.call-start
scs
__scs_entry_jumppad:
0x0: {  	(pc) =	sbr.rel $0x88, $3  }
0x1: {  	(tag) =	ssettag $0x0;
	lr =	simm.s32 $0x1  }
0x2: {  	[smem:$0x3F98] =	sst lr;
	_ =	strace $0xD0000000  }
0x3: {  	_ = 	snop  }
0x4: {  	_ = 	snop  }
0x5: {  	_ = 	snop  }
0x6: {  	_ = 	snop  }
0x7: {  	_ = 	snop  }
__scs_overlays_trampoline_lowered:
0x8: {  	[smem:$0x3FA7] =	sst s0  }
0x9: {  	[smem:$0x3FA8] =	sst s1  }
0xa: {  	[smem:$0x3FA9] =	sst s2  }
0xb: {  	[smem:$0x3FAA] =	sst s3  }
0xc: {  	[smem:$0x3FAB] =	sst s4  }
0xd: {  	[smem:$0x3FAC] =	sst s5  }
0xe: {  	[smem:$0x3FAD] =	sst s6  }
0xf: {  	[smem:$0x3FAE] =	sst s7  }
0x10: {  	[smem:$0x3FAF] =	sst s8  }
0x11: {  	[smem:$0x3FB0] =	sst s9;
	s0 =	simm.s32 @!p0 $0x0  }
0x12: {  	s1 =	sld [smem:$0x3F96];
	s0 =	simm.s32 @p0 $0x1  }
0x13: {  	[smem:$0x3FB1] =	sst s0;
	s0 =	simm.s32 @!p1 $0x0  }
0x14: {  	s2 =	sld [smem:$0x3F95];
	s0 =	simm.s32 @p1 $0x1  }
0x15: {  	[smem:$0x3FB2] =	sst s0;
	s0 =	simm.s32 @!p2 $0x0  }
0x16: {  	s3 =	sld [smem:$0x3FDB];
	s0 =	simm.s32 @p2 $0x1  }
0x17: {  	s4 =	simm.s32 $0x1BF5;
	[smem:$0x3FB4] =	sst s0  }
0x18: {  	s0 =	sld [smem:$0x3F97];
	_ =	swait.ge [sflag:s4], $0x0  }
0x19: {  	s7 =	sld [smem:$0x3F98]  }
0x1a: {  	s8 =	sadd.s32 $0xFFFFE003, lr  }
0x1b: {  	s9 =	sadd.s32 $0xFFFFFEF7, lr;
	s5 =	simm.s32 $0xFFFFFFFF;
	p2 =	slt.u32 s8, $0xFFFFF086  }
0x1c: {  	p1 =	slt.u32 s9, $0xF7A;
	s5 =	simm.s32 @!p2 $0x0  }
0x1d: {  	s5 =	simm.s32 @p1 $0x1;
	p0 =	seq.s32 s7, s2  }
0x1e: {  	s7 =	smul.u32 @!p0 $0xF7A, s2;
	p2 =	seq.s32 @!p0 s5, $0x0  }
0x1f: {  	s9 =	smul.u32 $0xF7A, s1;
	s8 =	simm.s32 @!p0 $0x1BF5;
	p2 =	por !p2, p0  }
0x20: {  	[sflag:s8] =	ssyncset.s32 @!p0 $0xFFFFF086;
	s6 =	sadd.s32 @!p0 s3, s7;
	s7 =	simm.s32 @!p0 $0x108  }
0x21: {  	s3 =	sadd.s32 s3, s9;
	s6 =	sadd.s32 @!p0 $0x88, s6;
	s7 =	simm.s32 @p2 $0x1082  }
0x22: {  	[simem:s7], [sflag:s8] =	dma.local @!p0 [hbm:s6], $0xF7A  }
0x23: {  	s9 =	sor.u32 $0xD0000000, s2;
	s6 =	simm.s32 $0x108;
	_ =	swait.ge @!p0 [sflag:s8], $0x0  }
0x24: {  	s3 =	sadd.s32 $0x88, s3;
	s6 =	simm.s32 @!p1 $0x1082;
	[sflag:s4] =	ssyncset.s32 $0xFFFFF086  }
0x25: {  	[simem:s6], [sflag:s4] =	dma.local [hbm:s3], $0xF7A  }
0x26: {  	[smem:$0x3F98] =	sst s1;
	(tag) =	ssettag s2;
	_ =	strace s9  }
0x27: {  	s1 =	sld [smem:$0x3FA8]  }
0x28: {  	s2 =	sld [smem:$0x3FA9]  }
0x29: {  	s4 =	sld [smem:$0x3FAB]  }
0x2a: {  	p0 =	seq.s32 s5, $0x0;
	s5 =	sld [smem:$0x3FAC]  }
0x2b: {  	s6 =	sld [smem:$0x3FAD]  }
0x2c: {  	s7 =	sld [smem:$0x3FAE]  }
0x2d: {  	s3 =	simm.s32 $0x108;
	s8 =	sld [smem:$0x3FAF]  }
0x2e: {  	s3 =	simm.s32 @!p0 $0x1082;
	s9 =	sld [smem:$0x3FB0]  }
0x2f: {  	lr =	sadd.s32 s0, s3;
	s0 =	sld [smem:$0x3FA7]  }
0x30: {  	s3 =	sld [smem:$0x3FAA]  }
0x31: {  	[smem:$0x3FB3] =	sst s10  }
0x32: {  	s10 =	sld [smem:$0x3FB1];
	_ =	sdelay $0x3  }
0x33: {  	p0 =	seq.s32 s10, $0x1;
	s10 =	sld [smem:$0x3FB3];
	_ =	sdelay $0x3  }
0x34: {  	[smem:$0x3FB3] =	sst s10  }
0x35: {  	s10 =	sld [smem:$0x3FB2];
	_ =	sdelay $0x3  }
0x36: {  	p1 =	seq.s32 s10, $0x1;
	s10 =	sld [smem:$0x3FB3];
	_ =	sdelay $0x3  }
0x37: {  	[smem:$0x3FB3] =	sst s10  }
0x38: {  	s10 =	sld [smem:$0x3FB4]  }
0x39: {  	_ = 	snop;
	(pc) =	sbr.ind lr, $3  }
0x3a: {  	_ = 	snop  }
0x3b: {  	_ = 	snop  }
0x3c: {  	p2 =	seq.s32 s10, $0x1;
	s10 =	sld [smem:$0x3FB3]  }
0x3d: {  	_ =	shalt  }
0x3e: {  	_ =	shalt  }
0x3f: {  	_ =	shalt  }
0x40: {  	_ =	shalt  }
0x41: {  	_ =	shalt  }
0x42: {  	_ =	shalt  }
0x43: {  	_ =	shalt  }
0x44: {  	_ =	shalt  }
0x45: {  	_ =	shalt  }
0x46: {  	_ =	shalt  }
0x47: {  	_ =	shalt  }
0x48: {  	_ =	shalt  }
0x49: {  	_ =	shalt  }
0x4a: {  	_ =	shalt  }
0x4b: {  	_ =	shalt  }
0x4c: {  	_ =	shalt  }
0x4d: {  	_ =	shalt  }
0x4e: {  	_ =	shalt  }
0x4f: {  	_ =	shalt  }
0x50: {  	_ =	shalt  }
0x51: {  	_ =	shalt  }
0x52: {  	_ =	shalt  }
0x53: {  	_ =	shalt  }
0x54: {  	_ =	shalt  }
0x55: {  	_ =	shalt  }
0x56: {  	_ =	shalt  }
0x57: {  	_ =	shalt  }
0x58: {  	_ =	shalt  }
0x59: {  	_ =	shalt  }
0x5a: {  	_ =	shalt  }
0x5b: {  	_ =	shalt  }
0x5c: {  	_ =	shalt  }
0x5d: {  	_ =	shalt  }
0x5e: {  	_ =	shalt  }
0x5f: {  	_ =	shalt  }
0x60: {  	_ =	shalt  }
0x61: {  	_ =	shalt  }
0x62: {  	_ =	shalt  }
0x63: {  	_ =	shalt  }
0x64: {  	_ =	shalt  }
0x65: {  	_ =	shalt  }
0x66: {  	_ =	shalt  }
0x67: {  	_ =	shalt  }
0x68: {  	_ =	shalt  }
0x69: {  	_ =	shalt  }
0x6a: {  	_ =	shalt  }
0x6b: {  	_ =	shalt  }
0x6c: {  	_ =	shalt  }
0x6d: {  	_ =	shalt  }
0x6e: {  	_ =	shalt  }
0x6f: {  	_ =	shalt  }
0x70: {  	_ =	shalt  }
0x71: {  	_ =	shalt  }
0x72: {  	_ =	shalt  }
0x73: {  	_ =	shalt  }
0x74: {  	_ =	shalt  }
0x75: {  	_ =	shalt  }
0x76: {  	_ =	shalt  }
0x77: {  	_ =	shalt  }
0x78: {  	_ =	shalt  }
0x79: {  	_ =	shalt  }
0x7a: {  	_ =	shalt  }
0x7b: {  	_ =	shalt  }
0x7c: {  	_ =	shalt  }
0x7d: {  	_ =	shalt  }
0x7e: {  	_ =	shalt  }
0x7f: {  	_ =	shalt  }
0x80: {  	_ =	shalt  }
0x81: {  	_ =	shalt  }
0x82: {  	_ =	shalt  }
0x83: {  	_ =	shalt  }
0x84: {  	_ =	shalt  }
0x85: {  	_ =	shalt  }
0x86: {  	_ =	shalt  }
0x87: {  	_ =	shalt  }
.Lfunc_end0:
.L_simem_size_0:
called_computation_lowered:
.L_overlay_start_0:
0x88: {  	s2 =	sld [smem:$0x3FD9]  }
0x89: {  	s3 =	sld [smem:$0x3FFE];
	_ =	sdelay $0x1  }
0x8a: {  	s1 =	srdreg.scid  }
0x8b: {  	s0 =	sand.u32 $0x1, s1  }
0x8c: {  	s16 =	sshll.u32 s0, $0xA;
	s2 =	sadd.s32 s3, s2  }
0x8d: {  	s2 =	sadd.s32 s2, s16  }
0x8e: {  	[smem:$0x3FBF] =	sst s2  }
0x8f: {  	_ = 	snop  }
0x90: {  	(tm) =	ssettm $0x1  }
0x91: {  	s17 =	sld [smem:$0x3FFB];
	_ =	sdelay $0x3  }
0x92: {  	_ =	strace s17  }
0x93: {  	s2 =	sld [smem:$0x3FFC];
	_ =	sdelay $0x3  }
0x94: {  	_ =	strace s2  }
0x95: {  	s2 =	sld [smem:$0x3FFD];
	_ =	sdelay $0x3  }
0x96: {  	_ =	strace s2  }
0x97: {  	_ =	strace $0x8FFFFFFF  }
0x98: {  	s18 =	sld [smem:$0x3FDB];
	_ =	sdelay $0x1  }
0x99: {  	s19 =	simm.s32 $_scs_section_size  }
0x9a: {  	s4 =	simm.s32 $_size__tile_overlayer_lowered;
	s5 =	simm.s32 $_tile_overlayer_lowered  }
0x9b: {  	s22 =	simm.s32 $0x1BFF;
	s21 =	sshll.u32 s5, $0x1;
	s2 =	sadd.s32 s19, s18  }
0x9c: {  	s6 =	simm.s32 $0x0;
	s20 =	sshll.u32 s4, $0x1;
	s4 =	sadd.s32 s21, s2  }
0x9d: {  	[timem:s6], [sflag:s22] =	dma.local [hbm:s4], s20  }
0x9e: {  	_ =	swait.ge [sflag:s22], s20  }
0x9f: {  	s3 =	ssub.s32 $0x0, s20;
	[sflag:s22] =	ssyncset.done $0x0  }
0xa0: {  	[sflag:s22] =	ssyncadd.s32 s3;
	_ =	sdelay $0x1  }
0xa1: {  	s23 =	simm.s32 $0x1B8B  }
0xa2: {  	_ =	swait.ge [sflag:s23], $0x1  }
0xa3: {  	[sflag:s23] =	ssyncset.done $0x0  }
0xa4: {  	s25 =	simm.s32 $0x1B8E;
	s24 =	sld [smem:$0x3FFE];
	[sflag:s23] =	ssyncadd.s32 $0xFFFFFFFF  }
0xa5: {  	s26 =	simm.s32 $execute0_lowered;
	[smem:$0x3FD2] =	sst s25  }
0xa6: {  	s4 =	sshll.u32 s26, $0x1;
	_ =	strace $0x80000046;
	[dreg:$0x1] =	wrdreg $0xFFFFFFFF  }
0xa7: {  	s28 =	simm.s32 $_size_execute0_lowered;
	s2 =	sadd.s32 s2, s4;
	[dreg:$0x0] =	wrdreg $0x0  }
0xa8: {  	s4 =	sshll.u32 s28, $0x1;
	[dreg:$0x2] =	wrdreg s2  }
0xa9: {  	[dreg:$0x3] =	wrdreg s4  }
0xaa: {  	[dreg:$0x4] =	wrdreg $0xC0  }
0xab: {  	_ =	task [dreg:s6], $0x5FFFF  }
0xac: {  	[dreg:$0x1] =	wrdreg $0xFFFFFFFF  }
0xad: {  	[dreg:$0x0] =	wrdreg $0x60  }
0xae: {  	[dreg:$0x2] =	wrdreg s24  }
0xaf: {  	[dreg:$0x3] =	wrdreg $0x54000  }
0xb0: {  	[dreg:$0x4] =	wrdreg $0x9  }
0xb1: {  	_ =	task.clear_ibuf [dreg:s6], $0x5FFFF;
	_ =	strace $0x90000046  }
0xb2: {  	s29 =	simm.s32 $0x9;
	_ =	strace $0x80000048  }
0xb3: {  	_ =	swait.ge [sflag:s29], $0x1  }
0xb4: {  	[sflag:s29] =	ssyncadd.s32 $0xFFFFFFFF  }
0xb5: {  	_ =	strace $0x90000048  }
0xb6: {  	_ =	sfence  }
0xb7: {  	s30 =	sld [smem:$0x0];
	_ =	sdelay $0x2  }
0xb8: {  	s31 =	sshll.u32 s1, $0xD;
	s1 =	sshrl.u32 s1, $0x2  }
0xb9: {  	s3 =	sand.u32 $0x4000, s31;
	s1 =	sadd.s32 s1, s30  }
0xba: {  	s0 =	sor.u32 s3, s0;
	s1 =	sshll.u32 s1, $0x11  }
0xbb: {  	s0 =	sor.u32 s1, s0  }
0xbc: {  	s0 =	sadd.s32 $0x8F2B, s0  }
0xbd: {  	[sflag:s0] =	ssyncadd.remote.s32 $0x1  }
0xbe: {  	_ =	sfence.sel $0xFFFF  }
0xbf: {  	[dreg:$0x0] =	wrdreg $0xFFFFFFFF;
	(pc) =	sbr.abs _section_cstart, $3  }
0xc0: {  	[dreg:$0x1] =	wrdreg $0xFFFFFFFF  }
0xc1: {  	_ =	task.clear_ibuf [dreg:s6], $0x2FFFF;
	_ =	strace $0x9FFFFFFF  }
0xc2: {  	(tm) =	ssettm $0x7FFFFFFF  }
0xc3: {  	_ =	shalt  }
tec
execute0_lowered:
.L_overlay_start_1:
0x0: {  	(tag) =	ssettag $0x1  }
0x1: {  	s0 =	srdreg.scid;
	s1 =	rddreg [dreg:$0x0]  }
0x2: {  	s7 =	stileid.u32;
	s2 =	rddreg [dreg:$0x1]  }
0x3: {  	s17 =	simm.s32 $0x2;
	s18 =	simm.s32 $0x80;
	s19 =	simm.s32 $0xF00  }
0x4: {  	s20 =	simm.s32 $0xF80;
	s21 =	simm.s32 $0x1000;
	s22 =	simm.s32 $0x1080  }
0x5: {  	s23 =	simm.s32 $0x1100;
	s24 =	simm.s32 $0x1180;
	s28 =	simm.s32 $0x1300  }
0x6: {  	s29 =	simm.s32 $0x1380;
	s30 =	simm.s32 $0x1;
	s5 =	smul.u32 $0x50000, s7  }
0x7: {  	s31 =	simm.s32 $0x0;
	s0 =	sand.u32 $0x1, s0;
	s8 =	smul.u32 $0x14000, s7  }
0x8: {  	s3 =	sshll.u32 s0, $0x4;
	s25 =	ssub.s32 $0x2, s0;
	s0 =	smul.u32 $0x140000, s0  }
0x9: {  	s4 =	sor.u32 s7, s3;
	s3 =	simm.s32 $0x0;
	s6 =	sshrl.u32 s25, $0x1  }
0xa: {  	s5 =	sshrl.u32 s5, $0x2;
	s10 =	sadd.s32 $0x4000, s8;
	s12 =	sadd.s32 $0x8000, s8  }
0xb: {  	s13 =	sadd.s32 $0xC000, s8;
	s14 =	sadd.s32 $0x10000, s8;
	s4 =	smul.u32 $0x280, s4  }
0xc: {  	[smem:$0x7FF] =	sst s3;
	s15 =	ssub.s32 s25, s6;
	s6 =	sadd.s32 s12, s2  }
0xd: {  	s7 =	sadd.s32 s13, s2;
	s11 =	sadd.s32 s8, s0;
	s8 =	sadd.s32 s14, s2  }
0xe: {  	s16 =	sadd.s32 s0, s10;
	s12 =	sadd.s32 s0, s12;
	s13 =	sadd.s32 s0, s13  }
0xf: {  	s0 =	sadd.s32 s0, s14;
	s25 =	simm.s32 $0x1200;
	_ =	strace $0x80000047  }
0x10: {  	s11 =	sshrl.u32 s11, $0x3;
	s26 =	sshrl.u32 s16, $0x3;
	s12 =	sshrl.u32 s12, $0x3  }
0x11: {  	s13 =	sshrl.u32 s13, $0x3;
	s0 =	sshrl.u32 s0, $0x3;
	s15 =	smax.u32 s15, $0x1  }
0x12: {  	s16 =	simm.s32 $0x1400;
	s9 =	sadd.s32 s4, s1;
	s1 =	sadd.s32 $0x7800, s1  }
0x13: {  	s4 =	sadd.s32 s5, s2;
	s5 =	sadd.s32 s10, s2;
	s9 =	sadd.s32 $0x2800, s9  }
0x14: {  	s10 =	sadd.s32 s1, s11;
	s11 =	sadd.s32 s1, s26;
	s12 =	sadd.s32 s1, s12  }
0x15: {  	v0 =	vimm.f32 $0.0e+00;
	v1 =	vimm.f32 $1.000000000e+00;
	s13 =	sadd.s32 s1, s13;
	s14 =	sadd.s32 s1, s0;
	s26 =	simm.s32 $0x1280  }
.LBB2_1:
0x16: {  	s1 =	simm.s32 $0x0;
	s0 =	simm.s32 $0x200  }
.LBB2_2:
0x17: {  	p0 =	sne.s32 s0, $0xFE00;
	[tilespmem:s1+$0x1470] =	vst v0  }
0x18: {  	[tilespmem:s1+$0x1400] =	vst v0  }
0x19: {  	[tilespmem:s1+$0x1410] =	vst v0  }
.Ltmp0:
0x1a: {  	[tilespmem:s1+$0x1420] =	vst v0;
	(pc) =	sbr.rel @p0 .LBB2_2-.Ltmp0, $4  }
0x1b: {  	[tilespmem:s1+$0x1430] =	vst v0  }
0x1c: {  	[tilespmem:s1+$0x1440] =	vst v0  }
0x1d: {  	[tilespmem:s1+$0x1450] =	vst v0  }
0x1e: {  	[tilespmem:s1+$0x1460] =	vst v0;
	s1 =	sshra.s32 s0, $0x2;
	s0 =	sadd.s32 $0x200, s0  }
0x1f: {  	[tilespmem:s1+$0x1470] =	vst v0  }
0x20: {  	[tilespmem:s1+$0x1400] =	vst v0  }
0x21: {  	[tilespmem:s1+$0x1410] =	vst v0  }
0x22: {  	[tilespmem:s1+$0x1420] =	vst v0  }
0x23: {  	[tilespmem:s1+$0x1430] =	vst v0  }
0x24: {  	[tilespmem:s1+$0x1440] =	vst v0  }
0x25: {  	[tilespmem:s1+$0x1450] =	vst v0  }
0x26: {  	[tilespmem:s1+$0x1460] =	vst v0  }
0x27: {  	[spmem:s4] =	stream.linear.scatter [tilespmem:s16], [sflag:$0x2], $0x4000, $0x38;
	[tilespmem:$0x19400] =	vst v63  }
0x28: {  	_ =	swait.ge [sflag:s17], $0x4000  }
0x29: {  	[sflag:s17] =	ssyncset.done $0x0  }
0x2a: {  	[sflag:s17] =	ssyncadd.s32 $0xFFFFC000  }
0x2b: {  	[spmem:s5] =	stream.linear.scatter [tilespmem:s16], [sflag:$0x2], $0x4000, $0x38;
	[tilespmem:$0x19400] =	vst v63  }
0x2c: {  	_ =	swait.ge [sflag:s17], $0x4000  }
0x2d: {  	[sflag:s17] =	ssyncset.done $0x0  }
0x2e: {  	[sflag:s17] =	ssyncadd.s32 $0xFFFFC000  }
0x2f: {  	[spmem:s6] =	stream.linear.scatter [tilespmem:s16], [sflag:$0x2], $0x4000, $0x38;
	[tilespmem:$0x19400] =	vst v63  }
0x30: {  	_ =	swait.ge [sflag:s17], $0x4000  }
0x31: {  	[sflag:s17] =	ssyncset.done $0x0  }
0x32: {  	[sflag:s17] =	ssyncadd.s32 $0xFFFFC000  }
0x33: {  	[spmem:s7] =	stream.linear.scatter [tilespmem:s16], [sflag:$0x2], $0x4000, $0x38;
	[tilespmem:$0x19400] =	vst v63  }
0x34: {  	_ =	swait.ge [sflag:s17], $0x4000  }
0x35: {  	[sflag:s17] =	ssyncset.done $0x0  }
0x36: {  	[sflag:s17] =	ssyncadd.s32 $0xFFFFC000  }
0x37: {  	[spmem:s8] =	stream.linear.scatter [tilespmem:s16], [sflag:$0x2], $0x4000, $0x38;
	[tilespmem:$0x19400] =	vst v63  }
0x38: {  	_ =	swait.ge [sflag:s17], $0x4000  }
0x39: {  	[sflag:s17] =	ssyncset.done $0x0  }
0x3a: {  	s1 =	simm.s32 $0x0;
	s0 =	simm.s32 $0x200;
	[sflag:s17] =	ssyncadd.s32 $0xFFFFC000  }
.LBB2_4:
0x3b: {  	p0 =	sne.s32 s0, $0xFE00;
	[tilespmem:s1+$0x1470] =	vst v1  }
0x3c: {  	[tilespmem:s1+$0x1400] =	vst v1  }
0x3d: {  	[tilespmem:s1+$0x1410] =	vst v1  }
.Ltmp1:
0x3e: {  	[tilespmem:s1+$0x1420] =	vst v1;
	(pc) =	sbr.rel @p0 .LBB2_4-.Ltmp1, $4  }
0x3f: {  	[tilespmem:s1+$0x1430] =	vst v1  }
0x40: {  	[tilespmem:s1+$0x1440] =	vst v1  }
0x41: {  	[tilespmem:s1+$0x1450] =	vst v1  }
0x42: {  	[tilespmem:s1+$0x1460] =	vst v1;
	s1 =	sshra.s32 s0, $0x2;
	s0 =	sadd.s32 $0x200, s0  }
0x43: {  	[tilespmem:s1+$0x1470] =	vst v1  }
0x44: {  	[tilespmem:s1+$0x1400] =	vst v1  }
0x45: {  	[tilespmem:s1+$0x1410] =	vst v1  }
0x46: {  	[tilespmem:s1+$0x1420] =	vst v1  }
0x47: {  	[tilespmem:s1+$0x1430] =	vst v1  }
0x48: {  	[tilespmem:s1+$0x1440] =	vst v1  }
0x49: {  	[tilespmem:s1+$0x1450] =	vst v1  }
0x4a: {  	[tilespmem:s1+$0x1460] =	vst v1  }
0x4b: {  	[tilespmem:s3], [sflag:$0x2] =	stream.linear.gather [hbm4b:s9+s3], $0x1400, $0x38;
	[tilespmem:$0x19400] =	vst v63  }
0x4c: {  	_ =	swait.ge [sflag:s17], $0x1400  }
0x4d: {  	[sflag:s17] =	ssyncset.done $0x0  }
0x4e: {  	[sflag:s17] =	ssyncadd.s32 $0xFFFFEC00  }
0x4f: {  	[bflag:$0x0] =	sbarrier.arrive $0xFFFF  }
0x50: {  	[spmem:s2] =	stream.indirect.scatter.add.f32 [tilespmem:s16], [sflag:$0x1], $0x80, s3, s18, $0xb8;
	[tilespmem:$0x19400] =	vst v63  }
0x51: {  	_ = 	snop  }
0x52: {  	[spmem:s2] =	stream.indirect.scatter.add.f32 [tilespmem:s16], [sflag:$0x1], $0x80, s18, s18, $0xb8;
	[tilespmem:$0x19400] =	vst v63  }
0x53: {  	s0 =	simm.s32 $0x100  }
0x54: {  	[spmem:s2] =	stream.indirect.scatter.add.f32 [tilespmem:s16], [sflag:$0x1], $0x80, s0, s18, $0xb8;
	[tilespmem:$0x19400] =	vst v63  }
0x55: {  	s1 =	simm.s32 $0x180  }
0x56: {  	[spmem:s2] =	stream.indirect.scatter.add.f32 [tilespmem:s16], [sflag:$0x1], $0x80, s1, s18, $0xb8;
	[tilespmem:$0x19400] =	vst v63  }
0x57: {  	s1 =	simm.s32 $0x200  }
0x58: {  	[spmem:s2] =	stream.indirect.scatter.add.f32 [tilespmem:s16], [sflag:$0x1], $0x80, s1, s18, $0xb8;
	[tilespmem:$0x19400] =	vst v63  }
0x59: {  	s1 =	simm.s32 $0x280  }
0x5a: {  	[spmem:s2] =	stream.indirect.scatter.add.f32 [tilespmem:s16], [sflag:$0x1], $0x80, s1, s18, $0xb8;
	[tilespmem:$0x19400] =	vst v63  }
0x5b: {  	s1 =	simm.s32 $0x300  }
0x5c: {  	[spmem:s2] =	stream.indirect.scatter.add.f32 [tilespmem:s16], [sflag:$0x1], $0x80, s1, s18, $0xb8;
	[tilespmem:$0x19400] =	vst v63  }
0x5d: {  	s1 =	simm.s32 $0x380  }
0x5e: {  	[spmem:s2] =	stream.indirect.scatter.add.f32 [tilespmem:s16], [sflag:$0x1], $0x80, s1, s18, $0xb8;
	[tilespmem:$0x19400] =	vst v63  }
0x5f: {  	s1 =	simm.s32 $0x400  }
0x60: {  	[spmem:s2] =	stream.indirect.scatter.add.f32 [tilespmem:s16], [sflag:$0x1], $0x80, s1, s18, $0xb8;
	[tilespmem:$0x19400] =	vst v63  }
0x61: {  	s1 =	simm.s32 $0x480  }
0x62: {  	[spmem:s2] =	stream.indirect.scatter.add.f32 [tilespmem:s16], [sflag:$0x1], $0x80, s1, s18, $0xb8;
	[tilespmem:$0x19400] =	vst v63  }
0x63: {  	s1 =	simm.s32 $0x500  }
0x64: {  	[spmem:s2] =	stream.indirect.scatter.add.f32 [tilespmem:s16], [sflag:$0x1], $0x80, s1, s18, $0xb8;
	[tilespmem:$0x19400] =	vst v63  }
0x65: {  	s1 =	simm.s32 $0x580  }
0x66: {  	[spmem:s2] =	stream.indirect.scatter.add.f32 [tilespmem:s16], [sflag:$0x1], $0x80, s1, s18, $0xb8;
	[tilespmem:$0x19400] =	vst v63  }
0x67: {  	s1 =	simm.s32 $0x600  }
0x68: {  	[spmem:s2] =	stream.indirect.scatter.add.f32 [tilespmem:s16], [sflag:$0x1], $0x80, s1, s18, $0xb8;
	[tilespmem:$0x19400] =	vst v63  }
0x69: {  	s1 =	simm.s32 $0x680  }
0x6a: {  	[spmem:s2] =	stream.indirect.scatter.add.f32 [tilespmem:s16], [sflag:$0x1], $0x80, s1, s18, $0xb8;
	[tilespmem:$0x19400] =	vst v63  }
0x6b: {  	s1 =	simm.s32 $0x700  }
0x6c: {  	[spmem:s2] =	stream.indirect.scatter.add.f32 [tilespmem:s16], [sflag:$0x1], $0x80, s1, s18, $0xb8;
	[tilespmem:$0x19400] =	vst v63  }
0x6d: {  	s1 =	simm.s32 $0x780  }
0x6e: {  	[spmem:s2] =	stream.indirect.scatter.add.f32 [tilespmem:s16], [sflag:$0x1], $0x80, s1, s18, $0xb8;
	[tilespmem:$0x19400] =	vst v63  }
0x6f: {  	s1 =	simm.s32 $0x800  }
0x70: {  	[spmem:s2] =	stream.indirect.scatter.add.f32 [tilespmem:s16], [sflag:$0x1], $0x80, s1, s18, $0xb8;
	[tilespmem:$0x19400] =	vst v63  }
0x71: {  	s1 =	simm.s32 $0x880  }
0x72: {  	[spmem:s2] =	stream.indirect.scatter.add.f32 [tilespmem:s16], [sflag:$0x1], $0x80, s1, s18, $0xb8;
	[tilespmem:$0x19400] =	vst v63  }
0x73: {  	s1 =	simm.s32 $0x900  }
0x74: {  	[spmem:s2] =	stream.indirect.scatter.add.f32 [tilespmem:s16], [sflag:$0x1], $0x80, s1, s18, $0xb8;
	[tilespmem:$0x19400] =	vst v63  }
0x75: {  	s1 =	simm.s32 $0x980  }
0x76: {  	[spmem:s2] =	stream.indirect.scatter.add.f32 [tilespmem:s16], [sflag:$0x1], $0x80, s1, s18, $0xb8;
	[tilespmem:$0x19400] =	vst v63  }
0x77: {  	s1 =	simm.s32 $0xA00  }
0x78: {  	[spmem:s2] =	stream.indirect.scatter.add.f32 [tilespmem:s16], [sflag:$0x1], $0x80, s1, s18, $0xb8;
	[tilespmem:$0x19400] =	vst v63  }
0x79: {  	s1 =	simm.s32 $0xA80  }
0x7a: {  	[spmem:s2] =	stream.indirect.scatter.add.f32 [tilespmem:s16], [sflag:$0x1], $0x80, s1, s18, $0xb8;
	[tilespmem:$0x19400] =	vst v63  }
0x7b: {  	s1 =	simm.s32 $0xB00  }
0x7c: {  	[spmem:s2] =	stream.indirect.scatter.add.f32 [tilespmem:s16], [sflag:$0x1], $0x80, s1, s18, $0xb8;
	[tilespmem:$0x19400] =	vst v63  }
0x7d: {  	s1 =	simm.s32 $0xB80  }
0x7e: {  	[spmem:s2] =	stream.indirect.scatter.add.f32 [tilespmem:s16], [sflag:$0x1], $0x80, s1, s18, $0xb8;
	[tilespmem:$0x19400] =	vst v63  }
0x7f: {  	s1 =	simm.s32 $0xC00  }
0x80: {  	[spmem:s2] =	stream.indirect.scatter.add.f32 [tilespmem:s16], [sflag:$0x1], $0x80, s1, s18, $0xb8;
	[tilespmem:$0x19400] =	vst v63  }
0x81: {  	s1 =	simm.s32 $0xC80  }
0x82: {  	[spmem:s2] =	stream.indirect.scatter.add.f32 [tilespmem:s16], [sflag:$0x1], $0x80, s1, s18, $0xb8;
	[tilespmem:$0x19400] =	vst v63  }
0x83: {  	s1 =	simm.s32 $0xD00  }
0x84: {  	[spmem:s2] =	stream.indirect.scatter.add.f32 [tilespmem:s16], [sflag:$0x1], $0x80, s1, s18, $0xb8;
	[tilespmem:$0x19400] =	vst v63  }
0x85: {  	s1 =	simm.s32 $0xD80  }
0x86: {  	[spmem:s2] =	stream.indirect.scatter.add.f32 [tilespmem:s16], [sflag:$0x1], $0x80, s1, s18, $0xb8;
	[tilespmem:$0x19400] =	vst v63  }
0x87: {  	s1 =	simm.s32 $0xE00  }
0x88: {  	[spmem:s2] =	stream.indirect.scatter.add.f32 [tilespmem:s16], [sflag:$0x1], $0x80, s1, s18, $0xb8;
	[tilespmem:$0x19400] =	vst v63  }
0x89: {  	s1 =	simm.s32 $0xE80  }
0x8a: {  	[spmem:s2] =	stream.indirect.scatter.add.f32 [tilespmem:s16], [sflag:$0x1], $0x80, s1, s18, $0xb8;
	[tilespmem:$0x19400] =	vst v63  }
0x8b: {  	_ = 	snop  }
0x8c: {  	[spmem:s2] =	stream.indirect.scatter.add.f32 [tilespmem:s16], [sflag:$0x1], $0x80, s19, s18, $0xb8;
	[tilespmem:$0x19400] =	vst v63  }
0x8d: {  	_ = 	snop  }
0x8e: {  	[spmem:s2] =	stream.indirect.scatter.add.f32 [tilespmem:s16], [sflag:$0x1], $0x80, s20, s18, $0xb8;
	[tilespmem:$0x19400] =	vst v63  }
0x8f: {  	_ = 	snop  }
0x90: {  	[spmem:s2] =	stream.indirect.scatter.add.f32 [tilespmem:s16], [sflag:$0x1], $0x80, s21, s18, $0xb8;
	[tilespmem:$0x19400] =	vst v63  }
0x91: {  	_ = 	snop  }
0x92: {  	[spmem:s2] =	stream.indirect.scatter.add.f32 [tilespmem:s16], [sflag:$0x1], $0x80, s22, s18, $0xb8;
	[tilespmem:$0x19400] =	vst v63  }
0x93: {  	_ = 	snop  }
0x94: {  	[spmem:s2] =	stream.indirect.scatter.add.f32 [tilespmem:s16], [sflag:$0x1], $0x80, s23, s18, $0xb8;
	[tilespmem:$0x19400] =	vst v63  }
0x95: {  	_ = 	snop  }
0x96: {  	[spmem:s2] =	stream.indirect.scatter.add.f32 [tilespmem:s16], [sflag:$0x1], $0x80, s24, s18, $0xb8;
	[tilespmem:$0x19400] =	vst v63  }
0x97: {  	_ = 	snop  }
0x98: {  	[spmem:s2] =	stream.indirect.scatter.add.f32 [tilespmem:s16], [sflag:$0x1], $0x80, s25, s18, $0xb8;
	[tilespmem:$0x19400] =	vst v63  }
0x99: {  	_ = 	snop  }
0x9a: {  	[spmem:s2] =	stream.indirect.scatter.add.f32 [tilespmem:s16], [sflag:$0x1], $0x80, s26, s18, $0xb8;
	[tilespmem:$0x19400] =	vst v63  }
0x9b: {  	_ = 	snop  }
0x9c: {  	[spmem:s2] =	stream.indirect.scatter.add.f32 [tilespmem:s16], [sflag:$0x1], $0x80, s28, s18, $0xb8;
	[tilespmem:$0x19400] =	vst v63  }
0x9d: {  	_ = 	snop  }
0x9e: {  	[spmem:s2] =	stream.indirect.scatter.add.f32 [tilespmem:s16], [sflag:$0x1], $0x80, s29, s18, $0xb8;
	[tilespmem:$0x19400] =	vst v63  }
0x9f: {  	_ =	swait.ge [sflag:s30], $0x4000  }
0xa0: {  	s0 =	simm.s32 $0x27;
	[sflag:s30] =	ssyncset.done $0x0  }
.LBB2_6:
0xa1: {  	p0 =	sne.s32 s0, $0x1;
	s0 =	sadd.s32 $0xFFFFFFFF, s0;
	[sflag:s30] =	ssyncadd.s32 $0xFFFFC000  }
.Ltmp2:
0xa2: {  	(pc) =	sbr.rel @p0 .LBB2_6-.Ltmp2, $3  }
0xa3: {  	_ =	sdelay $0x1  }
0xa4: {  	_ =	swait.ge [sflag:s30], $0x4000  }
0xa5: {  	[sflag:s30] =	ssyncset.done $0x0  }
0xa6: {  	s0 =	stileid.u32  }
0xa7: {  	[sflag:s30] =	ssyncadd.s32 $0xFFFFC000;
	s0 =	sshll.u32 s0, $0x6  }
0xa8: {  	s1 =	sshrl.u32 s4, $0x3;
	[bflag:$0x0] =	sbarrier.arrive $0xFFFF;
	s0 =	sor.u32 $0x1C02, s0  }
0xa9: {  	[hbm:s10], [sflag:s0] =	dma.local [spmem:s1], $0x800  }
0xaa: {  	_ =	swait.ge [sflag:s17], $0x800  }
0xab: {  	[sflag:s17] =	ssyncset.done $0x0  }
0xac: {  	s1 =	sshrl.u32 s5, $0x3;
	[sflag:s17] =	ssyncadd.s32 $0xFFFFF800  }
0xad: {  	[hbm:s11], [sflag:s0] =	dma.local [spmem:s1], $0x800  }
0xae: {  	_ =	swait.ge [sflag:s17], $0x800  }
0xaf: {  	[sflag:s17] =	ssyncset.done $0x0  }
0xb0: {  	s1 =	sshrl.u32 s6, $0x3;
	[sflag:s17] =	ssyncadd.s32 $0xFFFFF800  }
0xb1: {  	[hbm:s12], [sflag:s0] =	dma.local [spmem:s1], $0x800  }
0xb2: {  	_ =	swait.ge [sflag:s17], $0x800  }
0xb3: {  	[sflag:s17] =	ssyncset.done $0x0  }
0xb4: {  	s1 =	sshrl.u32 s7, $0x3;
	[sflag:s17] =	ssyncadd.s32 $0xFFFFF800  }
0xb5: {  	[hbm:s13], [sflag:s0] =	dma.local [spmem:s1], $0x800  }
0xb6: {  	s31 =	sadd.s32 $0x1, s31;
	_ =	swait.ge [sflag:s17], $0x800  }
0xb7: {  	p0 =	sne.s32 s31, s15;
	[sflag:s17] =	ssyncset.done $0x0  }
.Ltmp3:
0xb8: {  	s1 =	sshrl.u32 s8, $0x3;
	[sflag:s17] =	ssyncadd.s32 $0xFFFFF800;
	(pc) =	sbr.rel @p0 .LBB2_1-.Ltmp3, $4  }
0xb9: {  	[hbm:s14], [sflag:s0] =	dma.local [spmem:s1], $0x800  }
0xba: {  	_ =	swait.ge [sflag:s17], $0x800  }
0xbb: {  	[sflag:s17] =	ssyncset.done $0x0  }
0xbc: {  	[sflag:s17] =	ssyncadd.s32 $0xFFFFF800  }
0xbd: {  	_ =	sfence.sel $0x180000  }
0xbe: {  	[bflag:$0x0] =	sbarrier.arrive $0xFFFF  }
0xbf: {  	_ =	strace $0x90000047  }
0xc0: {  	s0 =	stileid.u32;
	[bflag:$0x2] =	sbarrier.arrive $0xFFFF  }
0xc1: {  	p0 =	sne.s32 s0, $0x0;
	s0 =	rddreg [dreg:$0x2]  }
0xc2: {  	s0 =	sadd.s32 @!p0 $0x100000, s0  }
0xc3: {  	[sflag:s0] =	ssyncadd.tile.s32 @!p0 $0x1;
	_ =	shalt  }
.Lfunc_end2:
_tile_overlayer_lowered:
.L_overlay_start_2:
0xc4: {  	(tag) =	ssettag $0x2  }
0xc5: {  	s0 =	rddreg [dreg:$0x0];
	s2 =	stileid.u32  }
0xc6: {  	s1 =	rddreg [dreg:$0x1];
	p0 =	sne.s32 s2, $0x0  }
0xc7: {  	s3 =	rddreg [dreg:$0x2];
	[bflag:$0x3] =	sbarrier.arrive $0xFFFF;
	s2 =	simm.s32 @!p0 $0x1C02  }
0xc8: {  	[timem:s3], [sflag:s2] =	dma.local @!p0 [hbm:s0], s1  }
0xc9: {  	s0 =	simm.s32 @!p0 $0x2  }
0xca: {  	_ =	swait.ge @!p0 [sflag:s0], s1  }
0xcb: {  	s1 =	ssub.s32 @!p0 $0x0, s1;
	[sflag:s0] =	ssyncset.done @!p0 $0x0  }
0xcc: {  	[sflag:s0] =	ssyncadd.s32 @!p0 s1  }
0xcd: {  	[bflag:$0x3] =	sbarrier.arrive $0xFFFF  }
0xce: {  	_ =	shalt  }

</sc_bundles>
